<compile_context>
chip_gen: v7x
topology: tpu7x:2x2x1
jax: 0.10.2.dev20260603
libtpu: 0.0.44.dev20260713+nightly
codegen_flags: <defaults>
</compile_context>

<pallas_src>
import functools

import jax
import jax.numpy as jnp
from jax import lax
from jax.experimental import pallas as pl
from jax.experimental.pallas import tpu as pltpu
from jax.experimental.pallas import tpu_sc as plsc

N = 10000
E = 320000
D = 128
C_OUT = 47
C_PAD = 64

NPAD = 10240
CHUNK = 64
NCHUNKS = 5120
EPAD = NCHUNKS * CHUNK
NW = 32
CHUNKS_PER_W = NCHUNKS // NW
ROWS_PER_TILE = NPAD // 16


def _make_sc_pass(width, with_deg, n0):
    mesh = plsc.VectorSubcoreMesh(core_axis_name="c", subcore_axis_name="s")
    nbuf = 4 if width > 64 else 8
    blk = 8
    n1 = 2 * CHUNKS_PER_W - n0
    assert n0 % blk == 0 and n1 % blk == 0
    out_type = [jax.ShapeDtypeStruct((2, NPAD, width), jnp.float32)]
    scratch = [
        pltpu.VMEM_SHARED((NPAD, width), jnp.float32),
        pltpu.VMEM((blk, CHUNK), jnp.int32),
        pltpu.VMEM((blk, CHUNK), jnp.int32),
    ] + [pltpu.VMEM((CHUNK, width), jnp.float32) for _ in range(nbuf)] \
      + [pltpu.SemaphoreType.DMA for _ in range(2 * nbuf + 1)]
    if with_deg:
        out_type.append(jax.ShapeDtypeStruct((2, NPAD, 16), jnp.float32))
        scratch += [
            pltpu.VMEM_SHARED((NPAD, 16), jnp.float32),
            pltpu.VMEM((CHUNK, 16), jnp.float32),
        ]

    def body(*refs):
        if with_deg:
            (table, src2d, dst2d, zero_w, zero_d, ones_hbm, outp, degp,
             agg_sp, sidx, didx, *rest) = refs
            msgs, sems = rest[:nbuf], rest[nbuf:2 * nbuf]
            ssems, dsem = rest[2 * nbuf:3 * nbuf], rest[3 * nbuf]
            deg_sp, ones_v = rest[3 * nbuf + 1:]
        else:
            (table, src2d, dst2d, zero_w, outp,
             agg_sp, sidx, didx, *rest) = refs
            msgs, sems = rest[:nbuf], rest[nbuf:2 * nbuf]
            ssems, dsem = rest[2 * nbuf:3 * nbuf], rest[3 * nbuf]
        cid = lax.axis_index("c")
        sid = lax.axis_index("s")
        base = jnp.where(cid == 0, sid * n0, 16 * n0 + sid * n1)
        nblk_self = jnp.where(cid == 0, n0 // blk, n1 // blk)
        row0 = sid * ROWS_PER_TILE
        rows = pl.ds(row0, ROWS_PER_TILE)

        with jax.named_scope("sc_zero_fill"):
            pltpu.sync_copy(zero_w, agg_sp.at[rows])
            if with_deg:
                pltpu.sync_copy(zero_d, deg_sp.at[rows])
                pltpu.sync_copy(ones_hbm, ones_v)
            plsc.subcore_barrier()

        with jax.named_scope("sc_edge_loop"):
            @pl.loop(0, nblk_self)
            def _(k):
                c0 = base + k * blk
                pltpu.sync_copy(src2d.at[pl.ds(c0, blk)], sidx)
                pltpu.sync_copy(dst2d.at[pl.ds(c0, blk)], didx)
                for b in range(nbuf):
                    pltpu.async_copy(table.at[sidx.at[b]], msgs[b], sems[b])
                for j in range(blk):
                    m = j % nbuf
                    pltpu.make_async_copy(table.at[sidx.at[j]], msgs[m],
                                          sems[m]).wait()
                    pltpu.async_copy(msgs[m], agg_sp.at[didx.at[j]],
                                     ssems[m], add=True)
                    if with_deg:
                        pltpu.async_copy(ones_v, deg_sp.at[didx.at[j]],
                                         dsem, add=True)
                    if j + nbuf < blk:
                        pltpu.make_async_copy(msgs[m], agg_sp.at[didx.at[j]],
                                              ssems[m]).wait()
                        pltpu.async_copy(table.at[sidx.at[j + nbuf]],
                                         msgs[m], sems[m])
                for j in range(blk - nbuf, blk):
                    m = j % nbuf
                    pltpu.make_async_copy(msgs[m], agg_sp.at[didx.at[j]],
                                          ssems[m]).wait()
                if with_deg:
                    for j in range(blk):
                        pltpu.make_async_copy(ones_v, deg_sp.at[didx.at[j]],
                                              dsem).wait()

        with jax.named_scope("sc_writeback"):
            plsc.subcore_barrier()
            pltpu.sync_copy(agg_sp.at[rows], outp.at[cid, rows])
            if with_deg:
                pltpu.sync_copy(deg_sp.at[rows], degp.at[cid, rows])

    return pl.kernel(body, out_type=out_type, mesh=mesh,
                     scratch_types=scratch,
                     compiler_params=pltpu.CompilerParams(
                         use_tc_tiling_on_sc=False))


def _dot(a, b):
    return lax.dot_general(a, b, (((1,), (0,)), ((), ())),
                           precision=lax.Precision.HIGHEST,
                           preferred_element_type=jnp.float32)


def _tc_self0_body(x_ref, ws0_ref, b0_ref, s0_ref):
    s0_ref[...] = _dot(x_ref[...], ws0_ref[...]) + b0_ref[...]


def _tc_layer_a_body(s0_ref, p_ref, degp_ref, wn0_ref, ws1_ref,
                     wn1_ref, b1_ref, z1_ref, s_ref):
    deg = jnp.maximum(degp_ref[0, :, 0:1] + degp_ref[1, :, 0:1], 1.0)
    m = (p_ref[0] + p_ref[1]) / deg
    h1 = jnp.maximum(s0_ref[...] + _dot(m, wn0_ref[...]), 0.0)
    z1_ref[...] = _dot(h1, wn1_ref[...])
    s_ref[...] = _dot(h1, ws1_ref[...]) + b1_ref[...]


def _tc_layer_b_body(q_ref, degp_ref, s_ref, out_ref):
    deg = jnp.maximum(degp_ref[0, :, 0:1] + degp_ref[1, :, 0:1], 1.0)
    out = s_ref[...] + (q_ref[0] + q_ref[1]) / deg
    out_ref[...] = out[:, :C_OUT]


_TC_R = 1000


def _tc_self0(x, ws0, b0):
    return pl.pallas_call(
        _tc_self0_body,
        grid=(N // _TC_R,),
        in_specs=[
            pl.BlockSpec((_TC_R, D), lambda i: (i, 0)),
            pl.BlockSpec((D, D), lambda i: (0, 0)),
            pl.BlockSpec((1, D), lambda i: (0, 0)),
        ],
        out_specs=pl.BlockSpec((_TC_R, D), lambda i: (i, 0)),
        out_shape=jax.ShapeDtypeStruct((N, D), jnp.float32),
    )(x, ws0, b0)


def _tc_layer_a(s0, p, degp, wn0, ws1p, wn1p, b1p):
    grid = (N // _TC_R,)
    return pl.pallas_call(
        _tc_layer_a_body,
        grid=grid,
        in_specs=[
            pl.BlockSpec((_TC_R, D), lambda i: (i, 0)),
            pl.BlockSpec((2, _TC_R, D), lambda i: (0, i, 0)),
            pl.BlockSpec((2, _TC_R, 16), lambda i: (0, i, 0)),
            pl.BlockSpec((D, D), lambda i: (0, 0)),
            pl.BlockSpec((D, C_PAD), lambda i: (0, 0)),
            pl.BlockSpec((D, C_PAD), lambda i: (0, 0)),
            pl.BlockSpec((1, C_PAD), lambda i: (0, 0)),
        ],
        out_specs=[
            pl.BlockSpec((_TC_R, C_PAD), lambda i: (i, 0)),
            pl.BlockSpec((_TC_R, C_PAD), lambda i: (i, 0)),
        ],
        out_shape=[
            jax.ShapeDtypeStruct((N, C_PAD), jnp.float32),
            jax.ShapeDtypeStruct((N, C_PAD), jnp.float32),
        ],
    )(s0, p, degp, wn0, ws1p, wn1p, b1p)


def _tc_layer_b(q, degp, s):
    grid = (N // _TC_R,)
    return pl.pallas_call(
        _tc_layer_b_body,
        grid=grid,
        in_specs=[
            pl.BlockSpec((2, _TC_R, C_PAD), lambda i: (0, i, 0)),
            pl.BlockSpec((2, _TC_R, 16), lambda i: (0, i, 0)),
            pl.BlockSpec((_TC_R, C_PAD), lambda i: (i, 0)),
        ],
        out_specs=pl.BlockSpec((_TC_R, C_OUT), lambda i: (i, 0)),
        out_shape=jax.ShapeDtypeStruct((N, C_OUT), jnp.float32),
    )(q, degp, s)


def kernel(x, edge_index, W_self_0, W_neigh_0, b_0, W_self_1, W_neigh_1, b_1):
    npad_e = EPAD - E
    it = jnp.arange(npad_e, dtype=jnp.int32)
    pad = jnp.stack([it % N, N + it % (NPAD - N)])
    e2d = jnp.concatenate([edge_index.astype(jnp.int32), pad],
                          axis=1).reshape(2, NCHUNKS, CHUNK)
    src2d = e2d[0]
    dst2d = e2d[1]

    zero_w = jnp.zeros((ROWS_PER_TILE, D), jnp.float32)
    zero_c = jnp.zeros((ROWS_PER_TILE, C_PAD), jnp.float32)
    zero_d = jnp.zeros((ROWS_PER_TILE, 16), jnp.float32)
    ones = jnp.ones((CHUNK, 16), jnp.float32)

    ws1p = jnp.pad(W_self_1, ((0, 0), (0, C_PAD - C_OUT)))
    wn1p = jnp.pad(W_neigh_1, ((0, 0), (0, C_PAD - C_OUT)))
    b1p = jnp.pad(b_1, (0, C_PAD - C_OUT)).reshape(1, C_PAD)
    b0r = b_0.reshape(1, D)

    s0 = _tc_self0(x, W_self_0, b0r)

    p, degp = _make_sc_pass(D, True, 160)(x, src2d, dst2d, zero_w, zero_d,
                                          ones)

    z1, s = _tc_layer_a(s0, p, degp, W_neigh_0, ws1p, wn1p, b1p)

    q = _make_sc_pass(C_PAD, False, 160)(z1, src2d, dst2d, zero_c)
    if isinstance(q, (list, tuple)):
        q = q[0]

    return _tc_layer_b(q, degp, s)

# --- scband reference (transcript-rebuilt; emitter-appended) ---
"""Pipeline reference for scband-sage-26405458936221 (READ-ONLY COPY).

The authoritative reference and input builder live on the scoring server;
editing this copy changes nothing except your own understanding.
"""

import jax, jax.numpy as jnp
import numpy as np

N_NODES = 10000
N_EDGES = 320000
D_IN = 128
D_HID = 128
N_CLASSES = 47


def setup_inputs(seed: int = 0) -> dict:
    key = jax.random.key(seed)
    ks = jax.random.split(key, 8)
    x = jax.random.normal(ks[0], (N_NODES, D_IN), dtype=jnp.float32)
    edge_index = jax.random.randint(ks[1], (2, N_EDGES), 0, N_NODES)
    s0 = 1.0 / np.sqrt(D_IN)
    s1 = 1.0 / np.sqrt(D_HID)
    W_self_0 = jax.random.normal(ks[2], (D_IN, D_HID), dtype=jnp.float32) * s0
    W_neigh_0 = jax.random.normal(ks[3], (D_IN, D_HID), dtype=jnp.float32) * s0
    b_0 = jnp.zeros((D_HID,), dtype=jnp.float32)
    W_self_1 = jax.random.normal(ks[4], (D_HID, N_CLASSES), dtype=jnp.float32) * s1
    W_neigh_1 = jax.random.normal(ks[5], (D_HID, N_CLASSES), dtype=jnp.float32) * s1
    b_1 = jnp.zeros((N_CLASSES,), dtype=jnp.float32)
    return {
        "x": x,
        "edge_index": edge_index,
        "W_self_0": W_self_0,
        "W_neigh_0": W_neigh_0,
        "b_0": b_0,
        "W_self_1": W_self_1,
        "W_neigh_1": W_neigh_1,
        "b_1": b_1,
    }


def _sage_layer(h, edge_index, W_self, W_neigh, b):
    # DGL SAGEConv with 'mean' aggregator:
    # h_neigh = mean over in-neighbors; out = h @ W_self + h_neigh @ W_neigh + b
    src = edge_index[0]
    dst = edge_index[1]
    n = h.shape[0]
    msgs = jnp.take(h, src, axis=0)
    agg = jax.ops.segment_sum(msgs, dst, num_segments=n)
    deg = jax.ops.segment_sum(jnp.ones((src.shape[0],), dtype=h.dtype), dst, num_segments=n)
    h_neigh = agg / jnp.clip(deg, 1.0)[:, None]
    return h @ W_self + h_neigh @ W_neigh + b


def reference(x, edge_index, W_self_0, W_neigh_0, b_0, W_self_1, W_neigh_1, b_1):
    h = _sage_layer(x, edge_index, W_self_0, W_neigh_0, b_0)
    h = jax.nn.relu(h)
    h = _sage_layer(h, edge_index, W_self_1, W_neigh_1, b_1)
    return h

if __name__ == "__main__":
    import jax
    _d = setup_inputs()
    print(jax.jit(kernel)(*tuple(_d.values())))

</pallas_src>

<mosaic_0001>
#map = affine_map<(d0, d1) -> (0, 0)>
#map1 = affine_map<(d0, d1) -> (0, 0, 0)>
module attributes {stable_mosaic.version = 14 : i64} {
  func.func @body(%arg0: i32, %arg1: i32, %arg2: memref<10000x128xf32, #tpu.memory_space<hbm>>, %arg3: memref<5120x64xi32, #tpu.memory_space<hbm>>, %arg4: memref<5120x64xi32, #tpu.memory_space<hbm>>, %arg5: memref<640x128xf32, #tpu.memory_space<hbm>>, %arg6: memref<640x16xf32, #tpu.memory_space<hbm>>, %arg7: memref<64x16xf32, #tpu.memory_space<hbm>>, %arg8: memref<2x10240x128xf32, #tpu.memory_space<hbm>>, %arg9: memref<2x10240x16xf32, #tpu.memory_space<hbm>>, %arg10: memref<10240x128xf32, #tpu.memory_space<vmem_shared>>, %arg11: memref<8x64xi32, #tpu.memory_space<vmem>>, %arg12: memref<8x64xi32, #tpu.memory_space<vmem>>, %arg13: memref<64x128xf32, #tpu.memory_space<vmem>>, %arg14: memref<64x128xf32, #tpu.memory_space<vmem>>, %arg15: memref<64x128xf32, #tpu.memory_space<vmem>>, %arg16: memref<64x128xf32, #tpu.memory_space<vmem>>, %arg17: memref<!tpu.dma_semaphore, #tpu.memory_space<semaphore_mem>>, %arg18: memref<!tpu.dma_semaphore, #tpu.memory_space<semaphore_mem>>, %arg19: memref<!tpu.dma_semaphore, #tpu.memory_space<semaphore_mem>>, %arg20: memref<!tpu.dma_semaphore, #tpu.memory_space<semaphore_mem>>, %arg21: memref<!tpu.dma_semaphore, #tpu.memory_space<semaphore_mem>>, %arg22: memref<!tpu.dma_semaphore, #tpu.memory_space<semaphore_mem>>, %arg23: memref<!tpu.dma_semaphore, #tpu.memory_space<semaphore_mem>>, %arg24: memref<!tpu.dma_semaphore, #tpu.memory_space<semaphore_mem>>, %arg25: memref<!tpu.dma_semaphore, #tpu.memory_space<semaphore_mem>>, %arg26: memref<10240x16xf32, #tpu.memory_space<vmem_shared>>, %arg27: memref<64x16xf32, #tpu.memory_space<vmem>>) attributes {dimension_semantics = [#tpu.dimension_semantics<core_parallel>, #tpu.dimension_semantics<subcore_parallel>], iteration_bounds = array<i64: 2, 16>, scalar_prefetch = 0 : i64, scratch_operands = 18 : i64, tpu.core_type = #tpu.core_type<sc_vector_subcore>, window_params = [{transform_indices = #map}, {transform_indices = #map}, {transform_indices = #map}, {transform_indices = #map}, {transform_indices = #map}, {transform_indices = #map}, {transform_indices = #map1}, {transform_indices = #map1}]} {
    %eq3A = arith.constant 0 : i32
    %eq3A_0 = arith.cmpi eq, %arg0, %eq3A : i32
    %mul3A = arith.constant 160 : i32
    %mul3A_1 = arith.muli %arg1, %mul3A : i32
    %mul3A_2 = arith.constant 160 : i32
    %mul3A_3 = arith.muli %arg1, %mul3A_2 : i32
    %add3A = arith.constant 2560 : i32
    %add3A_4 = arith.addi %add3A, %mul3A_3 : i32
    %select_n3A = arith.select %eq3A_0, %mul3A_1, %add3A_4 : i32
    %eq3A_5 = arith.constant 0 : i32
    %eq3A_6 = arith.cmpi eq, %arg0, %eq3A_5 : i32
    %jit3A = arith.constant 20 : i32
    %jit3A_7 = arith.constant 20 : i32
    %select_n3A_8 = arith.select %eq3A_6, %jit3A, %jit3A_7 : i32
    %mul3A_9 = arith.constant 640 : i32
    %mul3A_10 = arith.muli %arg1, %mul3A_9 : i32
    "tpu.trace_start"() <{level = 10 : i32, message = "sc_zero_fill"}> : () -> ()
    "tpu.region"() ({
      %run_scoped3A = tpu.sem_alloc : memref<!tpu.dma_semaphore, #tpu.memory_space<semaphore_mem>>
      %dma_start3A = arith.constant 0 : i32
      %dma_start3A_28 = tpu.memref_slice %arg10[%mul3A_10, %dma_start3A] : memref<10240x128xf32, #tpu.memory_space<vmem_shared>> -> memref<640x128xf32, #tpu.memory_space<vmem_shared>>
      tpu.enqueue_dma source(%arg5 : memref<640x128xf32, #tpu.memory_space<hbm>>) target(%dma_start3A_28 : memref<640x128xf32, #tpu.memory_space<vmem_shared>>) target_semaphore(%run_scoped3A : memref<!tpu.dma_semaphore, #tpu.memory_space<semaphore_mem>>)
      %dma_wait3A = arith.constant 0 : i32
      %dma_wait3A_29 = tpu.memref_slice %arg10[%mul3A_10, %dma_wait3A] : memref<10240x128xf32, #tpu.memory_space<vmem_shared>> -> memref<640x128xf32, #tpu.memory_space<vmem_shared>>
      tpu.wait_dma2 semaphore(%run_scoped3A : memref<!tpu.dma_semaphore, #tpu.memory_space<semaphore_mem>>) src(%arg5 : memref<640x128xf32, #tpu.memory_space<hbm>>) dst(%dma_wait3A_29 : memref<640x128xf32, #tpu.memory_space<vmem_shared>>)
      tpu.yield
    }) : () -> ()
    "tpu.region"() ({
      %run_scoped3A = tpu.sem_alloc : memref<!tpu.dma_semaphore, #tpu.memory_space<semaphore_mem>>
      %dma_start3A = arith.constant 0 : i32
      %dma_start3A_28 = tpu.memref_slice %arg26[%mul3A_10, %dma_start3A] : memref<10240x16xf32, #tpu.memory_space<vmem_shared>> -> memref<640x16xf32, #tpu.memory_space<vmem_shared>>
      tpu.enqueue_dma source(%arg6 : memref<640x16xf32, #tpu.memory_space<hbm>>) target(%dma_start3A_28 : memref<640x16xf32, #tpu.memory_space<vmem_shared>>) target_semaphore(%run_scoped3A : memref<!tpu.dma_semaphore, #tpu.memory_space<semaphore_mem>>)
      %dma_wait3A = arith.constant 0 : i32
      %dma_wait3A_29 = tpu.memref_slice %arg26[%mul3A_10, %dma_wait3A] : memref<10240x16xf32, #tpu.memory_space<vmem_shared>> -> memref<640x16xf32, #tpu.memory_space<vmem_shared>>
      tpu.wait_dma2 semaphore(%run_scoped3A : memref<!tpu.dma_semaphore, #tpu.memory_space<semaphore_mem>>) src(%arg6 : memref<640x16xf32, #tpu.memory_space<hbm>>) dst(%dma_wait3A_29 : memref<640x16xf32, #tpu.memory_space<vmem_shared>>)
      tpu.yield
    }) : () -> ()
    "tpu.region"() ({
      %run_scoped3A = tpu.sem_alloc : memref<!tpu.dma_semaphore, #tpu.memory_space<semaphore_mem>>
      tpu.enqueue_dma source(%arg7 : memref<64x16xf32, #tpu.memory_space<hbm>>) target(%arg27 : memref<64x16xf32, #tpu.memory_space<vmem>>) target_semaphore(%run_scoped3A : memref<!tpu.dma_semaphore, #tpu.memory_space<semaphore_mem>>)
      tpu.wait_dma2 semaphore(%run_scoped3A : memref<!tpu.dma_semaphore, #tpu.memory_space<semaphore_mem>>) src(%arg7 : memref<64x16xf32, #tpu.memory_space<hbm>>) dst(%arg27 : memref<64x16xf32, #tpu.memory_space<vmem>>)
      tpu.yield
    }) : () -> ()
    %barrier3A = arith.constant 0 : index
    tpu.barrier barrier_id(%barrier3A)
    "tpu.trace_stop"() : () -> ()
    "tpu.trace_start"() <{level = 10 : i32, message = "sc_edge_loop"}> : () -> ()
    %sub3A = arith.constant 0 : i32
    %sub3A_11 = arith.subi %select_n3A_8, %sub3A : i32
    %sub3A_12 = arith.constant 1 : i32
    %sub3A_13 = arith.constant 1 : i32
    %sub3A_14 = arith.subi %sub3A_12, %sub3A_13 : i32
    %add3A_15 = arith.addi %sub3A_11, %sub3A_14 : i32
    %div3A = arith.constant 1 : i32
    %div3A_16 = arith.divsi %add3A_15, %div3A : i32
    %while3A = arith.constant 1 : i32
    %while3A_17 = arith.constant 0 : i32
    %while3A_18 = arith.constant 0 : i32
    %while3A_19 = arith.subi %div3A_16, %while3A_18 : i32
    %while3A_20 = arith.addi %while3A_18, %while3A_19 : i32
    %while3A_21 = arith.constant 1 : i32
    %while3A_22 = arith.divsi %while3A_19, %while3A_21 : i32
    %while3A_23 = arith.muli %while3A_22, %while3A_21 : i32
    %while3A_24 = arith.addi %while3A_18, %while3A_23 : i32
    %while3A_25 = arith.constant 1 : i32
    scf.for %while3A_28 = %while3A_18 to %while3A_24 step %while3A_25  : i32 {
      %mul3A_29 = arith.muli %while3A_28, %while3A : i32
      %add3A_30 = arith.addi %while3A_17, %mul3A_29 : i32
      %mul3A_31 = arith.constant 8 : i32
      %mul3A_32 = arith.muli %add3A_30, %mul3A_31 : i32
      %add3A_33 = arith.addi %select_n3A, %mul3A_32 : i32
      "tpu.region"() ({
        %run_scoped3A = tpu.sem_alloc : memref<!tpu.dma_semaphore, #tpu.memory_space<semaphore_mem>>
        %dma_start3A_368 = arith.constant 0 : i32
        %dma_start3A_369 = tpu.memref_slice %arg3[%add3A_33, %dma_start3A_368] : memref<5120x64xi32, #tpu.memory_space<hbm>> -> memref<8x64xi32, #tpu.memory_space<hbm>>
        %dma_start3A_370 = arith.constant 0 : i32
        %dma_start3A_371 = tpu.memref_slice %arg3[%add3A_33, %dma_start3A_370] : memref<5120x64xi32, #tpu.memory_space<hbm>> -> memref<8x64xi32, #tpu.memory_space<hbm>>
        tpu.enqueue_dma source(%dma_start3A_371 : memref<8x64xi32, #tpu.memory_space<hbm>>) target(%arg11 : memref<8x64xi32, #tpu.memory_space<vmem>>) target_semaphore(%run_scoped3A : memref<!tpu.dma_semaphore, #tpu.memory_space<semaphore_mem>>)
        %dma_wait3A_372 = arith.constant 0 : i32
        %dma_wait3A_373 = tpu.memref_slice %arg3[%add3A_33, %dma_wait3A_372] : memref<5120x64xi32, #tpu.memory_space<hbm>> -> memref<8x64xi32, #tpu.memory_space<hbm>>
        %dma_wait3A_374 = arith.constant 0 : i32
        %dma_wait3A_375 = tpu.memref_slice %arg3[%add3A_33, %dma_wait3A_374] : memref<5120x64xi32, #tpu.memory_space<hbm>> -> memref<8x64xi32, #tpu.memory_space<hbm>>
        tpu.wait_dma2 semaphore(%run_scoped3A : memref<!tpu.dma_semaphore, #tpu.memory_space<semaphore_mem>>) src(%dma_wait3A_375 : memref<8x64xi32, #tpu.memory_space<hbm>>) dst(%arg11 : memref<8x64xi32, #tpu.memory_space<vmem>>)
        tpu.yield
      }) : () -> ()
      "tpu.region"() ({
        %run_scoped3A = tpu.sem_alloc : memref<!tpu.dma_semaphore, #tpu.memory_space<semaphore_mem>>
        %dma_start3A_368 = arith.constant 0 : i32
        %dma_start3A_369 = tpu.memref_slice %arg4[%add3A_33, %dma_start3A_368] : memref<5120x64xi32, #tpu.memory_space<hbm>> -> memref<8x64xi32, #tpu.memory_space<hbm>>
        %dma_start3A_370 = arith.constant 0 : i32
        %dma_start3A_371 = tpu.memref_slice %arg4[%add3A_33, %dma_start3A_370] : memref<5120x64xi32, #tpu.memory_space<hbm>> -> memref<8x64xi32, #tpu.memory_space<hbm>>
        tpu.enqueue_dma source(%dma_start3A_371 : memref<8x64xi32, #tpu.memory_space<hbm>>) target(%arg12 : memref<8x64xi32, #tpu.memory_space<vmem>>) target_semaphore(%run_scoped3A : memref<!tpu.dma_semaphore, #tpu.memory_space<semaphore_mem>>)
        %dma_wait3A_372 = arith.constant 0 : i32
        %dma_wait3A_373 = tpu.memref_slice %arg4[%add3A_33, %dma_wait3A_372] : memref<5120x64xi32, #tpu.memory_space<hbm>> -> memref<8x64xi32, #tpu.memory_space<hbm>>
        %dma_wait3A_374 = arith.constant 0 : i32
        %dma_wait3A_375 = tpu.memref_slice %arg4[%add3A_33, %dma_wait3A_374] : memref<5120x64xi32, #tpu.memory_space<hbm>> -> memref<8x64xi32, #tpu.memory_space<hbm>>
        tpu.wait_dma2 semaphore(%run_scoped3A : memref<!tpu.dma_semaphore, #tpu.memory_space<semaphore_mem>>) src(%dma_wait3A_375 : memref<8x64xi32, #tpu.memory_space<hbm>>) dst(%arg12 : memref<8x64xi32, #tpu.memory_space<vmem>>)
        tpu.yield
      }) : () -> ()
      %dma_start3A = arith.constant 0 : i32
      %dma_start3A_34 = arith.constant 0 : i32
      %dma_start3A_35 = tpu.memref_slice %arg11[%dma_start3A, %dma_start3A_34] : memref<8x64xi32, #tpu.memory_space<vmem>> -> memref<1x64xi32, #tpu.memory_space<vmem>>
      %dma_start3A_36 = tpu.memref_squeeze %dma_start3A_35 : memref<1x64xi32, #tpu.memory_space<vmem>> -> memref<64xi32, #tpu.memory_space<vmem>>
      %dma_start3A_37 = arith.constant 0 : i32
      %dma_start3A_38 = arith.constant 0 : i32
      %dma_start3A_39 = tpu.memref_slice %arg2[%dma_start3A_37, %dma_start3A_38] : memref<10000x128xf32, #tpu.memory_space<hbm>> -> memref<10000x128xf32, #tpu.memory_space<hbm>>
      tpu.enqueue_indirect_dma source(%dma_start3A_39 : memref<10000x128xf32, #tpu.memory_space<hbm>>) target(%arg13 : memref<64x128xf32, #tpu.memory_space<vmem>>) offsets(%dma_start3A_36 : memref<64xi32, #tpu.memory_space<vmem>>) semaphore(%arg17 : memref<!tpu.dma_semaphore, #tpu.memory_space<semaphore_mem>>)
      %dma_start3A_40 = arith.constant 1 : i32
      %dma_start3A_41 = arith.constant 0 : i32
      %dma_start3A_42 = tpu.memref_slice %arg11[%dma_start3A_40, %dma_start3A_41] : memref<8x64xi32, #tpu.memory_space<vmem>> -> memref<1x64xi32, #tpu.memory_space<vmem>>
      %dma_start3A_43 = tpu.memref_squeeze %dma_start3A_42 : memref<1x64xi32, #tpu.memory_space<vmem>> -> memref<64xi32, #tpu.memory_space<vmem>>
      %dma_start3A_44 = arith.constant 0 : i32
      %dma_start3A_45 = arith.constant 0 : i32
      %dma_start3A_46 = tpu.memref_slice %arg2[%dma_start3A_44, %dma_start3A_45] : memref<10000x128xf32, #tpu.memory_space<hbm>> -> memref<10000x128xf32, #tpu.memory_space<hbm>>
      tpu.enqueue_indirect_dma source(%dma_start3A_46 : memref<10000x128xf32, #tpu.memory_space<hbm>>) target(%arg14 : memref<64x128xf32, #tpu.memory_space<vmem>>) offsets(%dma_start3A_43 : memref<64xi32, #tpu.memory_space<vmem>>) semaphore(%arg18 : memref<!tpu.dma_semaphore, #tpu.memory_space<semaphore_mem>>)
      %dma_start3A_47 = arith.constant 2 : i32
      %dma_start3A_48 = arith.constant 0 : i32
      %dma_start3A_49 = tpu.memref_slice %arg11[%dma_start3A_47, %dma_start3A_48] : memref<8x64xi32, #tpu.memory_space<vmem>> -> memref<1x64xi32, #tpu.memory_space<vmem>>
      %dma_start3A_50 = tpu.memref_squeeze %dma_start3A_49 : memref<1x64xi32, #tpu.memory_space<vmem>> -> memref<64xi32, #tpu.memory_space<vmem>>
      %dma_start3A_51 = arith.constant 0 : i32
      %dma_start3A_52 = arith.constant 0 : i32
      %dma_start3A_53 = tpu.memref_slice %arg2[%dma_start3A_51, %dma_start3A_52] : memref<10000x128xf32, #tpu.memory_space<hbm>> -> memref<10000x128xf32, #tpu.memory_space<hbm>>
      tpu.enqueue_indirect_dma source(%dma_start3A_53 : memref<10000x128xf32, #tpu.memory_space<hbm>>) target(%arg15 : memref<64x128xf32, #tpu.memory_space<vmem>>) offsets(%dma_start3A_50 : memref<64xi32, #tpu.memory_space<vmem>>) semaphore(%arg19 : memref<!tpu.dma_semaphore, #tpu.memory_space<semaphore_mem>>)
      %dma_start3A_54 = arith.constant 3 : i32
      %dma_start3A_55 = arith.constant 0 : i32
      %dma_start3A_56 = tpu.memref_slice %arg11[%dma_start3A_54, %dma_start3A_55] : memref<8x64xi32, #tpu.memory_space<vmem>> -> memref<1x64xi32, #tpu.memory_space<vmem>>
      %dma_start3A_57 = tpu.memref_squeeze %dma_start3A_56 : memref<1x64xi32, #tpu.memory_space<vmem>> -> memref<64xi32, #tpu.memory_space<vmem>>
      %dma_start3A_58 = arith.constant 0 : i32
      %dma_start3A_59 = arith.constant 0 : i32
      %dma_start3A_60 = tpu.memref_slice %arg2[%dma_start3A_58, %dma_start3A_59] : memref<10000x128xf32, #tpu.memory_space<hbm>> -> memref<10000x128xf32, #tpu.memory_space<hbm>>
      tpu.enqueue_indirect_dma source(%dma_start3A_60 : memref<10000x128xf32, #tpu.memory_space<hbm>>) target(%arg16 : memref<64x128xf32, #tpu.memory_space<vmem>>) offsets(%dma_start3A_57 : memref<64xi32, #tpu.memory_space<vmem>>) semaphore(%arg20 : memref<!tpu.dma_semaphore, #tpu.memory_space<semaphore_mem>>)
      %dma_wait3A = arith.constant 0 : i32
      %dma_wait3A_61 = arith.constant 0 : i32
      %dma_wait3A_62 = tpu.memref_slice %arg11[%dma_wait3A, %dma_wait3A_61] : memref<8x64xi32, #tpu.memory_space<vmem>> -> memref<1x64xi32, #tpu.memory_space<vmem>>
      %dma_wait3A_63 = tpu.memref_squeeze %dma_wait3A_62 : memref<1x64xi32, #tpu.memory_space<vmem>> -> memref<64xi32, #tpu.memory_space<vmem>>
      %dma_wait3A_64 = arith.constant 0 : i32
      %dma_wait3A_65 = arith.constant 0 : i32
      %dma_wait3A_66 = tpu.memref_slice %arg2[%dma_wait3A_64, %dma_wait3A_65] : memref<10000x128xf32, #tpu.memory_space<hbm>> -> memref<10000x128xf32, #tpu.memory_space<hbm>>
      tpu.wait_indirect_dma semaphore(%arg17 : memref<!tpu.dma_semaphore, #tpu.memory_space<semaphore_mem>>) src(%dma_wait3A_66 : memref<10000x128xf32, #tpu.memory_space<hbm>>) dst(%arg13 : memref<64x128xf32, #tpu.memory_space<vmem>>)
      %dma_start3A_67 = arith.constant 0 : i32
      %dma_start3A_68 = arith.constant 0 : i32
      %dma_start3A_69 = tpu.memref_slice %arg12[%dma_start3A_67, %dma_start3A_68] : memref<8x64xi32, #tpu.memory_space<vmem>> -> memref<1x64xi32, #tpu.memory_space<vmem>>
      %dma_start3A_70 = tpu.memref_squeeze %dma_start3A_69 : memref<1x64xi32, #tpu.memory_space<vmem>> -> memref<64xi32, #tpu.memory_space<vmem>>
      %dma_start3A_71 = arith.constant 0 : i32
      %dma_start3A_72 = arith.constant 0 : i32
      %dma_start3A_73 = tpu.memref_slice %arg10[%dma_start3A_71, %dma_start3A_72] : memref<10240x128xf32, #tpu.memory_space<vmem_shared>> -> memref<10240x128xf32, #tpu.memory_space<vmem_shared>>
      tpu.enqueue_indirect_dma source(%arg13 : memref<64x128xf32, #tpu.memory_space<vmem>>) target(%dma_start3A_73 : memref<10240x128xf32, #tpu.memory_space<vmem_shared>>) offsets(%dma_start3A_70 : memref<64xi32, #tpu.memory_space<vmem>>) semaphore(%arg21 : memref<!tpu.dma_semaphore, #tpu.memory_space<semaphore_mem>>) {add = true}
      %dma_start3A_74 = arith.constant 0 : i32
      %dma_start3A_75 = arith.constant 0 : i32
      %dma_start3A_76 = tpu.memref_slice %arg12[%dma_start3A_74, %dma_start3A_75] : memref<8x64xi32, #tpu.memory_space<vmem>> -> memref<1x64xi32, #tpu.memory_space<vmem>>
      %dma_start3A_77 = tpu.memref_squeeze %dma_start3A_76 : memref<1x64xi32, #tpu.memory_space<vmem>> -> memref<64xi32, #tpu.memory_space<vmem>>
      %dma_start3A_78 = arith.constant 0 : i32
      %dma_start3A_79 = arith.constant 0 : i32
      %dma_start3A_80 = tpu.memref_slice %arg26[%dma_start3A_78, %dma_start3A_79] : memref<10240x16xf32, #tpu.memory_space<vmem_shared>> -> memref<10240x16xf32, #tpu.memory_space<vmem_shared>>
      tpu.enqueue_indirect_dma source(%arg27 : memref<64x16xf32, #tpu.memory_space<vmem>>) target(%dma_start3A_80 : memref<10240x16xf32, #tpu.memory_space<vmem_shared>>) offsets(%dma_start3A_77 : memref<64xi32, #tpu.memory_space<vmem>>) semaphore(%arg25 : memref<!tpu.dma_semaphore, #tpu.memory_space<semaphore_mem>>) {add = true}
      %dma_wait3A_81 = arith.constant 0 : i32
      %dma_wait3A_82 = arith.constant 0 : i32
      %dma_wait3A_83 = tpu.memref_slice %arg12[%dma_wait3A_81, %dma_wait3A_82] : memref<8x64xi32, #tpu.memory_space<vmem>> -> memref<1x64xi32, #tpu.memory_space<vmem>>
      %dma_wait3A_84 = tpu.memref_squeeze %dma_wait3A_83 : memref<1x64xi32, #tpu.memory_space<vmem>> -> memref<64xi32, #tpu.memory_space<vmem>>
      %dma_wait3A_85 = arith.constant 0 : i32
      %dma_wait3A_86 = arith.constant 0 : i32
      %dma_wait3A_87 = tpu.memref_slice %arg10[%dma_wait3A_85, %dma_wait3A_86] : memref<10240x128xf32, #tpu.memory_space<vmem_shared>> -> memref<10240x128xf32, #tpu.memory_space<vmem_shared>>
      tpu.wait_indirect_dma semaphore(%arg21 : memref<!tpu.dma_semaphore, #tpu.memory_space<semaphore_mem>>) src(%arg13 : memref<64x128xf32, #tpu.memory_space<vmem>>) dst(%dma_wait3A_87 : memref<10240x128xf32, #tpu.memory_space<vmem_shared>>)
      %dma_start3A_88 = arith.constant 4 : i32
      %dma_start3A_89 = arith.constant 0 : i32
      %dma_start3A_90 = tpu.memref_slice %arg11[%dma_start3A_88, %dma_start3A_89] : memref<8x64xi32, #tpu.memory_space<vmem>> -> memref<1x64xi32, #tpu.memory_space<vmem>>
      %dma_start3A_91 = tpu.memref_squeeze %dma_start3A_90 : memref<1x64xi32, #tpu.memory_space<vmem>> -> memref<64xi32, #tpu.memory_space<vmem>>
      %dma_start3A_92 = arith.constant 0 : i32
      %dma_start3A_93 = arith.constant 0 : i32
      %dma_start3A_94 = tpu.memref_slice %arg2[%dma_start3A_92, %dma_start3A_93] : memref<10000x128xf32, #tpu.memory_space<hbm>> -> memref<10000x128xf32, #tpu.memory_space<hbm>>
      tpu.enqueue_indirect_dma source(%dma_start3A_94 : memref<10000x128xf32, #tpu.memory_space<hbm>>) target(%arg13 : memref<64x128xf32, #tpu.memory_space<vmem>>) offsets(%dma_start3A_91 : memref<64xi32, #tpu.memory_space<vmem>>) semaphore(%arg17 : memref<!tpu.dma_semaphore, #tpu.memory_space<semaphore_mem>>)
      %dma_wait3A_95 = arith.constant 1 : i32
      %dma_wait3A_96 = arith.constant 0 : i32
      %dma_wait3A_97 = tpu.memref_slice %arg11[%dma_wait3A_95, %dma_wait3A_96] : memref<8x64xi32, #tpu.memory_space<vmem>> -> memref<1x64xi32, #tpu.memory_space<vmem>>
      %dma_wait3A_98 = tpu.memref_squeeze %dma_wait3A_97 : memref<1x64xi32, #tpu.memory_space<vmem>> -> memref<64xi32, #tpu.memory_space<vmem>>
      %dma_wait3A_99 = arith.constant 0 : i32
      %dma_wait3A_100 = arith.constant 0 : i32
      %dma_wait3A_101 = tpu.memref_slice %arg2[%dma_wait3A_99, %dma_wait3A_100] : memref<10000x128xf32, #tpu.memory_space<hbm>> -> memref<10000x128xf32, #tpu.memory_space<hbm>>
      tpu.wait_indirect_dma semaphore(%arg18 : memref<!tpu.dma_semaphore, #tpu.memory_space<semaphore_mem>>) src(%dma_wait3A_101 : memref<10000x128xf32, #tpu.memory_space<hbm>>) dst(%arg14 : memref<64x128xf32, #tpu.memory_space<vmem>>)
      %dma_start3A_102 = arith.constant 1 : i32
      %dma_start3A_103 = arith.constant 0 : i32
      %dma_start3A_104 = tpu.memref_slice %arg12[%dma_start3A_102, %dma_start3A_103] : memref<8x64xi32, #tpu.memory_space<vmem>> -> memref<1x64xi32, #tpu.memory_space<vmem>>
      %dma_start3A_105 = tpu.memref_squeeze %dma_start3A_104 : memref<1x64xi32, #tpu.memory_space<vmem>> -> memref<64xi32, #tpu.memory_space<vmem>>
      %dma_start3A_106 = arith.constant 0 : i32
      %dma_start3A_107 = arith.constant 0 : i32
      %dma_start3A_108 = tpu.memref_slice %arg10[%dma_start3A_106, %dma_start3A_107] : memref<10240x128xf32, #tpu.memory_space<vmem_shared>> -> memref<10240x128xf32, #tpu.memory_space<vmem_shared>>
      tpu.enqueue_indirect_dma source(%arg14 : memref<64x128xf32, #tpu.memory_space<vmem>>) target(%dma_start3A_108 : memref<10240x128xf32, #tpu.memory_space<vmem_shared>>) offsets(%dma_start3A_105 : memref<64xi32, #tpu.memory_space<vmem>>) semaphore(%arg22 : memref<!tpu.dma_semaphore, #tpu.memory_space<semaphore_mem>>) {add = true}
      %dma_start3A_109 = arith.constant 1 : i32
      %dma_start3A_110 = arith.constant 0 : i32
      %dma_start3A_111 = tpu.memref_slice %arg12[%dma_start3A_109, %dma_start3A_110] : memref<8x64xi32, #tpu.memory_space<vmem>> -> memref<1x64xi32, #tpu.memory_space<vmem>>
      %dma_start3A_112 = tpu.memref_squeeze %dma_start3A_111 : memref<1x64xi32, #tpu.memory_space<vmem>> -> memref<64xi32, #tpu.memory_space<vmem>>
      %dma_start3A_113 = arith.constant 0 : i32
      %dma_start3A_114 = arith.constant 0 : i32
      %dma_start3A_115 = tpu.memref_slice %arg26[%dma_start3A_113, %dma_start3A_114] : memref<10240x16xf32, #tpu.memory_space<vmem_shared>> -> memref<10240x16xf32, #tpu.memory_space<vmem_shared>>
      tpu.enqueue_indirect_dma source(%arg27 : memref<64x16xf32, #tpu.memory_space<vmem>>) target(%dma_start3A_115 : memref<10240x16xf32, #tpu.memory_space<vmem_shared>>) offsets(%dma_start3A_112 : memref<64xi32, #tpu.memory_space<vmem>>) semaphore(%arg25 : memref<!tpu.dma_semaphore, #tpu.memory_space<semaphore_mem>>) {add = true}
      %dma_wait3A_116 = arith.constant 1 : i32
      %dma_wait3A_117 = arith.constant 0 : i32
      %dma_wait3A_118 = tpu.memref_slice %arg12[%dma_wait3A_116, %dma_wait3A_117] : memref<8x64xi32, #tpu.memory_space<vmem>> -> memref<1x64xi32, #tpu.memory_space<vmem>>
      %dma_wait3A_119 = tpu.memref_squeeze %dma_wait3A_118 : memref<1x64xi32, #tpu.memory_space<vmem>> -> memref<64xi32, #tpu.memory_space<vmem>>
      %dma_wait3A_120 = arith.constant 0 : i32
      %dma_wait3A_121 = arith.constant 0 : i32
      %dma_wait3A_122 = tpu.memref_slice %arg10[%dma_wait3A_120, %dma_wait3A_121] : memref<10240x128xf32, #tpu.memory_space<vmem_shared>> -> memref<10240x128xf32, #tpu.memory_space<vmem_shared>>
      tpu.wait_indirect_dma semaphore(%arg22 : memref<!tpu.dma_semaphore, #tpu.memory_space<semaphore_mem>>) src(%arg14 : memref<64x128xf32, #tpu.memory_space<vmem>>) dst(%dma_wait3A_122 : memref<10240x128xf32, #tpu.memory_space<vmem_shared>>)
      %dma_start3A_123 = arith.constant 5 : i32
      %dma_start3A_124 = arith.constant 0 : i32
      %dma_start3A_125 = tpu.memref_slice %arg11[%dma_start3A_123, %dma_start3A_124] : memref<8x64xi32, #tpu.memory_space<vmem>> -> memref<1x64xi32, #tpu.memory_space<vmem>>
      %dma_start3A_126 = tpu.memref_squeeze %dma_start3A_125 : memref<1x64xi32, #tpu.memory_space<vmem>> -> memref<64xi32, #tpu.memory_space<vmem>>
      %dma_start3A_127 = arith.constant 0 : i32
      %dma_start3A_128 = arith.constant 0 : i32
      %dma_start3A_129 = tpu.memref_slice %arg2[%dma_start3A_127, %dma_start3A_128] : memref<10000x128xf32, #tpu.memory_space<hbm>> -> memref<10000x128xf32, #tpu.memory_space<hbm>>
      tpu.enqueue_indirect_dma source(%dma_start3A_129 : memref<10000x128xf32, #tpu.memory_space<hbm>>) target(%arg14 : memref<64x128xf32, #tpu.memory_space<vmem>>) offsets(%dma_start3A_126 : memref<64xi32, #tpu.memory_space<vmem>>) semaphore(%arg18 : memref<!tpu.dma_semaphore, #tpu.memory_space<semaphore_mem>>)
      %dma_wait3A_130 = arith.constant 2 : i32
      %dma_wait3A_131 = arith.constant 0 : i32
      %dma_wait3A_132 = tpu.memref_slice %arg11[%dma_wait3A_130, %dma_wait3A_131] : memref<8x64xi32, #tpu.memory_space<vmem>> -> memref<1x64xi32, #tpu.memory_space<vmem>>
      %dma_wait3A_133 = tpu.memref_squeeze %dma_wait3A_132 : memref<1x64xi32, #tpu.memory_space<vmem>> -> memref<64xi32, #tpu.memory_space<vmem>>
      %dma_wait3A_134 = arith.constant 0 : i32
      %dma_wait3A_135 = arith.constant 0 : i32
      %dma_wait3A_136 = tpu.memref_slice %arg2[%dma_wait3A_134, %dma_wait3A_135] : memref<10000x128xf32, #tpu.memory_space<hbm>> -> memref<10000x128xf32, #tpu.memory_space<hbm>>
      tpu.wait_indirect_dma semaphore(%arg19 : memref<!tpu.dma_semaphore, #tpu.memory_space<semaphore_mem>>) src(%dma_wait3A_136 : memref<10000x128xf32, #tpu.memory_space<hbm>>) dst(%arg15 : memref<64x128xf32, #tpu.memory_space<vmem>>)
      %dma_start3A_137 = arith.constant 2 : i32
      %dma_start3A_138 = arith.constant 0 : i32
      %dma_start3A_139 = tpu.memref_slice %arg12[%dma_start3A_137, %dma_start3A_138] : memref<8x64xi32, #tpu.memory_space<vmem>> -> memref<1x64xi32, #tpu.memory_space<vmem>>
      %dma_start3A_140 = tpu.memref_squeeze %dma_start3A_139 : memref<1x64xi32, #tpu.memory_space<vmem>> -> memref<64xi32, #tpu.memory_space<vmem>>
      %dma_start3A_141 = arith.constant 0 : i32
      %dma_start3A_142 = arith.constant 0 : i32
      %dma_start3A_143 = tpu.memref_slice %arg10[%dma_start3A_141, %dma_start3A_142] : memref<10240x128xf32, #tpu.memory_space<vmem_shared>> -> memref<10240x128xf32, #tpu.memory_space<vmem_shared>>
      tpu.enqueue_indirect_dma source(%arg15 : memref<64x128xf32, #tpu.memory_space<vmem>>) target(%dma_start3A_143 : memref<10240x128xf32, #tpu.memory_space<vmem_shared>>) offsets(%dma_start3A_140 : memref<64xi32, #tpu.memory_space<vmem>>) semaphore(%arg23 : memref<!tpu.dma_semaphore, #tpu.memory_space<semaphore_mem>>) {add = true}
      %dma_start3A_144 = arith.constant 2 : i32
      %dma_start3A_145 = arith.constant 0 : i32
      %dma_start3A_146 = tpu.memref_slice %arg12[%dma_start3A_144, %dma_start3A_145] : memref<8x64xi32, #tpu.memory_space<vmem>> -> memref<1x64xi32, #tpu.memory_space<vmem>>
      %dma_start3A_147 = tpu.memref_squeeze %dma_start3A_146 : memref<1x64xi32, #tpu.memory_space<vmem>> -> memref<64xi32, #tpu.memory_space<vmem>>
      %dma_start3A_148 = arith.constant 0 : i32
      %dma_start3A_149 = arith.constant 0 : i32
      %dma_start3A_150 = tpu.memref_slice %arg26[%dma_start3A_148, %dma_start3A_149] : memref<10240x16xf32, #tpu.memory_space<vmem_shared>> -> memref<10240x16xf32, #tpu.memory_space<vmem_shared>>
      tpu.enqueue_indirect_dma source(%arg27 : memref<64x16xf32, #tpu.memory_space<vmem>>) target(%dma_start3A_150 : memref<10240x16xf32, #tpu.memory_space<vmem_shared>>) offsets(%dma_start3A_147 : memref<64xi32, #tpu.memory_space<vmem>>) semaphore(%arg25 : memref<!tpu.dma_semaphore, #tpu.memory_space<semaphore_mem>>) {add = true}
      %dma_wait3A_151 = arith.constant 2 : i32
      %dma_wait3A_152 = arith.constant 0 : i32
      %dma_wait3A_153 = tpu.memref_slice %arg12[%dma_wait3A_151, %dma_wait3A_152] : memref<8x64xi32, #tpu.memory_space<vmem>> -> memref<1x64xi32, #tpu.memory_space<vmem>>
      %dma_wait3A_154 = tpu.memref_squeeze %dma_wait3A_153 : memref<1x64xi32, #tpu.memory_space<vmem>> -> memref<64xi32, #tpu.memory_space<vmem>>
      %dma_wait3A_155 = arith.constant 0 : i32
      %dma_wait3A_156 = arith.constant 0 : i32
      %dma_wait3A_157 = tpu.memref_slice %arg10[%dma_wait3A_155, %dma_wait3A_156] : memref<10240x128xf32, #tpu.memory_space<vmem_shared>> -> memref<10240x128xf32, #tpu.memory_space<vmem_shared>>
      tpu.wait_indirect_dma semaphore(%arg23 : memref<!tpu.dma_semaphore, #tpu.memory_space<semaphore_mem>>) src(%arg15 : memref<64x128xf32, #tpu.memory_space<vmem>>) dst(%dma_wait3A_157 : memref<10240x128xf32, #tpu.memory_space<vmem_shared>>)
      %dma_start3A_158 = arith.constant 6 : i32
      %dma_start3A_159 = arith.constant 0 : i32
      %dma_start3A_160 = tpu.memref_slice %arg11[%dma_start3A_158, %dma_start3A_159] : memref<8x64xi32, #tpu.memory_space<vmem>> -> memref<1x64xi32, #tpu.memory_space<vmem>>
      %dma_start3A_161 = tpu.memref_squeeze %dma_start3A_160 : memref<1x64xi32, #tpu.memory_space<vmem>> -> memref<64xi32, #tpu.memory_space<vmem>>
      %dma_start3A_162 = arith.constant 0 : i32
      %dma_start3A_163 = arith.constant 0 : i32
      %dma_start3A_164 = tpu.memref_slice %arg2[%dma_start3A_162, %dma_start3A_163] : memref<10000x128xf32, #tpu.memory_space<hbm>> -> memref<10000x128xf32, #tpu.memory_space<hbm>>
      tpu.enqueue_indirect_dma source(%dma_start3A_164 : memref<10000x128xf32, #tpu.memory_space<hbm>>) target(%arg15 : memref<64x128xf32, #tpu.memory_space<vmem>>) offsets(%dma_start3A_161 : memref<64xi32, #tpu.memory_space<vmem>>) semaphore(%arg19 : memref<!tpu.dma_semaphore, #tpu.memory_space<semaphore_mem>>)
      %dma_wait3A_165 = arith.constant 3 : i32
      %dma_wait3A_166 = arith.constant 0 : i32
      %dma_wait3A_167 = tpu.memref_slice %arg11[%dma_wait3A_165, %dma_wait3A_166] : memref<8x64xi32, #tpu.memory_space<vmem>> -> memref<1x64xi32, #tpu.memory_space<vmem>>
      %dma_wait3A_168 = tpu.memref_squeeze %dma_wait3A_167 : memref<1x64xi32, #tpu.memory_space<vmem>> -> memref<64xi32, #tpu.memory_space<vmem>>
      %dma_wait3A_169 = arith.constant 0 : i32
      %dma_wait3A_170 = arith.constant 0 : i32
      %dma_wait3A_171 = tpu.memref_slice %arg2[%dma_wait3A_169, %dma_wait3A_170] : memref<10000x128xf32, #tpu.memory_space<hbm>> -> memref<10000x128xf32, #tpu.memory_space<hbm>>
      tpu.wait_indirect_dma semaphore(%arg20 : memref<!tpu.dma_semaphore, #tpu.memory_space<semaphore_mem>>) src(%dma_wait3A_171 : memref<10000x128xf32, #tpu.memory_space<hbm>>) dst(%arg16 : memref<64x128xf32, #tpu.memory_space<vmem>>)
      %dma_start3A_172 = arith.constant 3 : i32
      %dma_start3A_173 = arith.constant 0 : i32
      %dma_start3A_174 = tpu.memref_slice %arg12[%dma_start3A_172, %dma_start3A_173] : memref<8x64xi32, #tpu.memory_space<vmem>> -> memref<1x64xi32, #tpu.memory_space<vmem>>
      %dma_start3A_175 = tpu.memref_squeeze %dma_start3A_174 : memref<1x64xi32, #tpu.memory_space<vmem>> -> memref<64xi32, #tpu.memory_space<vmem>>
      %dma_start3A_176 = arith.constant 0 : i32
      %dma_start3A_177 = arith.constant 0 : i32
      %dma_start3A_178 = tpu.memref_slice %arg10[%dma_start3A_176, %dma_start3A_177] : memref<10240x128xf32, #tpu.memory_space<vmem_shared>> -> memref<10240x128xf32, #tpu.memory_space<vmem_shared>>
      tpu.enqueue_indirect_dma source(%arg16 : memref<64x128xf32, #tpu.memory_space<vmem>>) target(%dma_start3A_178 : memref<10240x128xf32, #tpu.memory_space<vmem_shared>>) offsets(%dma_start3A_175 : memref<64xi32, #tpu.memory_space<vmem>>) semaphore(%arg24 : memref<!tpu.dma_semaphore, #tpu.memory_space<semaphore_mem>>) {add = true}
      %dma_start3A_179 = arith.constant 3 : i32
      %dma_start3A_180 = arith.constant 0 : i32
      %dma_start3A_181 = tpu.memref_slice %arg12[%dma_start3A_179, %dma_start3A_180] : memref<8x64xi32, #tpu.memory_space<vmem>> -> memref<1x64xi32, #tpu.memory_space<vmem>>
      %dma_start3A_182 = tpu.memref_squeeze %dma_start3A_181 : memref<1x64xi32, #tpu.memory_space<vmem>> -> memref<64xi32, #tpu.memory_space<vmem>>
      %dma_start3A_183 = arith.constant 0 : i32
      %dma_start3A_184 = arith.constant 0 : i32
      %dma_start3A_185 = tpu.memref_slice %arg26[%dma_start3A_183, %dma_start3A_184] : memref<10240x16xf32, #tpu.memory_space<vmem_shared>> -> memref<10240x16xf32, #tpu.memory_space<vmem_shared>>
      tpu.enqueue_indirect_dma source(%arg27 : memref<64x16xf32, #tpu.memory_space<vmem>>) target(%dma_start3A_185 : memref<10240x16xf32, #tpu.memory_space<vmem_shared>>) offsets(%dma_start3A_182 : memref<64xi32, #tpu.memory_space<vmem>>) semaphore(%arg25 : memref<!tpu.dma_semaphore, #tpu.memory_space<semaphore_mem>>) {add = true}
      %dma_wait3A_186 = arith.constant 3 : i32
      %dma_wait3A_187 = arith.constant 0 : i32
      %dma_wait3A_188 = tpu.memref_slice %arg12[%dma_wait3A_186, %dma_wait3A_187] : memref<8x64xi32, #tpu.memory_space<vmem>> -> memref<1x64xi32, #tpu.memory_space<vmem>>
      %dma_wait3A_189 = tpu.memref_squeeze %dma_wait3A_188 : memref<1x64xi32, #tpu.memory_space<vmem>> -> memref<64xi32, #tpu.memory_space<vmem>>
      %dma_wait3A_190 = arith.constant 0 : i32
      %dma_wait3A_191 = arith.constant 0 : i32
      %dma_wait3A_192 = tpu.memref_slice %arg10[%dma_wait3A_190, %dma_wait3A_191] : memref<10240x128xf32, #tpu.memory_space<vmem_shared>> -> memref<10240x128xf32, #tpu.memory_space<vmem_shared>>
      tpu.wait_indirect_dma semaphore(%arg24 : memref<!tpu.dma_semaphore, #tpu.memory_space<semaphore_mem>>) src(%arg16 : memref<64x128xf32, #tpu.memory_space<vmem>>) dst(%dma_wait3A_192 : memref<10240x128xf32, #tpu.memory_space<vmem_shared>>)
      %dma_start3A_193 = arith.constant 7 : i32
      %dma_start3A_194 = arith.constant 0 : i32
      %dma_start3A_195 = tpu.memref_slice %arg11[%dma_start3A_193, %dma_start3A_194] : memref<8x64xi32, #tpu.memory_space<vmem>> -> memref<1x64xi32, #tpu.memory_space<vmem>>
      %dma_start3A_196 = tpu.memref_squeeze %dma_start3A_195 : memref<1x64xi32, #tpu.memory_space<vmem>> -> memref<64xi32, #tpu.memory_space<vmem>>
      %dma_start3A_197 = arith.constant 0 : i32
      %dma_start3A_198 = arith.constant 0 : i32
      %dma_start3A_199 = tpu.memref_slice %arg2[%dma_start3A_197, %dma_start3A_198] : memref<10000x128xf32, #tpu.memory_space<hbm>> -> memref<10000x128xf32, #tpu.memory_space<hbm>>
      tpu.enqueue_indirect_dma source(%dma_start3A_199 : memref<10000x128xf32, #tpu.memory_space<hbm>>) target(%arg16 : memref<64x128xf32, #tpu.memory_space<vmem>>) offsets(%dma_start3A_196 : memref<64xi32, #tpu.memory_space<vmem>>) semaphore(%arg20 : memref<!tpu.dma_semaphore, #tpu.memory_space<semaphore_mem>>)
      %dma_wait3A_200 = arith.constant 4 : i32
      %dma_wait3A_201 = arith.constant 0 : i32
      %dma_wait3A_202 = tpu.memref_slice %arg11[%dma_wait3A_200, %dma_wait3A_201] : memref<8x64xi32, #tpu.memory_space<vmem>> -> memref<1x64xi32, #tpu.memory_space<vmem>>
      %dma_wait3A_203 = tpu.memref_squeeze %dma_wait3A_202 : memref<1x64xi32, #tpu.memory_space<vmem>> -> memref<64xi32, #tpu.memory_space<vmem>>
      %dma_wait3A_204 = arith.constant 0 : i32
      %dma_wait3A_205 = arith.constant 0 : i32
      %dma_wait3A_206 = tpu.memref_slice %arg2[%dma_wait3A_204, %dma_wait3A_205] : memref<10000x128xf32, #tpu.memory_space<hbm>> -> memref<10000x128xf32, #tpu.memory_space<hbm>>
      tpu.wait_indirect_dma semaphore(%arg17 : memref<!tpu.dma_semaphore, #tpu.memory_space<semaphore_mem>>) src(%dma_wait3A_206 : memref<10000x128xf32, #tpu.memory_space<hbm>>) dst(%arg13 : memref<64x128xf32, #tpu.memory_space<vmem>>)
      %dma_start3A_207 = arith.constant 4 : i32
      %dma_start3A_208 = arith.constant 0 : i32
      %dma_start3A_209 = tpu.memref_slice %arg12[%dma_start3A_207, %dma_start3A_208] : memref<8x64xi32, #tpu.memory_space<vmem>> -> memref<1x64xi32, #tpu.memory_space<vmem>>
      %dma_start3A_210 = tpu.memref_squeeze %dma_start3A_209 : memref<1x64xi32, #tpu.memory_space<vmem>> -> memref<64xi32, #tpu.memory_space<vmem>>
      %dma_start3A_211 = arith.constant 0 : i32
      %dma_start3A_212 = arith.constant 0 : i32
      %dma_start3A_213 = tpu.memref_slice %arg10[%dma_start3A_211, %dma_start3A_212] : memref<10240x128xf32, #tpu.memory_space<vmem_shared>> -> memref<10240x128xf32, #tpu.memory_space<vmem_shared>>
      tpu.enqueue_indirect_dma source(%arg13 : memref<64x128xf32, #tpu.memory_space<vmem>>) target(%dma_start3A_213 : memref<10240x128xf32, #tpu.memory_space<vmem_shared>>) offsets(%dma_start3A_210 : memref<64xi32, #tpu.memory_space<vmem>>) semaphore(%arg21 : memref<!tpu.dma_semaphore, #tpu.memory_space<semaphore_mem>>) {add = true}
      %dma_start3A_214 = arith.constant 4 : i32
      %dma_start3A_215 = arith.constant 0 : i32
      %dma_start3A_216 = tpu.memref_slice %arg12[%dma_start3A_214, %dma_start3A_215] : memref<8x64xi32, #tpu.memory_space<vmem>> -> memref<1x64xi32, #tpu.memory_space<vmem>>
      %dma_start3A_217 = tpu.memref_squeeze %dma_start3A_216 : memref<1x64xi32, #tpu.memory_space<vmem>> -> memref<64xi32, #tpu.memory_space<vmem>>
      %dma_start3A_218 = arith.constant 0 : i32
      %dma_start3A_219 = arith.constant 0 : i32
      %dma_start3A_220 = tpu.memref_slice %arg26[%dma_start3A_218, %dma_start3A_219] : memref<10240x16xf32, #tpu.memory_space<vmem_shared>> -> memref<10240x16xf32, #tpu.memory_space<vmem_shared>>
      tpu.enqueue_indirect_dma source(%arg27 : memref<64x16xf32, #tpu.memory_space<vmem>>) target(%dma_start3A_220 : memref<10240x16xf32, #tpu.memory_space<vmem_shared>>) offsets(%dma_start3A_217 : memref<64xi32, #tpu.memory_space<vmem>>) semaphore(%arg25 : memref<!tpu.dma_semaphore, #tpu.memory_space<semaphore_mem>>) {add = true}
      %dma_wait3A_221 = arith.constant 5 : i32
      %dma_wait3A_222 = arith.constant 0 : i32
      %dma_wait3A_223 = tpu.memref_slice %arg11[%dma_wait3A_221, %dma_wait3A_222] : memref<8x64xi32, #tpu.memory_space<vmem>> -> memref<1x64xi32, #tpu.memory_space<vmem>>
      %dma_wait3A_224 = tpu.memref_squeeze %dma_wait3A_223 : memref<1x64xi32, #tpu.memory_space<vmem>> -> memref<64xi32, #tpu.memory_space<vmem>>
      %dma_wait3A_225 = arith.constant 0 : i32
      %dma_wait3A_226 = arith.constant 0 : i32
      %dma_wait3A_227 = tpu.memref_slice %arg2[%dma_wait3A_225, %dma_wait3A_226] : memref<10000x128xf32, #tpu.memory_space<hbm>> -> memref<10000x128xf32, #tpu.memory_space<hbm>>
      tpu.wait_indirect_dma semaphore(%arg18 : memref<!tpu.dma_semaphore, #tpu.memory_space<semaphore_mem>>) src(%dma_wait3A_227 : memref<10000x128xf32, #tpu.memory_space<hbm>>) dst(%arg14 : memref<64x128xf32, #tpu.memory_space<vmem>>)
      %dma_start3A_228 = arith.constant 5 : i32
      %dma_start3A_229 = arith.constant 0 : i32
      %dma_start3A_230 = tpu.memref_slice %arg12[%dma_start3A_228, %dma_start3A_229] : memref<8x64xi32, #tpu.memory_space<vmem>> -> memref<1x64xi32, #tpu.memory_space<vmem>>
      %dma_start3A_231 = tpu.memref_squeeze %dma_start3A_230 : memref<1x64xi32, #tpu.memory_space<vmem>> -> memref<64xi32, #tpu.memory_space<vmem>>
      %dma_start3A_232 = arith.constant 0 : i32
      %dma_start3A_233 = arith.constant 0 : i32
      %dma_start3A_234 = tpu.memref_slice %arg10[%dma_start3A_232, %dma_start3A_233] : memref<10240x128xf32, #tpu.memory_space<vmem_shared>> -> memref<10240x128xf32, #tpu.memory_space<vmem_shared>>
      tpu.enqueue_indirect_dma source(%arg14 : memref<64x128xf32, #tpu.memory_space<vmem>>) target(%dma_start3A_234 : memref<10240x128xf32, #tpu.memory_space<vmem_shared>>) offsets(%dma_start3A_231 : memref<64xi32, #tpu.memory_space<vmem>>) semaphore(%arg22 : memref<!tpu.dma_semaphore, #tpu.memory_space<semaphore_mem>>) {add = true}
      %dma_start3A_235 = arith.constant 5 : i32
      %dma_start3A_236 = arith.constant 0 : i32
      %dma_start3A_237 = tpu.memref_slice %arg12[%dma_start3A_235, %dma_start3A_236] : memref<8x64xi32, #tpu.memory_space<vmem>> -> memref<1x64xi32, #tpu.memory_space<vmem>>
      %dma_start3A_238 = tpu.memref_squeeze %dma_start3A_237 : memref<1x64xi32, #tpu.memory_space<vmem>> -> memref<64xi32, #tpu.memory_space<vmem>>
      %dma_start3A_239 = arith.constant 0 : i32
      %dma_start3A_240 = arith.constant 0 : i32
      %dma_start3A_241 = tpu.memref_slice %arg26[%dma_start3A_239, %dma_start3A_240] : memref<10240x16xf32, #tpu.memory_space<vmem_shared>> -> memref<10240x16xf32, #tpu.memory_space<vmem_shared>>
      tpu.enqueue_indirect_dma source(%arg27 : memref<64x16xf32, #tpu.memory_space<vmem>>) target(%dma_start3A_241 : memref<10240x16xf32, #tpu.memory_space<vmem_shared>>) offsets(%dma_start3A_238 : memref<64xi32, #tpu.memory_space<vmem>>) semaphore(%arg25 : memref<!tpu.dma_semaphore, #tpu.memory_space<semaphore_mem>>) {add = true}
      %dma_wait3A_242 = arith.constant 6 : i32
      %dma_wait3A_243 = arith.constant 0 : i32
      %dma_wait3A_244 = tpu.memref_slice %arg11[%dma_wait3A_242, %dma_wait3A_243] : memref<8x64xi32, #tpu.memory_space<vmem>> -> memref<1x64xi32, #tpu.memory_space<vmem>>
      %dma_wait3A_245 = tpu.memref_squeeze %dma_wait3A_244 : memref<1x64xi32, #tpu.memory_space<vmem>> -> memref<64xi32, #tpu.memory_space<vmem>>
      %dma_wait3A_246 = arith.constant 0 : i32
      %dma_wait3A_247 = arith.constant 0 : i32
      %dma_wait3A_248 = tpu.memref_slice %arg2[%dma_wait3A_246, %dma_wait3A_247] : memref<10000x128xf32, #tpu.memory_space<hbm>> -> memref<10000x128xf32, #tpu.memory_space<hbm>>
      tpu.wait_indirect_dma semaphore(%arg19 : memref<!tpu.dma_semaphore, #tpu.memory_space<semaphore_mem>>) src(%dma_wait3A_248 : memref<10000x128xf32, #tpu.memory_space<hbm>>) dst(%arg15 : memref<64x128xf32, #tpu.memory_space<vmem>>)
      %dma_start3A_249 = arith.constant 6 : i32
      %dma_start3A_250 = arith.constant 0 : i32
      %dma_start3A_251 = tpu.memref_slice %arg12[%dma_start3A_249, %dma_start3A_250] : memref<8x64xi32, #tpu.memory_space<vmem>> -> memref<1x64xi32, #tpu.memory_space<vmem>>
      %dma_start3A_252 = tpu.memref_squeeze %dma_start3A_251 : memref<1x64xi32, #tpu.memory_space<vmem>> -> memref<64xi32, #tpu.memory_space<vmem>>
      %dma_start3A_253 = arith.constant 0 : i32
      %dma_start3A_254 = arith.constant 0 : i32
      %dma_start3A_255 = tpu.memref_slice %arg10[%dma_start3A_253, %dma_start3A_254] : memref<10240x128xf32, #tpu.memory_space<vmem_shared>> -> memref<10240x128xf32, #tpu.memory_space<vmem_shared>>
      tpu.enqueue_indirect_dma source(%arg15 : memref<64x128xf32, #tpu.memory_space<vmem>>) target(%dma_start3A_255 : memref<10240x128xf32, #tpu.memory_space<vmem_shared>>) offsets(%dma_start3A_252 : memref<64xi32, #tpu.memory_space<vmem>>) semaphore(%arg23 : memref<!tpu.dma_semaphore, #tpu.memory_space<semaphore_mem>>) {add = true}
      %dma_start3A_256 = arith.constant 6 : i32
      %dma_start3A_257 = arith.constant 0 : i32
      %dma_start3A_258 = tpu.memref_slice %arg12[%dma_start3A_256, %dma_start3A_257] : memref<8x64xi32, #tpu.memory_space<vmem>> -> memref<1x64xi32, #tpu.memory_space<vmem>>
      %dma_start3A_259 = tpu.memref_squeeze %dma_start3A_258 : memref<1x64xi32, #tpu.memory_space<vmem>> -> memref<64xi32, #tpu.memory_space<vmem>>
      %dma_start3A_260 = arith.constant 0 : i32
      %dma_start3A_261 = arith.constant 0 : i32
      %dma_start3A_262 = tpu.memref_slice %arg26[%dma_start3A_260, %dma_start3A_261] : memref<10240x16xf32, #tpu.memory_space<vmem_shared>> -> memref<10240x16xf32, #tpu.memory_space<vmem_shared>>
      tpu.enqueue_indirect_dma source(%arg27 : memref<64x16xf32, #tpu.memory_space<vmem>>) target(%dma_start3A_262 : memref<10240x16xf32, #tpu.memory_space<vmem_shared>>) offsets(%dma_start3A_259 : memref<64xi32, #tpu.memory_space<vmem>>) semaphore(%arg25 : memref<!tpu.dma_semaphore, #tpu.memory_space<semaphore_mem>>) {add = true}
      %dma_wait3A_263 = arith.constant 7 : i32
      %dma_wait3A_264 = arith.constant 0 : i32
      %dma_wait3A_265 = tpu.memref_slice %arg11[%dma_wait3A_263, %dma_wait3A_264] : memref<8x64xi32, #tpu.memory_space<vmem>> -> memref<1x64xi32, #tpu.memory_space<vmem>>
      %dma_wait3A_266 = tpu.memref_squeeze %dma_wait3A_265 : memref<1x64xi32, #tpu.memory_space<vmem>> -> memref<64xi32, #tpu.memory_space<vmem>>
      %dma_wait3A_267 = arith.constant 0 : i32
      %dma_wait3A_268 = arith.constant 0 : i32
      %dma_wait3A_269 = tpu.memref_slice %arg2[%dma_wait3A_267, %dma_wait3A_268] : memref<10000x128xf32, #tpu.memory_space<hbm>> -> memref<10000x128xf32, #tpu.memory_space<hbm>>
      tpu.wait_indirect_dma semaphore(%arg20 : memref<!tpu.dma_semaphore, #tpu.memory_space<semaphore_mem>>) src(%dma_wait3A_269 : memref<10000x128xf32, #tpu.memory_space<hbm>>) dst(%arg16 : memref<64x128xf32, #tpu.memory_space<vmem>>)
      %dma_start3A_270 = arith.constant 7 : i32
      %dma_start3A_271 = arith.constant 0 : i32
      %dma_start3A_272 = tpu.memref_slice %arg12[%dma_start3A_270, %dma_start3A_271] : memref<8x64xi32, #tpu.memory_space<vmem>> -> memref<1x64xi32, #tpu.memory_space<vmem>>
      %dma_start3A_273 = tpu.memref_squeeze %dma_start3A_272 : memref<1x64xi32, #tpu.memory_space<vmem>> -> memref<64xi32, #tpu.memory_space<vmem>>
      %dma_start3A_274 = arith.constant 0 : i32
      %dma_start3A_275 = arith.constant 0 : i32
      %dma_start3A_276 = tpu.memref_slice %arg10[%dma_start3A_274, %dma_start3A_275] : memref<10240x128xf32, #tpu.memory_space<vmem_shared>> -> memref<10240x128xf32, #tpu.memory_space<vmem_shared>>
      tpu.enqueue_indirect_dma source(%arg16 : memref<64x128xf32, #tpu.memory_space<vmem>>) target(%dma_start3A_276 : memref<10240x128xf32, #tpu.memory_space<vmem_shared>>) offsets(%dma_start3A_273 : memref<64xi32, #tpu.memory_space<vmem>>) semaphore(%arg24 : memref<!tpu.dma_semaphore, #tpu.memory_space<semaphore_mem>>) {add = true}
      %dma_start3A_277 = arith.constant 7 : i32
      %dma_start3A_278 = arith.constant 0 : i32
      %dma_start3A_279 = tpu.memref_slice %arg12[%dma_start3A_277, %dma_start3A_278] : memref<8x64xi32, #tpu.memory_space<vmem>> -> memref<1x64xi32, #tpu.memory_space<vmem>>
      %dma_start3A_280 = tpu.memref_squeeze %dma_start3A_279 : memref<1x64xi32, #tpu.memory_space<vmem>> -> memref<64xi32, #tpu.memory_space<vmem>>
      %dma_start3A_281 = arith.constant 0 : i32
      %dma_start3A_282 = arith.constant 0 : i32
      %dma_start3A_283 = tpu.memref_slice %arg26[%dma_start3A_281, %dma_start3A_282] : memref<10240x16xf32, #tpu.memory_space<vmem_shared>> -> memref<10240x16xf32, #tpu.memory_space<vmem_shared>>
      tpu.enqueue_indirect_dma source(%arg27 : memref<64x16xf32, #tpu.memory_space<vmem>>) target(%dma_start3A_283 : memref<10240x16xf32, #tpu.memory_space<vmem_shared>>) offsets(%dma_start3A_280 : memref<64xi32, #tpu.memory_space<vmem>>) semaphore(%arg25 : memref<!tpu.dma_semaphore, #tpu.memory_space<semaphore_mem>>) {add = true}
      %dma_wait3A_284 = arith.constant 4 : i32
      %dma_wait3A_285 = arith.constant 0 : i32
      %dma_wait3A_286 = tpu.memref_slice %arg12[%dma_wait3A_284, %dma_wait3A_285] : memref<8x64xi32, #tpu.memory_space<vmem>> -> memref<1x64xi32, #tpu.memory_space<vmem>>
      %dma_wait3A_287 = tpu.memref_squeeze %dma_wait3A_286 : memref<1x64xi32, #tpu.memory_space<vmem>> -> memref<64xi32, #tpu.memory_space<vmem>>
      %dma_wait3A_288 = arith.constant 0 : i32
      %dma_wait3A_289 = arith.constant 0 : i32
      %dma_wait3A_290 = tpu.memref_slice %arg10[%dma_wait3A_288, %dma_wait3A_289] : memref<10240x128xf32, #tpu.memory_space<vmem_shared>> -> memref<10240x128xf32, #tpu.memory_space<vmem_shared>>
      tpu.wait_indirect_dma semaphore(%arg21 : memref<!tpu.dma_semaphore, #tpu.memory_space<semaphore_mem>>) src(%arg13 : memref<64x128xf32, #tpu.memory_space<vmem>>) dst(%dma_wait3A_290 : memref<10240x128xf32, #tpu.memory_space<vmem_shared>>)
      %dma_wait3A_291 = arith.constant 5 : i32
      %dma_wait3A_292 = arith.constant 0 : i32
      %dma_wait3A_293 = tpu.memref_slice %arg12[%dma_wait3A_291, %dma_wait3A_292] : memref<8x64xi32, #tpu.memory_space<vmem>> -> memref<1x64xi32, #tpu.memory_space<vmem>>
      %dma_wait3A_294 = tpu.memref_squeeze %dma_wait3A_293 : memref<1x64xi32, #tpu.memory_space<vmem>> -> memref<64xi32, #tpu.memory_space<vmem>>
      %dma_wait3A_295 = arith.constant 0 : i32
      %dma_wait3A_296 = arith.constant 0 : i32
      %dma_wait3A_297 = tpu.memref_slice %arg10[%dma_wait3A_295, %dma_wait3A_296] : memref<10240x128xf32, #tpu.memory_space<vmem_shared>> -> memref<10240x128xf32, #tpu.memory_space<vmem_shared>>
      tpu.wait_indirect_dma semaphore(%arg22 : memref<!tpu.dma_semaphore, #tpu.memory_space<semaphore_mem>>) src(%arg14 : memref<64x128xf32, #tpu.memory_space<vmem>>) dst(%dma_wait3A_297 : memref<10240x128xf32, #tpu.memory_space<vmem_shared>>)
      %dma_wait3A_298 = arith.constant 6 : i32
      %dma_wait3A_299 = arith.constant 0 : i32
      %dma_wait3A_300 = tpu.memref_slice %arg12[%dma_wait3A_298, %dma_wait3A_299] : memref<8x64xi32, #tpu.memory_space<vmem>> -> memref<1x64xi32, #tpu.memory_space<vmem>>
      %dma_wait3A_301 = tpu.memref_squeeze %dma_wait3A_300 : memref<1x64xi32, #tpu.memory_space<vmem>> -> memref<64xi32, #tpu.memory_space<vmem>>
      %dma_wait3A_302 = arith.constant 0 : i32
      %dma_wait3A_303 = arith.constant 0 : i32
      %dma_wait3A_304 = tpu.memref_slice %arg10[%dma_wait3A_302, %dma_wait3A_303] : memref<10240x128xf32, #tpu.memory_space<vmem_shared>> -> memref<10240x128xf32, #tpu.memory_space<vmem_shared>>
      tpu.wait_indirect_dma semaphore(%arg23 : memref<!tpu.dma_semaphore, #tpu.memory_space<semaphore_mem>>) src(%arg15 : memref<64x128xf32, #tpu.memory_space<vmem>>) dst(%dma_wait3A_304 : memref<10240x128xf32, #tpu.memory_space<vmem_shared>>)
      %dma_wait3A_305 = arith.constant 7 : i32
      %dma_wait3A_306 = arith.constant 0 : i32
      %dma_wait3A_307 = tpu.memref_slice %arg12[%dma_wait3A_305, %dma_wait3A_306] : memref<8x64xi32, #tpu.memory_space<vmem>> -> memref<1x64xi32, #tpu.memory_space<vmem>>
      %dma_wait3A_308 = tpu.memref_squeeze %dma_wait3A_307 : memref<1x64xi32, #tpu.memory_space<vmem>> -> memref<64xi32, #tpu.memory_space<vmem>>
      %dma_wait3A_309 = arith.constant 0 : i32
      %dma_wait3A_310 = arith.constant 0 : i32
      %dma_wait3A_311 = tpu.memref_slice %arg10[%dma_wait3A_309, %dma_wait3A_310] : memref<10240x128xf32, #tpu.memory_space<vmem_shared>> -> memref<10240x128xf32, #tpu.memory_space<vmem_shared>>
      tpu.wait_indirect_dma semaphore(%arg24 : memref<!tpu.dma_semaphore, #tpu.memory_space<semaphore_mem>>) src(%arg16 : memref<64x128xf32, #tpu.memory_space<vmem>>) dst(%dma_wait3A_311 : memref<10240x128xf32, #tpu.memory_space<vmem_shared>>)
      %dma_wait3A_312 = arith.constant 0 : i32
      %dma_wait3A_313 = arith.constant 0 : i32
      %dma_wait3A_314 = tpu.memref_slice %arg12[%dma_wait3A_312, %dma_wait3A_313] : memref<8x64xi32, #tpu.memory_space<vmem>> -> memref<1x64xi32, #tpu.memory_space<vmem>>
      %dma_wait3A_315 = tpu.memref_squeeze %dma_wait3A_314 : memref<1x64xi32, #tpu.memory_space<vmem>> -> memref<64xi32, #tpu.memory_space<vmem>>
      %dma_wait3A_316 = arith.constant 0 : i32
      %dma_wait3A_317 = arith.constant 0 : i32
      %dma_wait3A_318 = tpu.memref_slice %arg26[%dma_wait3A_316, %dma_wait3A_317] : memref<10240x16xf32, #tpu.memory_space<vmem_shared>> -> memref<10240x16xf32, #tpu.memory_space<vmem_shared>>
      tpu.wait_indirect_dma semaphore(%arg25 : memref<!tpu.dma_semaphore, #tpu.memory_space<semaphore_mem>>) src(%arg27 : memref<64x16xf32, #tpu.memory_space<vmem>>) dst(%dma_wait3A_318 : memref<10240x16xf32, #tpu.memory_space<vmem_shared>>)
      %dma_wait3A_319 = arith.constant 1 : i32
      %dma_wait3A_320 = arith.constant 0 : i32
      %dma_wait3A_321 = tpu.memref_slice %arg12[%dma_wait3A_319, %dma_wait3A_320] : memref<8x64xi32, #tpu.memory_space<vmem>> -> memref<1x64xi32, #tpu.memory_space<vmem>>
      %dma_wait3A_322 = tpu.memref_squeeze %dma_wait3A_321 : memref<1x64xi32, #tpu.memory_space<vmem>> -> memref<64xi32, #tpu.memory_space<vmem>>
      %dma_wait3A_323 = arith.constant 0 : i32
      %dma_wait3A_324 = arith.constant 0 : i32
      %dma_wait3A_325 = tpu.memref_slice %arg26[%dma_wait3A_323, %dma_wait3A_324] : memref<10240x16xf32, #tpu.memory_space<vmem_shared>> -> memref<10240x16xf32, #tpu.memory_space<vmem_shared>>
      tpu.wait_indirect_dma semaphore(%arg25 : memref<!tpu.dma_semaphore, #tpu.memory_space<semaphore_mem>>) src(%arg27 : memref<64x16xf32, #tpu.memory_space<vmem>>) dst(%dma_wait3A_325 : memref<10240x16xf32, #tpu.memory_space<vmem_shared>>)
      %dma_wait3A_326 = arith.constant 2 : i32
      %dma_wait3A_327 = arith.constant 0 : i32
      %dma_wait3A_328 = tpu.memref_slice %arg12[%dma_wait3A_326, %dma_wait3A_327] : memref<8x64xi32, #tpu.memory_space<vmem>> -> memref<1x64xi32, #tpu.memory_space<vmem>>
      %dma_wait3A_329 = tpu.memref_squeeze %dma_wait3A_328 : memref<1x64xi32, #tpu.memory_space<vmem>> -> memref<64xi32, #tpu.memory_space<vmem>>
      %dma_wait3A_330 = arith.constant 0 : i32
      %dma_wait3A_331 = arith.constant 0 : i32
      %dma_wait3A_332 = tpu.memref_slice %arg26[%dma_wait3A_330, %dma_wait3A_331] : memref<10240x16xf32, #tpu.memory_space<vmem_shared>> -> memref<10240x16xf32, #tpu.memory_space<vmem_shared>>
      tpu.wait_indirect_dma semaphore(%arg25 : memref<!tpu.dma_semaphore, #tpu.memory_space<semaphore_mem>>) src(%arg27 : memref<64x16xf32, #tpu.memory_space<vmem>>) dst(%dma_wait3A_332 : memref<10240x16xf32, #tpu.memory_space<vmem_shared>>)
      %dma_wait3A_333 = arith.constant 3 : i32
      %dma_wait3A_334 = arith.constant 0 : i32
      %dma_wait3A_335 = tpu.memref_slice %arg12[%dma_wait3A_333, %dma_wait3A_334] : memref<8x64xi32, #tpu.memory_space<vmem>> -> memref<1x64xi32, #tpu.memory_space<vmem>>
      %dma_wait3A_336 = tpu.memref_squeeze %dma_wait3A_335 : memref<1x64xi32, #tpu.memory_space<vmem>> -> memref<64xi32, #tpu.memory_space<vmem>>
      %dma_wait3A_337 = arith.constant 0 : i32
      %dma_wait3A_338 = arith.constant 0 : i32
      %dma_wait3A_339 = tpu.memref_slice %arg26[%dma_wait3A_337, %dma_wait3A_338] : memref<10240x16xf32, #tpu.memory_space<vmem_shared>> -> memref<10240x16xf32, #tpu.memory_space<vmem_shared>>
      tpu.wait_indirect_dma semaphore(%arg25 : memref<!tpu.dma_semaphore, #tpu.memory_space<semaphore_mem>>) src(%arg27 : memref<64x16xf32, #tpu.memory_space<vmem>>) dst(%dma_wait3A_339 : memref<10240x16xf32, #tpu.memory_space<vmem_shared>>)
      %dma_wait3A_340 = arith.constant 4 : i32
      %dma_wait3A_341 = arith.constant 0 : i32
      %dma_wait3A_342 = tpu.memref_slice %arg12[%dma_wait3A_340, %dma_wait3A_341] : memref<8x64xi32, #tpu.memory_space<vmem>> -> memref<1x64xi32, #tpu.memory_space<vmem>>
      %dma_wait3A_343 = tpu.memref_squeeze %dma_wait3A_342 : memref<1x64xi32, #tpu.memory_space<vmem>> -> memref<64xi32, #tpu.memory_space<vmem>>
      %dma_wait3A_344 = arith.constant 0 : i32
      %dma_wait3A_345 = arith.constant 0 : i32
      %dma_wait3A_346 = tpu.memref_slice %arg26[%dma_wait3A_344, %dma_wait3A_345] : memref<10240x16xf32, #tpu.memory_space<vmem_shared>> -> memref<10240x16xf32, #tpu.memory_space<vmem_shared>>
      tpu.wait_indirect_dma semaphore(%arg25 : memref<!tpu.dma_semaphore, #tpu.memory_space<semaphore_mem>>) src(%arg27 : memref<64x16xf32, #tpu.memory_space<vmem>>) dst(%dma_wait3A_346 : memref<10240x16xf32, #tpu.memory_space<vmem_shared>>)
      %dma_wait3A_347 = arith.constant 5 : i32
      %dma_wait3A_348 = arith.constant 0 : i32
      %dma_wait3A_349 = tpu.memref_slice %arg12[%dma_wait3A_347, %dma_wait3A_348] : memref<8x64xi32, #tpu.memory_space<vmem>> -> memref<1x64xi32, #tpu.memory_space<vmem>>
      %dma_wait3A_350 = tpu.memref_squeeze %dma_wait3A_349 : memref<1x64xi32, #tpu.memory_space<vmem>> -> memref<64xi32, #tpu.memory_space<vmem>>
      %dma_wait3A_351 = arith.constant 0 : i32
      %dma_wait3A_352 = arith.constant 0 : i32
      %dma_wait3A_353 = tpu.memref_slice %arg26[%dma_wait3A_351, %dma_wait3A_352] : memref<10240x16xf32, #tpu.memory_space<vmem_shared>> -> memref<10240x16xf32, #tpu.memory_space<vmem_shared>>
      tpu.wait_indirect_dma semaphore(%arg25 : memref<!tpu.dma_semaphore, #tpu.memory_space<semaphore_mem>>) src(%arg27 : memref<64x16xf32, #tpu.memory_space<vmem>>) dst(%dma_wait3A_353 : memref<10240x16xf32, #tpu.memory_space<vmem_shared>>)
      %dma_wait3A_354 = arith.constant 6 : i32
      %dma_wait3A_355 = arith.constant 0 : i32
      %dma_wait3A_356 = tpu.memref_slice %arg12[%dma_wait3A_354, %dma_wait3A_355] : memref<8x64xi32, #tpu.memory_space<vmem>> -> memref<1x64xi32, #tpu.memory_space<vmem>>
      %dma_wait3A_357 = tpu.memref_squeeze %dma_wait3A_356 : memref<1x64xi32, #tpu.memory_space<vmem>> -> memref<64xi32, #tpu.memory_space<vmem>>
      %dma_wait3A_358 = arith.constant 0 : i32
      %dma_wait3A_359 = arith.constant 0 : i32
      %dma_wait3A_360 = tpu.memref_slice %arg26[%dma_wait3A_358, %dma_wait3A_359] : memref<10240x16xf32, #tpu.memory_space<vmem_shared>> -> memref<10240x16xf32, #tpu.memory_space<vmem_shared>>
      tpu.wait_indirect_dma semaphore(%arg25 : memref<!tpu.dma_semaphore, #tpu.memory_space<semaphore_mem>>) src(%arg27 : memref<64x16xf32, #tpu.memory_space<vmem>>) dst(%dma_wait3A_360 : memref<10240x16xf32, #tpu.memory_space<vmem_shared>>)
      %dma_wait3A_361 = arith.constant 7 : i32
      %dma_wait3A_362 = arith.constant 0 : i32
      %dma_wait3A_363 = tpu.memref_slice %arg12[%dma_wait3A_361, %dma_wait3A_362] : memref<8x64xi32, #tpu.memory_space<vmem>> -> memref<1x64xi32, #tpu.memory_space<vmem>>
      %dma_wait3A_364 = tpu.memref_squeeze %dma_wait3A_363 : memref<1x64xi32, #tpu.memory_space<vmem>> -> memref<64xi32, #tpu.memory_space<vmem>>
      %dma_wait3A_365 = arith.constant 0 : i32
      %dma_wait3A_366 = arith.constant 0 : i32
      %dma_wait3A_367 = tpu.memref_slice %arg26[%dma_wait3A_365, %dma_wait3A_366] : memref<10240x16xf32, #tpu.memory_space<vmem_shared>> -> memref<10240x16xf32, #tpu.memory_space<vmem_shared>>
      tpu.wait_indirect_dma semaphore(%arg25 : memref<!tpu.dma_semaphore, #tpu.memory_space<semaphore_mem>>) src(%arg27 : memref<64x16xf32, #tpu.memory_space<vmem>>) dst(%dma_wait3A_367 : memref<10240x16xf32, #tpu.memory_space<vmem_shared>>)
    }
    %while3A_26 = arith.constant 1 : i32
    scf.for %while3A_28 = %while3A_24 to %while3A_20 step %while3A_26  : i32 {
      %mul3A_29 = arith.muli %while3A_28, %while3A : i32
      %add3A_30 = arith.addi %while3A_17, %mul3A_29 : i32
      %mul3A_31 = arith.constant 8 : i32
      %mul3A_32 = arith.muli %add3A_30, %mul3A_31 : i32
      %add3A_33 = arith.addi %select_n3A, %mul3A_32 : i32
      "tpu.region"() ({
        %run_scoped3A = tpu.sem_alloc : memref<!tpu.dma_semaphore, #tpu.memory_space<semaphore_mem>>
        %dma_start3A_368 = arith.constant 0 : i32
        %dma_start3A_369 = tpu.memref_slice %arg3[%add3A_33, %dma_start3A_368] : memref<5120x64xi32, #tpu.memory_space<hbm>> -> memref<8x64xi32, #tpu.memory_space<hbm>>
        %dma_start3A_370 = arith.constant 0 : i32
        %dma_start3A_371 = tpu.memref_slice %arg3[%add3A_33, %dma_start3A_370] : memref<5120x64xi32, #tpu.memory_space<hbm>> -> memref<8x64xi32, #tpu.memory_space<hbm>>
        tpu.enqueue_dma source(%dma_start3A_371 : memref<8x64xi32, #tpu.memory_space<hbm>>) target(%arg11 : memref<8x64xi32, #tpu.memory_space<vmem>>) target_semaphore(%run_scoped3A : memref<!tpu.dma_semaphore, #tpu.memory_space<semaphore_mem>>)
        %dma_wait3A_372 = arith.constant 0 : i32
        %dma_wait3A_373 = tpu.memref_slice %arg3[%add3A_33, %dma_wait3A_372] : memref<5120x64xi32, #tpu.memory_space<hbm>> -> memref<8x64xi32, #tpu.memory_space<hbm>>
        %dma_wait3A_374 = arith.constant 0 : i32
        %dma_wait3A_375 = tpu.memref_slice %arg3[%add3A_33, %dma_wait3A_374] : memref<5120x64xi32, #tpu.memory_space<hbm>> -> memref<8x64xi32, #tpu.memory_space<hbm>>
        tpu.wait_dma2 semaphore(%run_scoped3A : memref<!tpu.dma_semaphore, #tpu.memory_space<semaphore_mem>>) src(%dma_wait3A_375 : memref<8x64xi32, #tpu.memory_space<hbm>>) dst(%arg11 : memref<8x64xi32, #tpu.memory_space<vmem>>)
        tpu.yield
      }) : () -> ()
      "tpu.region"() ({
        %run_scoped3A = tpu.sem_alloc : memref<!tpu.dma_semaphore, #tpu.memory_space<semaphore_mem>>
        %dma_start3A_368 = arith.constant 0 : i32
        %dma_start3A_369 = tpu.memref_slice %arg4[%add3A_33, %dma_start3A_368] : memref<5120x64xi32, #tpu.memory_space<hbm>> -> memref<8x64xi32, #tpu.memory_space<hbm>>
        %dma_start3A_370 = arith.constant 0 : i32
        %dma_start3A_371 = tpu.memref_slice %arg4[%add3A_33, %dma_start3A_370] : memref<5120x64xi32, #tpu.memory_space<hbm>> -> memref<8x64xi32, #tpu.memory_space<hbm>>
        tpu.enqueue_dma source(%dma_start3A_371 : memref<8x64xi32, #tpu.memory_space<hbm>>) target(%arg12 : memref<8x64xi32, #tpu.memory_space<vmem>>) target_semaphore(%run_scoped3A : memref<!tpu.dma_semaphore, #tpu.memory_space<semaphore_mem>>)
        %dma_wait3A_372 = arith.constant 0 : i32
        %dma_wait3A_373 = tpu.memref_slice %arg4[%add3A_33, %dma_wait3A_372] : memref<5120x64xi32, #tpu.memory_space<hbm>> -> memref<8x64xi32, #tpu.memory_space<hbm>>
        %dma_wait3A_374 = arith.constant 0 : i32
        %dma_wait3A_375 = tpu.memref_slice %arg4[%add3A_33, %dma_wait3A_374] : memref<5120x64xi32, #tpu.memory_space<hbm>> -> memref<8x64xi32, #tpu.memory_space<hbm>>
        tpu.wait_dma2 semaphore(%run_scoped3A : memref<!tpu.dma_semaphore, #tpu.memory_space<semaphore_mem>>) src(%dma_wait3A_375 : memref<8x64xi32, #tpu.memory_space<hbm>>) dst(%arg12 : memref<8x64xi32, #tpu.memory_space<vmem>>)
        tpu.yield
      }) : () -> ()
      %dma_start3A = arith.constant 0 : i32
      %dma_start3A_34 = arith.constant 0 : i32
      %dma_start3A_35 = tpu.memref_slice %arg11[%dma_start3A, %dma_start3A_34] : memref<8x64xi32, #tpu.memory_space<vmem>> -> memref<1x64xi32, #tpu.memory_space<vmem>>
      %dma_start3A_36 = tpu.memref_squeeze %dma_start3A_35 : memref<1x64xi32, #tpu.memory_space<vmem>> -> memref<64xi32, #tpu.memory_space<vmem>>
      %dma_start3A_37 = arith.constant 0 : i32
      %dma_start3A_38 = arith.constant 0 : i32
      %dma_start3A_39 = tpu.memref_slice %arg2[%dma_start3A_37, %dma_start3A_38] : memref<10000x128xf32, #tpu.memory_space<hbm>> -> memref<10000x128xf32, #tpu.memory_space<hbm>>
      tpu.enqueue_indirect_dma source(%dma_start3A_39 : memref<10000x128xf32, #tpu.memory_space<hbm>>) target(%arg13 : memref<64x128xf32, #tpu.memory_space<vmem>>) offsets(%dma_start3A_36 : memref<64xi32, #tpu.memory_space<vmem>>) semaphore(%arg17 : memref<!tpu.dma_semaphore, #tpu.memory_space<semaphore_mem>>)
      %dma_start3A_40 = arith.constant 1 : i32
      %dma_start3A_41 = arith.constant 0 : i32
      %dma_start3A_42 = tpu.memref_slice %arg11[%dma_start3A_40, %dma_start3A_41] : memref<8x64xi32, #tpu.memory_space<vmem>> -> memref<1x64xi32, #tpu.memory_space<vmem>>
      %dma_start3A_43 = tpu.memref_squeeze %dma_start3A_42 : memref<1x64xi32, #tpu.memory_space<vmem>> -> memref<64xi32, #tpu.memory_space<vmem>>
      %dma_start3A_44 = arith.constant 0 : i32
      %dma_start3A_45 = arith.constant 0 : i32
      %dma_start3A_46 = tpu.memref_slice %arg2[%dma_start3A_44, %dma_start3A_45] : memref<10000x128xf32, #tpu.memory_space<hbm>> -> memref<10000x128xf32, #tpu.memory_space<hbm>>
      tpu.enqueue_indirect_dma source(%dma_start3A_46 : memref<10000x128xf32, #tpu.memory_space<hbm>>) target(%arg14 : memref<64x128xf32, #tpu.memory_space<vmem>>) offsets(%dma_start3A_43 : memref<64xi32, #tpu.memory_space<vmem>>) semaphore(%arg18 : memref<!tpu.dma_semaphore, #tpu.memory_space<semaphore_mem>>)
      %dma_start3A_47 = arith.constant 2 : i32
      %dma_start3A_48 = arith.constant 0 : i32
      %dma_start3A_49 = tpu.memref_slice %arg11[%dma_start3A_47, %dma_start3A_48] : memref<8x64xi32, #tpu.memory_space<vmem>> -> memref<1x64xi32, #tpu.memory_space<vmem>>
      %dma_start3A_50 = tpu.memref_squeeze %dma_start3A_49 : memref<1x64xi32, #tpu.memory_space<vmem>> -> memref<64xi32, #tpu.memory_space<vmem>>
      %dma_start3A_51 = arith.constant 0 : i32
      %dma_start3A_52 = arith.constant 0 : i32
      %dma_start3A_53 = tpu.memref_slice %arg2[%dma_start3A_51, %dma_start3A_52] : memref<10000x128xf32, #tpu.memory_space<hbm>> -> memref<10000x128xf32, #tpu.memory_space<hbm>>
      tpu.enqueue_indirect_dma source(%dma_start3A_53 : memref<10000x128xf32, #tpu.memory_space<hbm>>) target(%arg15 : memref<64x128xf32, #tpu.memory_space<vmem>>) offsets(%dma_start3A_50 : memref<64xi32, #tpu.memory_space<vmem>>) semaphore(%arg19 : memref<!tpu.dma_semaphore, #tpu.memory_space<semaphore_mem>>)
      %dma_start3A_54 = arith.constant 3 : i32
      %dma_start3A_55 = arith.constant 0 : i32
      %dma_start3A_56 = tpu.memref_slice %arg11[%dma_start3A_54, %dma_start3A_55] : memref<8x64xi32, #tpu.memory_space<vmem>> -> memref<1x64xi32, #tpu.memory_space<vmem>>
      %dma_start3A_57 = tpu.memref_squeeze %dma_start3A_56 : memref<1x64xi32, #tpu.memory_space<vmem>> -> memref<64xi32, #tpu.memory_space<vmem>>
      %dma_start3A_58 = arith.constant 0 : i32
      %dma_start3A_59 = arith.constant 0 : i32
      %dma_start3A_60 = tpu.memref_slice %arg2[%dma_start3A_58, %dma_start3A_59] : memref<10000x128xf32, #tpu.memory_space<hbm>> -> memref<10000x128xf32, #tpu.memory_space<hbm>>
      tpu.enqueue_indirect_dma source(%dma_start3A_60 : memref<10000x128xf32, #tpu.memory_space<hbm>>) target(%arg16 : memref<64x128xf32, #tpu.memory_space<vmem>>) offsets(%dma_start3A_57 : memref<64xi32, #tpu.memory_space<vmem>>) semaphore(%arg20 : memref<!tpu.dma_semaphore, #tpu.memory_space<semaphore_mem>>)
      %dma_wait3A = arith.constant 0 : i32
      %dma_wait3A_61 = arith.constant 0 : i32
      %dma_wait3A_62 = tpu.memref_slice %arg11[%dma_wait3A, %dma_wait3A_61] : memref<8x64xi32, #tpu.memory_space<vmem>> -> memref<1x64xi32, #tpu.memory_space<vmem>>
      %dma_wait3A_63 = tpu.memref_squeeze %dma_wait3A_62 : memref<1x64xi32, #tpu.memory_space<vmem>> -> memref<64xi32, #tpu.memory_space<vmem>>
      %dma_wait3A_64 = arith.constant 0 : i32
      %dma_wait3A_65 = arith.constant 0 : i32
      %dma_wait3A_66 = tpu.memref_slice %arg2[%dma_wait3A_64, %dma_wait3A_65] : memref<10000x128xf32, #tpu.memory_space<hbm>> -> memref<10000x128xf32, #tpu.memory_space<hbm>>
      tpu.wait_indirect_dma semaphore(%arg17 : memref<!tpu.dma_semaphore, #tpu.memory_space<semaphore_mem>>) src(%dma_wait3A_66 : memref<10000x128xf32, #tpu.memory_space<hbm>>) dst(%arg13 : memref<64x128xf32, #tpu.memory_space<vmem>>)
      %dma_start3A_67 = arith.constant 0 : i32
      %dma_start3A_68 = arith.constant 0 : i32
      %dma_start3A_69 = tpu.memref_slice %arg12[%dma_start3A_67, %dma_start3A_68] : memref<8x64xi32, #tpu.memory_space<vmem>> -> memref<1x64xi32, #tpu.memory_space<vmem>>
      %dma_start3A_70 = tpu.memref_squeeze %dma_start3A_69 : memref<1x64xi32, #tpu.memory_space<vmem>> -> memref<64xi32, #tpu.memory_space<vmem>>
      %dma_start3A_71 = arith.constant 0 : i32
      %dma_start3A_72 = arith.constant 0 : i32
      %dma_start3A_73 = tpu.memref_slice %arg10[%dma_start3A_71, %dma_start3A_72] : memref<10240x128xf32, #tpu.memory_space<vmem_shared>> -> memref<10240x128xf32, #tpu.memory_space<vmem_shared>>
      tpu.enqueue_indirect_dma source(%arg13 : memref<64x128xf32, #tpu.memory_space<vmem>>) target(%dma_start3A_73 : memref<10240x128xf32, #tpu.memory_space<vmem_shared>>) offsets(%dma_start3A_70 : memref<64xi32, #tpu.memory_space<vmem>>) semaphore(%arg21 : memref<!tpu.dma_semaphore, #tpu.memory_space<semaphore_mem>>) {add = true}
      %dma_start3A_74 = arith.constant 0 : i32
      %dma_start3A_75 = arith.constant 0 : i32
      %dma_start3A_76 = tpu.memref_slice %arg12[%dma_start3A_74, %dma_start3A_75] : memref<8x64xi32, #tpu.memory_space<vmem>> -> memref<1x64xi32, #tpu.memory_space<vmem>>
      %dma_start3A_77 = tpu.memref_squeeze %dma_start3A_76 : memref<1x64xi32, #tpu.memory_space<vmem>> -> memref<64xi32, #tpu.memory_space<vmem>>
      %dma_start3A_78 = arith.constant 0 : i32
      %dma_start3A_79 = arith.constant 0 : i32
      %dma_start3A_80 = tpu.memref_slice %arg26[%dma_start3A_78, %dma_start3A_79] : memref<10240x16xf32, #tpu.memory_space<vmem_shared>> -> memref<10240x16xf32, #tpu.memory_space<vmem_shared>>
      tpu.enqueue_indirect_dma source(%arg27 : memref<64x16xf32, #tpu.memory_space<vmem>>) target(%dma_start3A_80 : memref<10240x16xf32, #tpu.memory_space<vmem_shared>>) offsets(%dma_start3A_77 : memref<64xi32, #tpu.memory_space<vmem>>) semaphore(%arg25 : memref<!tpu.dma_semaphore, #tpu.memory_space<semaphore_mem>>) {add = true}
      %dma_wait3A_81 = arith.constant 0 : i32
      %dma_wait3A_82 = arith.constant 0 : i32
      %dma_wait3A_83 = tpu.memref_slice %arg12[%dma_wait3A_81, %dma_wait3A_82] : memref<8x64xi32, #tpu.memory_space<vmem>> -> memref<1x64xi32, #tpu.memory_space<vmem>>
      %dma_wait3A_84 = tpu.memref_squeeze %dma_wait3A_83 : memref<1x64xi32, #tpu.memory_space<vmem>> -> memref<64xi32, #tpu.memory_space<vmem>>
      %dma_wait3A_85 = arith.constant 0 : i32
      %dma_wait3A_86 = arith.constant 0 : i32
      %dma_wait3A_87 = tpu.memref_slice %arg10[%dma_wait3A_85, %dma_wait3A_86] : memref<10240x128xf32, #tpu.memory_space<vmem_shared>> -> memref<10240x128xf32, #tpu.memory_space<vmem_shared>>
      tpu.wait_indirect_dma semaphore(%arg21 : memref<!tpu.dma_semaphore, #tpu.memory_space<semaphore_mem>>) src(%arg13 : memref<64x128xf32, #tpu.memory_space<vmem>>) dst(%dma_wait3A_87 : memref<10240x128xf32, #tpu.memory_space<vmem_shared>>)
      %dma_start3A_88 = arith.constant 4 : i32
      %dma_start3A_89 = arith.constant 0 : i32
      %dma_start3A_90 = tpu.memref_slice %arg11[%dma_start3A_88, %dma_start3A_89] : memref<8x64xi32, #tpu.memory_space<vmem>> -> memref<1x64xi32, #tpu.memory_space<vmem>>
      %dma_start3A_91 = tpu.memref_squeeze %dma_start3A_90 : memref<1x64xi32, #tpu.memory_space<vmem>> -> memref<64xi32, #tpu.memory_space<vmem>>
      %dma_start3A_92 = arith.constant 0 : i32
      %dma_start3A_93 = arith.constant 0 : i32
      %dma_start3A_94 = tpu.memref_slice %arg2[%dma_start3A_92, %dma_start3A_93] : memref<10000x128xf32, #tpu.memory_space<hbm>> -> memref<10000x128xf32, #tpu.memory_space<hbm>>
      tpu.enqueue_indirect_dma source(%dma_start3A_94 : memref<10000x128xf32, #tpu.memory_space<hbm>>) target(%arg13 : memref<64x128xf32, #tpu.memory_space<vmem>>) offsets(%dma_start3A_91 : memref<64xi32, #tpu.memory_space<vmem>>) semaphore(%arg17 : memref<!tpu.dma_semaphore, #tpu.memory_space<semaphore_mem>>)
      %dma_wait3A_95 = arith.constant 1 : i32
      %dma_wait3A_96 = arith.constant 0 : i32
      %dma_wait3A_97 = tpu.memref_slice %arg11[%dma_wait3A_95, %dma_wait3A_96] : memref<8x64xi32, #tpu.memory_space<vmem>> -> memref<1x64xi32, #tpu.memory_space<vmem>>
      %dma_wait3A_98 = tpu.memref_squeeze %dma_wait3A_97 : memref<1x64xi32, #tpu.memory_space<vmem>> -> memref<64xi32, #tpu.memory_space<vmem>>
      %dma_wait3A_99 = arith.constant 0 : i32
      %dma_wait3A_100 = arith.constant 0 : i32
      %dma_wait3A_101 = tpu.memref_slice %arg2[%dma_wait3A_99, %dma_wait3A_100] : memref<10000x128xf32, #tpu.memory_space<hbm>> -> memref<10000x128xf32, #tpu.memory_space<hbm>>
      tpu.wait_indirect_dma semaphore(%arg18 : memref<!tpu.dma_semaphore, #tpu.memory_space<semaphore_mem>>) src(%dma_wait3A_101 : memref<10000x128xf32, #tpu.memory_space<hbm>>) dst(%arg14 : memref<64x128xf32, #tpu.memory_space<vmem>>)
      %dma_start3A_102 = arith.constant 1 : i32
      %dma_start3A_103 = arith.constant 0 : i32
      %dma_start3A_104 = tpu.memref_slice %arg12[%dma_start3A_102, %dma_start3A_103] : memref<8x64xi32, #tpu.memory_space<vmem>> -> memref<1x64xi32, #tpu.memory_space<vmem>>
      %dma_start3A_105 = tpu.memref_squeeze %dma_start3A_104 : memref<1x64xi32, #tpu.memory_space<vmem>> -> memref<64xi32, #tpu.memory_space<vmem>>
      %dma_start3A_106 = arith.constant 0 : i32
      %dma_start3A_107 = arith.constant 0 : i32
      %dma_start3A_108 = tpu.memref_slice %arg10[%dma_start3A_106, %dma_start3A_107] : memref<10240x128xf32, #tpu.memory_space<vmem_shared>> -> memref<10240x128xf32, #tpu.memory_space<vmem_shared>>
      tpu.enqueue_indirect_dma source(%arg14 : memref<64x128xf32, #tpu.memory_space<vmem>>) target(%dma_start3A_108 : memref<10240x128xf32, #tpu.memory_space<vmem_shared>>) offsets(%dma_start3A_105 : memref<64xi32, #tpu.memory_space<vmem>>) semaphore(%arg22 : memref<!tpu.dma_semaphore, #tpu.memory_space<semaphore_mem>>) {add = true}
      %dma_start3A_109 = arith.constant 1 : i32
      %dma_start3A_110 = arith.constant 0 : i32
      %dma_start3A_111 = tpu.memref_slice %arg12[%dma_start3A_109, %dma_start3A_110] : memref<8x64xi32, #tpu.memory_space<vmem>> -> memref<1x64xi32, #tpu.memory_space<vmem>>
      %dma_start3A_112 = tpu.memref_squeeze %dma_start3A_111 : memref<1x64xi32, #tpu.memory_space<vmem>> -> memref<64xi32, #tpu.memory_space<vmem>>
      %dma_start3A_113 = arith.constant 0 : i32
      %dma_start3A_114 = arith.constant 0 : i32
      %dma_start3A_115 = tpu.memref_slice %arg26[%dma_start3A_113, %dma_start3A_114] : memref<10240x16xf32, #tpu.memory_space<vmem_shared>> -> memref<10240x16xf32, #tpu.memory_space<vmem_shared>>
      tpu.enqueue_indirect_dma source(%arg27 : memref<64x16xf32, #tpu.memory_space<vmem>>) target(%dma_start3A_115 : memref<10240x16xf32, #tpu.memory_space<vmem_shared>>) offsets(%dma_start3A_112 : memref<64xi32, #tpu.memory_space<vmem>>) semaphore(%arg25 : memref<!tpu.dma_semaphore, #tpu.memory_space<semaphore_mem>>) {add = true}
      %dma_wait3A_116 = arith.constant 1 : i32
      %dma_wait3A_117 = arith.constant 0 : i32
      %dma_wait3A_118 = tpu.memref_slice %arg12[%dma_wait3A_116, %dma_wait3A_117] : memref<8x64xi32, #tpu.memory_space<vmem>> -> memref<1x64xi32, #tpu.memory_space<vmem>>
      %dma_wait3A_119 = tpu.memref_squeeze %dma_wait3A_118 : memref<1x64xi32, #tpu.memory_space<vmem>> -> memref<64xi32, #tpu.memory_space<vmem>>
      %dma_wait3A_120 = arith.constant 0 : i32
      %dma_wait3A_121 = arith.constant 0 : i32
      %dma_wait3A_122 = tpu.memref_slice %arg10[%dma_wait3A_120, %dma_wait3A_121] : memref<10240x128xf32, #tpu.memory_space<vmem_shared>> -> memref<10240x128xf32, #tpu.memory_space<vmem_shared>>
      tpu.wait_indirect_dma semaphore(%arg22 : memref<!tpu.dma_semaphore, #tpu.memory_space<semaphore_mem>>) src(%arg14 : memref<64x128xf32, #tpu.memory_space<vmem>>) dst(%dma_wait3A_122 : memref<10240x128xf32, #tpu.memory_space<vmem_shared>>)
      %dma_start3A_123 = arith.constant 5 : i32
      %dma_start3A_124 = arith.constant 0 : i32
      %dma_start3A_125 = tpu.memref_slice %arg11[%dma_start3A_123, %dma_start3A_124] : memref<8x64xi32, #tpu.memory_space<vmem>> -> memref<1x64xi32, #tpu.memory_space<vmem>>
      %dma_start3A_126 = tpu.memref_squeeze %dma_start3A_125 : memref<1x64xi32, #tpu.memory_space<vmem>> -> memref<64xi32, #tpu.memory_space<vmem>>
      %dma_start3A_127 = arith.constant 0 : i32
      %dma_start3A_128 = arith.constant 0 : i32
      %dma_start3A_129 = tpu.memref_slice %arg2[%dma_start3A_127, %dma_start3A_128] : memref<10000x128xf32, #tpu.memory_space<hbm>> -> memref<10000x128xf32, #tpu.memory_space<hbm>>
      tpu.enqueue_indirect_dma source(%dma_start3A_129 : memref<10000x128xf32, #tpu.memory_space<hbm>>) target(%arg14 : memref<64x128xf32, #tpu.memory_space<vmem>>) offsets(%dma_start3A_126 : memref<64xi32, #tpu.memory_space<vmem>>) semaphore(%arg18 : memref<!tpu.dma_semaphore, #tpu.memory_space<semaphore_mem>>)
      %dma_wait3A_130 = arith.constant 2 : i32
      %dma_wait3A_131 = arith.constant 0 : i32
      %dma_wait3A_132 = tpu.memref_slice %arg11[%dma_wait3A_130, %dma_wait3A_131] : memref<8x64xi32, #tpu.memory_space<vmem>> -> memref<1x64xi32, #tpu.memory_space<vmem>>
      %dma_wait3A_133 = tpu.memref_squeeze %dma_wait3A_132 : memref<1x64xi32, #tpu.memory_space<vmem>> -> memref<64xi32, #tpu.memory_space<vmem>>
      %dma_wait3A_134 = arith.constant 0 : i32
      %dma_wait3A_135 = arith.constant 0 : i32
      %dma_wait3A_136 = tpu.memref_slice %arg2[%dma_wait3A_134, %dma_wait3A_135] : memref<10000x128xf32, #tpu.memory_space<hbm>> -> memref<10000x128xf32, #tpu.memory_space<hbm>>
      tpu.wait_indirect_dma semaphore(%arg19 : memref<!tpu.dma_semaphore, #tpu.memory_space<semaphore_mem>>) src(%dma_wait3A_136 : memref<10000x128xf32, #tpu.memory_space<hbm>>) dst(%arg15 : memref<64x128xf32, #tpu.memory_space<vmem>>)
      %dma_start3A_137 = arith.constant 2 : i32
      %dma_start3A_138 = arith.constant 0 : i32
      %dma_start3A_139 = tpu.memref_slice %arg12[%dma_start3A_137, %dma_start3A_138] : memref<8x64xi32, #tpu.memory_space<vmem>> -> memref<1x64xi32, #tpu.memory_space<vmem>>
      %dma_start3A_140 = tpu.memref_squeeze %dma_start3A_139 : memref<1x64xi32, #tpu.memory_space<vmem>> -> memref<64xi32, #tpu.memory_space<vmem>>
      %dma_start3A_141 = arith.constant 0 : i32
      %dma_start3A_142 = arith.constant 0 : i32
      %dma_start3A_143 = tpu.memref_slice %arg10[%dma_start3A_141, %dma_start3A_142] : memref<10240x128xf32, #tpu.memory_space<vmem_shared>> -> memref<10240x128xf32, #tpu.memory_space<vmem_shared>>
      tpu.enqueue_indirect_dma source(%arg15 : memref<64x128xf32, #tpu.memory_space<vmem>>) target(%dma_start3A_143 : memref<10240x128xf32, #tpu.memory_space<vmem_shared>>) offsets(%dma_start3A_140 : memref<64xi32, #tpu.memory_space<vmem>>) semaphore(%arg23 : memref<!tpu.dma_semaphore, #tpu.memory_space<semaphore_mem>>) {add = true}
      %dma_start3A_144 = arith.constant 2 : i32
      %dma_start3A_145 = arith.constant 0 : i32
      %dma_start3A_146 = tpu.memref_slice %arg12[%dma_start3A_144, %dma_start3A_145] : memref<8x64xi32, #tpu.memory_space<vmem>> -> memref<1x64xi32, #tpu.memory_space<vmem>>
      %dma_start3A_147 = tpu.memref_squeeze %dma_start3A_146 : memref<1x64xi32, #tpu.memory_space<vmem>> -> memref<64xi32, #tpu.memory_space<vmem>>
      %dma_start3A_148 = arith.constant 0 : i32
      %dma_start3A_149 = arith.constant 0 : i32
      %dma_start3A_150 = tpu.memref_slice %arg26[%dma_start3A_148, %dma_start3A_149] : memref<10240x16xf32, #tpu.memory_space<vmem_shared>> -> memref<10240x16xf32, #tpu.memory_space<vmem_shared>>
      tpu.enqueue_indirect_dma source(%arg27 : memref<64x16xf32, #tpu.memory_space<vmem>>) target(%dma_start3A_150 : memref<10240x16xf32, #tpu.memory_space<vmem_shared>>) offsets(%dma_start3A_147 : memref<64xi32, #tpu.memory_space<vmem>>) semaphore(%arg25 : memref<!tpu.dma_semaphore, #tpu.memory_space<semaphore_mem>>) {add = true}
      %dma_wait3A_151 = arith.constant 2 : i32
      %dma_wait3A_152 = arith.constant 0 : i32
      %dma_wait3A_153 = tpu.memref_slice %arg12[%dma_wait3A_151, %dma_wait3A_152] : memref<8x64xi32, #tpu.memory_space<vmem>> -> memref<1x64xi32, #tpu.memory_space<vmem>>
      %dma_wait3A_154 = tpu.memref_squeeze %dma_wait3A_153 : memref<1x64xi32, #tpu.memory_space<vmem>> -> memref<64xi32, #tpu.memory_space<vmem>>
      %dma_wait3A_155 = arith.constant 0 : i32
      %dma_wait3A_156 = arith.constant 0 : i32
      %dma_wait3A_157 = tpu.memref_slice %arg10[%dma_wait3A_155, %dma_wait3A_156] : memref<10240x128xf32, #tpu.memory_space<vmem_shared>> -> memref<10240x128xf32, #tpu.memory_space<vmem_shared>>
      tpu.wait_indirect_dma semaphore(%arg23 : memref<!tpu.dma_semaphore, #tpu.memory_space<semaphore_mem>>) src(%arg15 : memref<64x128xf32, #tpu.memory_space<vmem>>) dst(%dma_wait3A_157 : memref<10240x128xf32, #tpu.memory_space<vmem_shared>>)
      %dma_start3A_158 = arith.constant 6 : i32
      %dma_start3A_159 = arith.constant 0 : i32
      %dma_start3A_160 = tpu.memref_slice %arg11[%dma_start3A_158, %dma_start3A_159] : memref<8x64xi32, #tpu.memory_space<vmem>> -> memref<1x64xi32, #tpu.memory_space<vmem>>
      %dma_start3A_161 = tpu.memref_squeeze %dma_start3A_160 : memref<1x64xi32, #tpu.memory_space<vmem>> -> memref<64xi32, #tpu.memory_space<vmem>>
      %dma_start3A_162 = arith.constant 0 : i32
      %dma_start3A_163 = arith.constant 0 : i32
      %dma_start3A_164 = tpu.memref_slice %arg2[%dma_start3A_162, %dma_start3A_163] : memref<10000x128xf32, #tpu.memory_space<hbm>> -> memref<10000x128xf32, #tpu.memory_space<hbm>>
      tpu.enqueue_indirect_dma source(%dma_start3A_164 : memref<10000x128xf32, #tpu.memory_space<hbm>>) target(%arg15 : memref<64x128xf32, #tpu.memory_space<vmem>>) offsets(%dma_start3A_161 : memref<64xi32, #tpu.memory_space<vmem>>) semaphore(%arg19 : memref<!tpu.dma_semaphore, #tpu.memory_space<semaphore_mem>>)
      %dma_wait3A_165 = arith.constant 3 : i32
      %dma_wait3A_166 = arith.constant 0 : i32
      %dma_wait3A_167 = tpu.memref_slice %arg11[%dma_wait3A_165, %dma_wait3A_166] : memref<8x64xi32, #tpu.memory_space<vmem>> -> memref<1x64xi32, #tpu.memory_space<vmem>>
      %dma_wait3A_168 = tpu.memref_squeeze %dma_wait3A_167 : memref<1x64xi32, #tpu.memory_space<vmem>> -> memref<64xi32, #tpu.memory_space<vmem>>
      %dma_wait3A_169 = arith.constant 0 : i32
      %dma_wait3A_170 = arith.constant 0 : i32
      %dma_wait3A_171 = tpu.memref_slice %arg2[%dma_wait3A_169, %dma_wait3A_170] : memref<10000x128xf32, #tpu.memory_space<hbm>> -> memref<10000x128xf32, #tpu.memory_space<hbm>>
      tpu.wait_indirect_dma semaphore(%arg20 : memref<!tpu.dma_semaphore, #tpu.memory_space<semaphore_mem>>) src(%dma_wait3A_171 : memref<10000x128xf32, #tpu.memory_space<hbm>>) dst(%arg16 : memref<64x128xf32, #tpu.memory_space<vmem>>)
      %dma_start3A_172 = arith.constant 3 : i32
      %dma_start3A_173 = arith.constant 0 : i32
      %dma_start3A_174 = tpu.memref_slice %arg12[%dma_start3A_172, %dma_start3A_173] : memref<8x64xi32, #tpu.memory_space<vmem>> -> memref<1x64xi32, #tpu.memory_space<vmem>>
      %dma_start3A_175 = tpu.memref_squeeze %dma_start3A_174 : memref<1x64xi32, #tpu.memory_space<vmem>> -> memref<64xi32, #tpu.memory_space<vmem>>
      %dma_start3A_176 = arith.constant 0 : i32
      %dma_start3A_177 = arith.constant 0 : i32
      %dma_start3A_178 = tpu.memref_slice %arg10[%dma_start3A_176, %dma_start3A_177] : memref<10240x128xf32, #tpu.memory_space<vmem_shared>> -> memref<10240x128xf32, #tpu.memory_space<vmem_shared>>
      tpu.enqueue_indirect_dma source(%arg16 : memref<64x128xf32, #tpu.memory_space<vmem>>) target(%dma_start3A_178 : memref<10240x128xf32, #tpu.memory_space<vmem_shared>>) offsets(%dma_start3A_175 : memref<64xi32, #tpu.memory_space<vmem>>) semaphore(%arg24 : memref<!tpu.dma_semaphore, #tpu.memory_space<semaphore_mem>>) {add = true}
      %dma_start3A_179 = arith.constant 3 : i32
      %dma_start3A_180 = arith.constant 0 : i32
      %dma_start3A_181 = tpu.memref_slice %arg12[%dma_start3A_179, %dma_start3A_180] : memref<8x64xi32, #tpu.memory_space<vmem>> -> memref<1x64xi32, #tpu.memory_space<vmem>>
      %dma_start3A_182 = tpu.memref_squeeze %dma_start3A_181 : memref<1x64xi32, #tpu.memory_space<vmem>> -> memref<64xi32, #tpu.memory_space<vmem>>
      %dma_start3A_183 = arith.constant 0 : i32
      %dma_start3A_184 = arith.constant 0 : i32
      %dma_start3A_185 = tpu.memref_slice %arg26[%dma_start3A_183, %dma_start3A_184] : memref<10240x16xf32, #tpu.memory_space<vmem_shared>> -> memref<10240x16xf32, #tpu.memory_space<vmem_shared>>
      tpu.enqueue_indirect_dma source(%arg27 : memref<64x16xf32, #tpu.memory_space<vmem>>) target(%dma_start3A_185 : memref<10240x16xf32, #tpu.memory_space<vmem_shared>>) offsets(%dma_start3A_182 : memref<64xi32, #tpu.memory_space<vmem>>) semaphore(%arg25 : memref<!tpu.dma_semaphore, #tpu.memory_space<semaphore_mem>>) {add = true}
      %dma_wait3A_186 = arith.constant 3 : i32
      %dma_wait3A_187 = arith.constant 0 : i32
      %dma_wait3A_188 = tpu.memref_slice %arg12[%dma_wait3A_186, %dma_wait3A_187] : memref<8x64xi32, #tpu.memory_space<vmem>> -> memref<1x64xi32, #tpu.memory_space<vmem>>
      %dma_wait3A_189 = tpu.memref_squeeze %dma_wait3A_188 : memref<1x64xi32, #tpu.memory_space<vmem>> -> memref<64xi32, #tpu.memory_space<vmem>>
      %dma_wait3A_190 = arith.constant 0 : i32
      %dma_wait3A_191 = arith.constant 0 : i32
      %dma_wait3A_192 = tpu.memref_slice %arg10[%dma_wait3A_190, %dma_wait3A_191] : memref<10240x128xf32, #tpu.memory_space<vmem_shared>> -> memref<10240x128xf32, #tpu.memory_space<vmem_shared>>
      tpu.wait_indirect_dma semaphore(%arg24 : memref<!tpu.dma_semaphore, #tpu.memory_space<semaphore_mem>>) src(%arg16 : memref<64x128xf32, #tpu.memory_space<vmem>>) dst(%dma_wait3A_192 : memref<10240x128xf32, #tpu.memory_space<vmem_shared>>)
      %dma_start3A_193 = arith.constant 7 : i32
      %dma_start3A_194 = arith.constant 0 : i32
      %dma_start3A_195 = tpu.memref_slice %arg11[%dma_start3A_193, %dma_start3A_194] : memref<8x64xi32, #tpu.memory_space<vmem>> -> memref<1x64xi32, #tpu.memory_space<vmem>>
      %dma_start3A_196 = tpu.memref_squeeze %dma_start3A_195 : memref<1x64xi32, #tpu.memory_space<vmem>> -> memref<64xi32, #tpu.memory_space<vmem>>
      %dma_start3A_197 = arith.constant 0 : i32
      %dma_start3A_198 = arith.constant 0 : i32
      %dma_start3A_199 = tpu.memref_slice %arg2[%dma_start3A_197, %dma_start3A_198] : memref<10000x128xf32, #tpu.memory_space<hbm>> -> memref<10000x128xf32, #tpu.memory_space<hbm>>
      tpu.enqueue_indirect_dma source(%dma_start3A_199 : memref<10000x128xf32, #tpu.memory_space<hbm>>) target(%arg16 : memref<64x128xf32, #tpu.memory_space<vmem>>) offsets(%dma_start3A_196 : memref<64xi32, #tpu.memory_space<vmem>>) semaphore(%arg20 : memref<!tpu.dma_semaphore, #tpu.memory_space<semaphore_mem>>)
      %dma_wait3A_200 = arith.constant 4 : i32
      %dma_wait3A_201 = arith.constant 0 : i32
      %dma_wait3A_202 = tpu.memref_slice %arg11[%dma_wait3A_200, %dma_wait3A_201] : memref<8x64xi32, #tpu.memory_space<vmem>> -> memref<1x64xi32, #tpu.memory_space<vmem>>
      %dma_wait3A_203 = tpu.memref_squeeze %dma_wait3A_202 : memref<1x64xi32, #tpu.memory_space<vmem>> -> memref<64xi32, #tpu.memory_space<vmem>>
      %dma_wait3A_204 = arith.constant 0 : i32
      %dma_wait3A_205 = arith.constant 0 : i32
      %dma_wait3A_206 = tpu.memref_slice %arg2[%dma_wait3A_204, %dma_wait3A_205] : memref<10000x128xf32, #tpu.memory_space<hbm>> -> memref<10000x128xf32, #tpu.memory_space<hbm>>
      tpu.wait_indirect_dma semaphore(%arg17 : memref<!tpu.dma_semaphore, #tpu.memory_space<semaphore_mem>>) src(%dma_wait3A_206 : memref<10000x128xf32, #tpu.memory_space<hbm>>) dst(%arg13 : memref<64x128xf32, #tpu.memory_space<vmem>>)
      %dma_start3A_207 = arith.constant 4 : i32
      %dma_start3A_208 = arith.constant 0 : i32
      %dma_start3A_209 = tpu.memref_slice %arg12[%dma_start3A_207, %dma_start3A_208] : memref<8x64xi32, #tpu.memory_space<vmem>> -> memref<1x64xi32, #tpu.memory_space<vmem>>
      %dma_start3A_210 = tpu.memref_squeeze %dma_start3A_209 : memref<1x64xi32, #tpu.memory_space<vmem>> -> memref<64xi32, #tpu.memory_space<vmem>>
      %dma_start3A_211 = arith.constant 0 : i32
      %dma_start3A_212 = arith.constant 0 : i32
      %dma_start3A_213 = tpu.memref_slice %arg10[%dma_start3A_211, %dma_start3A_212] : memref<10240x128xf32, #tpu.memory_space<vmem_shared>> -> memref<10240x128xf32, #tpu.memory_space<vmem_shared>>
      tpu.enqueue_indirect_dma source(%arg13 : memref<64x128xf32, #tpu.memory_space<vmem>>) target(%dma_start3A_213 : memref<10240x128xf32, #tpu.memory_space<vmem_shared>>) offsets(%dma_start3A_210 : memref<64xi32, #tpu.memory_space<vmem>>) semaphore(%arg21 : memref<!tpu.dma_semaphore, #tpu.memory_space<semaphore_mem>>) {add = true}
      %dma_start3A_214 = arith.constant 4 : i32
      %dma_start3A_215 = arith.constant 0 : i32
      %dma_start3A_216 = tpu.memref_slice %arg12[%dma_start3A_214, %dma_start3A_215] : memref<8x64xi32, #tpu.memory_space<vmem>> -> memref<1x64xi32, #tpu.memory_space<vmem>>
      %dma_start3A_217 = tpu.memref_squeeze %dma_start3A_216 : memref<1x64xi32, #tpu.memory_space<vmem>> -> memref<64xi32, #tpu.memory_space<vmem>>
      %dma_start3A_218 = arith.constant 0 : i32
      %dma_start3A_219 = arith.constant 0 : i32
      %dma_start3A_220 = tpu.memref_slice %arg26[%dma_start3A_218, %dma_start3A_219] : memref<10240x16xf32, #tpu.memory_space<vmem_shared>> -> memref<10240x16xf32, #tpu.memory_space<vmem_shared>>
      tpu.enqueue_indirect_dma source(%arg27 : memref<64x16xf32, #tpu.memory_space<vmem>>) target(%dma_start3A_220 : memref<10240x16xf32, #tpu.memory_space<vmem_shared>>) offsets(%dma_start3A_217 : memref<64xi32, #tpu.memory_space<vmem>>) semaphore(%arg25 : memref<!tpu.dma_semaphore, #tpu.memory_space<semaphore_mem>>) {add = true}
      %dma_wait3A_221 = arith.constant 5 : i32
      %dma_wait3A_222 = arith.constant 0 : i32
      %dma_wait3A_223 = tpu.memref_slice %arg11[%dma_wait3A_221, %dma_wait3A_222] : memref<8x64xi32, #tpu.memory_space<vmem>> -> memref<1x64xi32, #tpu.memory_space<vmem>>
      %dma_wait3A_224 = tpu.memref_squeeze %dma_wait3A_223 : memref<1x64xi32, #tpu.memory_space<vmem>> -> memref<64xi32, #tpu.memory_space<vmem>>
      %dma_wait3A_225 = arith.constant 0 : i32
      %dma_wait3A_226 = arith.constant 0 : i32
      %dma_wait3A_227 = tpu.memref_slice %arg2[%dma_wait3A_225, %dma_wait3A_226] : memref<10000x128xf32, #tpu.memory_space<hbm>> -> memref<10000x128xf32, #tpu.memory_space<hbm>>
      tpu.wait_indirect_dma semaphore(%arg18 : memref<!tpu.dma_semaphore, #tpu.memory_space<semaphore_mem>>) src(%dma_wait3A_227 : memref<10000x128xf32, #tpu.memory_space<hbm>>) dst(%arg14 : memref<64x128xf32, #tpu.memory_space<vmem>>)
      %dma_start3A_228 = arith.constant 5 : i32
      %dma_start3A_229 = arith.constant 0 : i32
      %dma_start3A_230 = tpu.memref_slice %arg12[%dma_start3A_228, %dma_start3A_229] : memref<8x64xi32, #tpu.memory_space<vmem>> -> memref<1x64xi32, #tpu.memory_space<vmem>>
      %dma_start3A_231 = tpu.memref_squeeze %dma_start3A_230 : memref<1x64xi32, #tpu.memory_space<vmem>> -> memref<64xi32, #tpu.memory_space<vmem>>
      %dma_start3A_232 = arith.constant 0 : i32
      %dma_start3A_233 = arith.constant 0 : i32
      %dma_start3A_234 = tpu.memref_slice %arg10[%dma_start3A_232, %dma_start3A_233] : memref<10240x128xf32, #tpu.memory_space<vmem_shared>> -> memref<10240x128xf32, #tpu.memory_space<vmem_shared>>
      tpu.enqueue_indirect_dma source(%arg14 : memref<64x128xf32, #tpu.memory_space<vmem>>) target(%dma_start3A_234 : memref<10240x128xf32, #tpu.memory_space<vmem_shared>>) offsets(%dma_start3A_231 : memref<64xi32, #tpu.memory_space<vmem>>) semaphore(%arg22 : memref<!tpu.dma_semaphore, #tpu.memory_space<semaphore_mem>>) {add = true}
      %dma_start3A_235 = arith.constant 5 : i32
      %dma_start3A_236 = arith.constant 0 : i32
      %dma_start3A_237 = tpu.memref_slice %arg12[%dma_start3A_235, %dma_start3A_236] : memref<8x64xi32, #tpu.memory_space<vmem>> -> memref<1x64xi32, #tpu.memory_space<vmem>>
      %dma_start3A_238 = tpu.memref_squeeze %dma_start3A_237 : memref<1x64xi32, #tpu.memory_space<vmem>> -> memref<64xi32, #tpu.memory_space<vmem>>
      %dma_start3A_239 = arith.constant 0 : i32
      %dma_start3A_240 = arith.constant 0 : i32
      %dma_start3A_241 = tpu.memref_slice %arg26[%dma_start3A_239, %dma_start3A_240] : memref<10240x16xf32, #tpu.memory_space<vmem_shared>> -> memref<10240x16xf32, #tpu.memory_space<vmem_shared>>
      tpu.enqueue_indirect_dma source(%arg27 : memref<64x16xf32, #tpu.memory_space<vmem>>) target(%dma_start3A_241 : memref<10240x16xf32, #tpu.memory_space<vmem_shared>>) offsets(%dma_start3A_238 : memref<64xi32, #tpu.memory_space<vmem>>) semaphore(%arg25 : memref<!tpu.dma_semaphore, #tpu.memory_space<semaphore_mem>>) {add = true}
      %dma_wait3A_242 = arith.constant 6 : i32
      %dma_wait3A_243 = arith.constant 0 : i32
      %dma_wait3A_244 = tpu.memref_slice %arg11[%dma_wait3A_242, %dma_wait3A_243] : memref<8x64xi32, #tpu.memory_space<vmem>> -> memref<1x64xi32, #tpu.memory_space<vmem>>
      %dma_wait3A_245 = tpu.memref_squeeze %dma_wait3A_244 : memref<1x64xi32, #tpu.memory_space<vmem>> -> memref<64xi32, #tpu.memory_space<vmem>>
      %dma_wait3A_246 = arith.constant 0 : i32
      %dma_wait3A_247 = arith.constant 0 : i32
      %dma_wait3A_248 = tpu.memref_slice %arg2[%dma_wait3A_246, %dma_wait3A_247] : memref<10000x128xf32, #tpu.memory_space<hbm>> -> memref<10000x128xf32, #tpu.memory_space<hbm>>
      tpu.wait_indirect_dma semaphore(%arg19 : memref<!tpu.dma_semaphore, #tpu.memory_space<semaphore_mem>>) src(%dma_wait3A_248 : memref<10000x128xf32, #tpu.memory_space<hbm>>) dst(%arg15 : memref<64x128xf32, #tpu.memory_space<vmem>>)
      %dma_start3A_249 = arith.constant 6 : i32
      %dma_start3A_250 = arith.constant 0 : i32
      %dma_start3A_251 = tpu.memref_slice %arg12[%dma_start3A_249, %dma_start3A_250] : memref<8x64xi32, #tpu.memory_space<vmem>> -> memref<1x64xi32, #tpu.memory_space<vmem>>
      %dma_start3A_252 = tpu.memref_squeeze %dma_start3A_251 : memref<1x64xi32, #tpu.memory_space<vmem>> -> memref<64xi32, #tpu.memory_space<vmem>>
      %dma_start3A_253 = arith.constant 0 : i32
      %dma_start3A_254 = arith.constant 0 : i32
      %dma_start3A_255 = tpu.memref_slice %arg10[%dma_start3A_253, %dma_start3A_254] : memref<10240x128xf32, #tpu.memory_space<vmem_shared>> -> memref<10240x128xf32, #tpu.memory_space<vmem_shared>>
      tpu.enqueue_indirect_dma source(%arg15 : memref<64x128xf32, #tpu.memory_space<vmem>>) target(%dma_start3A_255 : memref<10240x128xf32, #tpu.memory_space<vmem_shared>>) offsets(%dma_start3A_252 : memref<64xi32, #tpu.memory_space<vmem>>) semaphore(%arg23 : memref<!tpu.dma_semaphore, #tpu.memory_space<semaphore_mem>>) {add = true}
      %dma_start3A_256 = arith.constant 6 : i32
      %dma_start3A_257 = arith.constant 0 : i32
      %dma_start3A_258 = tpu.memref_slice %arg12[%dma_start3A_256, %dma_start3A_257] : memref<8x64xi32, #tpu.memory_space<vmem>> -> memref<1x64xi32, #tpu.memory_space<vmem>>
      %dma_start3A_259 = tpu.memref_squeeze %dma_start3A_258 : memref<1x64xi32, #tpu.memory_space<vmem>> -> memref<64xi32, #tpu.memory_space<vmem>>
      %dma_start3A_260 = arith.constant 0 : i32
      %dma_start3A_261 = arith.constant 0 : i32
      %dma_start3A_262 = tpu.memref_slice %arg26[%dma_start3A_260, %dma_start3A_261] : memref<10240x16xf32, #tpu.memory_space<vmem_shared>> -> memref<10240x16xf32, #tpu.memory_space<vmem_shared>>
      tpu.enqueue_indirect_dma source(%arg27 : memref<64x16xf32, #tpu.memory_space<vmem>>) target(%dma_start3A_262 : memref<10240x16xf32, #tpu.memory_space<vmem_shared>>) offsets(%dma_start3A_259 : memref<64xi32, #tpu.memory_space<vmem>>) semaphore(%arg25 : memref<!tpu.dma_semaphore, #tpu.memory_space<semaphore_mem>>) {add = true}
      %dma_wait3A_263 = arith.constant 7 : i32
      %dma_wait3A_264 = arith.constant 0 : i32
      %dma_wait3A_265 = tpu.memref_slice %arg11[%dma_wait3A_263, %dma_wait3A_264] : memref<8x64xi32, #tpu.memory_space<vmem>> -> memref<1x64xi32, #tpu.memory_space<vmem>>
      %dma_wait3A_266 = tpu.memref_squeeze %dma_wait3A_265 : memref<1x64xi32, #tpu.memory_space<vmem>> -> memref<64xi32, #tpu.memory_space<vmem>>
      %dma_wait3A_267 = arith.constant 0 : i32
      %dma_wait3A_268 = arith.constant 0 : i32
      %dma_wait3A_269 = tpu.memref_slice %arg2[%dma_wait3A_267, %dma_wait3A_268] : memref<10000x128xf32, #tpu.memory_space<hbm>> -> memref<10000x128xf32, #tpu.memory_space<hbm>>
      tpu.wait_indirect_dma semaphore(%arg20 : memref<!tpu.dma_semaphore, #tpu.memory_space<semaphore_mem>>) src(%dma_wait3A_269 : memref<10000x128xf32, #tpu.memory_space<hbm>>) dst(%arg16 : memref<64x128xf32, #tpu.memory_space<vmem>>)
      %dma_start3A_270 = arith.constant 7 : i32
      %dma_start3A_271 = arith.constant 0 : i32
      %dma_start3A_272 = tpu.memref_slice %arg12[%dma_start3A_270, %dma_start3A_271] : memref<8x64xi32, #tpu.memory_space<vmem>> -> memref<1x64xi32, #tpu.memory_space<vmem>>
      %dma_start3A_273 = tpu.memref_squeeze %dma_start3A_272 : memref<1x64xi32, #tpu.memory_space<vmem>> -> memref<64xi32, #tpu.memory_space<vmem>>
      %dma_start3A_274 = arith.constant 0 : i32
      %dma_start3A_275 = arith.constant 0 : i32
      %dma_start3A_276 = tpu.memref_slice %arg10[%dma_start3A_274, %dma_start3A_275] : memref<10240x128xf32, #tpu.memory_space<vmem_shared>> -> memref<10240x128xf32, #tpu.memory_space<vmem_shared>>
      tpu.enqueue_indirect_dma source(%arg16 : memref<64x128xf32, #tpu.memory_space<vmem>>) target(%dma_start3A_276 : memref<10240x128xf32, #tpu.memory_space<vmem_shared>>) offsets(%dma_start3A_273 : memref<64xi32, #tpu.memory_space<vmem>>) semaphore(%arg24 : memref<!tpu.dma_semaphore, #tpu.memory_space<semaphore_mem>>) {add = true}
      %dma_start3A_277 = arith.constant 7 : i32
      %dma_start3A_278 = arith.constant 0 : i32
      %dma_start3A_279 = tpu.memref_slice %arg12[%dma_start3A_277, %dma_start3A_278] : memref<8x64xi32, #tpu.memory_space<vmem>> -> memref<1x64xi32, #tpu.memory_space<vmem>>
      %dma_start3A_280 = tpu.memref_squeeze %dma_start3A_279 : memref<1x64xi32, #tpu.memory_space<vmem>> -> memref<64xi32, #tpu.memory_space<vmem>>
      %dma_start3A_281 = arith.constant 0 : i32
      %dma_start3A_282 = arith.constant 0 : i32
      %dma_start3A_283 = tpu.memref_slice %arg26[%dma_start3A_281, %dma_start3A_282] : memref<10240x16xf32, #tpu.memory_space<vmem_shared>> -> memref<10240x16xf32, #tpu.memory_space<vmem_shared>>
      tpu.enqueue_indirect_dma source(%arg27 : memref<64x16xf32, #tpu.memory_space<vmem>>) target(%dma_start3A_283 : memref<10240x16xf32, #tpu.memory_space<vmem_shared>>) offsets(%dma_start3A_280 : memref<64xi32, #tpu.memory_space<vmem>>) semaphore(%arg25 : memref<!tpu.dma_semaphore, #tpu.memory_space<semaphore_mem>>) {add = true}
      %dma_wait3A_284 = arith.constant 4 : i32
      %dma_wait3A_285 = arith.constant 0 : i32
      %dma_wait3A_286 = tpu.memref_slice %arg12[%dma_wait3A_284, %dma_wait3A_285] : memref<8x64xi32, #tpu.memory_space<vmem>> -> memref<1x64xi32, #tpu.memory_space<vmem>>
      %dma_wait3A_287 = tpu.memref_squeeze %dma_wait3A_286 : memref<1x64xi32, #tpu.memory_space<vmem>> -> memref<64xi32, #tpu.memory_space<vmem>>
      %dma_wait3A_288 = arith.constant 0 : i32
      %dma_wait3A_289 = arith.constant 0 : i32
      %dma_wait3A_290 = tpu.memref_slice %arg10[%dma_wait3A_288, %dma_wait3A_289] : memref<10240x128xf32, #tpu.memory_space<vmem_shared>> -> memref<10240x128xf32, #tpu.memory_space<vmem_shared>>
      tpu.wait_indirect_dma semaphore(%arg21 : memref<!tpu.dma_semaphore, #tpu.memory_space<semaphore_mem>>) src(%arg13 : memref<64x128xf32, #tpu.memory_space<vmem>>) dst(%dma_wait3A_290 : memref<10240x128xf32, #tpu.memory_space<vmem_shared>>)
      %dma_wait3A_291 = arith.constant 5 : i32
      %dma_wait3A_292 = arith.constant 0 : i32
      %dma_wait3A_293 = tpu.memref_slice %arg12[%dma_wait3A_291, %dma_wait3A_292] : memref<8x64xi32, #tpu.memory_space<vmem>> -> memref<1x64xi32, #tpu.memory_space<vmem>>
      %dma_wait3A_294 = tpu.memref_squeeze %dma_wait3A_293 : memref<1x64xi32, #tpu.memory_space<vmem>> -> memref<64xi32, #tpu.memory_space<vmem>>
      %dma_wait3A_295 = arith.constant 0 : i32
      %dma_wait3A_296 = arith.constant 0 : i32
      %dma_wait3A_297 = tpu.memref_slice %arg10[%dma_wait3A_295, %dma_wait3A_296] : memref<10240x128xf32, #tpu.memory_space<vmem_shared>> -> memref<10240x128xf32, #tpu.memory_space<vmem_shared>>
      tpu.wait_indirect_dma semaphore(%arg22 : memref<!tpu.dma_semaphore, #tpu.memory_space<semaphore_mem>>) src(%arg14 : memref<64x128xf32, #tpu.memory_space<vmem>>) dst(%dma_wait3A_297 : memref<10240x128xf32, #tpu.memory_space<vmem_shared>>)
      %dma_wait3A_298 = arith.constant 6 : i32
      %dma_wait3A_299 = arith.constant 0 : i32
      %dma_wait3A_300 = tpu.memref_slice %arg12[%dma_wait3A_298, %dma_wait3A_299] : memref<8x64xi32, #tpu.memory_space<vmem>> -> memref<1x64xi32, #tpu.memory_space<vmem>>
      %dma_wait3A_301 = tpu.memref_squeeze %dma_wait3A_300 : memref<1x64xi32, #tpu.memory_space<vmem>> -> memref<64xi32, #tpu.memory_space<vmem>>
      %dma_wait3A_302 = arith.constant 0 : i32
      %dma_wait3A_303 = arith.constant 0 : i32
      %dma_wait3A_304 = tpu.memref_slice %arg10[%dma_wait3A_302, %dma_wait3A_303] : memref<10240x128xf32, #tpu.memory_space<vmem_shared>> -> memref<10240x128xf32, #tpu.memory_space<vmem_shared>>
      tpu.wait_indirect_dma semaphore(%arg23 : memref<!tpu.dma_semaphore, #tpu.memory_space<semaphore_mem>>) src(%arg15 : memref<64x128xf32, #tpu.memory_space<vmem>>) dst(%dma_wait3A_304 : memref<10240x128xf32, #tpu.memory_space<vmem_shared>>)
      %dma_wait3A_305 = arith.constant 7 : i32
      %dma_wait3A_306 = arith.constant 0 : i32
      %dma_wait3A_307 = tpu.memref_slice %arg12[%dma_wait3A_305, %dma_wait3A_306] : memref<8x64xi32, #tpu.memory_space<vmem>> -> memref<1x64xi32, #tpu.memory_space<vmem>>
      %dma_wait3A_308 = tpu.memref_squeeze %dma_wait3A_307 : memref<1x64xi32, #tpu.memory_space<vmem>> -> memref<64xi32, #tpu.memory_space<vmem>>
      %dma_wait3A_309 = arith.constant 0 : i32
      %dma_wait3A_310 = arith.constant 0 : i32
      %dma_wait3A_311 = tpu.memref_slice %arg10[%dma_wait3A_309, %dma_wait3A_310] : memref<10240x128xf32, #tpu.memory_space<vmem_shared>> -> memref<10240x128xf32, #tpu.memory_space<vmem_shared>>
      tpu.wait_indirect_dma semaphore(%arg24 : memref<!tpu.dma_semaphore, #tpu.memory_space<semaphore_mem>>) src(%arg16 : memref<64x128xf32, #tpu.memory_space<vmem>>) dst(%dma_wait3A_311 : memref<10240x128xf32, #tpu.memory_space<vmem_shared>>)
      %dma_wait3A_312 = arith.constant 0 : i32
      %dma_wait3A_313 = arith.constant 0 : i32
      %dma_wait3A_314 = tpu.memref_slice %arg12[%dma_wait3A_312, %dma_wait3A_313] : memref<8x64xi32, #tpu.memory_space<vmem>> -> memref<1x64xi32, #tpu.memory_space<vmem>>
      %dma_wait3A_315 = tpu.memref_squeeze %dma_wait3A_314 : memref<1x64xi32, #tpu.memory_space<vmem>> -> memref<64xi32, #tpu.memory_space<vmem>>
      %dma_wait3A_316 = arith.constant 0 : i32
      %dma_wait3A_317 = arith.constant 0 : i32
      %dma_wait3A_318 = tpu.memref_slice %arg26[%dma_wait3A_316, %dma_wait3A_317] : memref<10240x16xf32, #tpu.memory_space<vmem_shared>> -> memref<10240x16xf32, #tpu.memory_space<vmem_shared>>
      tpu.wait_indirect_dma semaphore(%arg25 : memref<!tpu.dma_semaphore, #tpu.memory_space<semaphore_mem>>) src(%arg27 : memref<64x16xf32, #tpu.memory_space<vmem>>) dst(%dma_wait3A_318 : memref<10240x16xf32, #tpu.memory_space<vmem_shared>>)
      %dma_wait3A_319 = arith.constant 1 : i32
      %dma_wait3A_320 = arith.constant 0 : i32
      %dma_wait3A_321 = tpu.memref_slice %arg12[%dma_wait3A_319, %dma_wait3A_320] : memref<8x64xi32, #tpu.memory_space<vmem>> -> memref<1x64xi32, #tpu.memory_space<vmem>>
      %dma_wait3A_322 = tpu.memref_squeeze %dma_wait3A_321 : memref<1x64xi32, #tpu.memory_space<vmem>> -> memref<64xi32, #tpu.memory_space<vmem>>
      %dma_wait3A_323 = arith.constant 0 : i32
      %dma_wait3A_324 = arith.constant 0 : i32
      %dma_wait3A_325 = tpu.memref_slice %arg26[%dma_wait3A_323, %dma_wait3A_324] : memref<10240x16xf32, #tpu.memory_space<vmem_shared>> -> memref<10240x16xf32, #tpu.memory_space<vmem_shared>>
      tpu.wait_indirect_dma semaphore(%arg25 : memref<!tpu.dma_semaphore, #tpu.memory_space<semaphore_mem>>) src(%arg27 : memref<64x16xf32, #tpu.memory_space<vmem>>) dst(%dma_wait3A_325 : memref<10240x16xf32, #tpu.memory_space<vmem_shared>>)
      %dma_wait3A_326 = arith.constant 2 : i32
      %dma_wait3A_327 = arith.constant 0 : i32
      %dma_wait3A_328 = tpu.memref_slice %arg12[%dma_wait3A_326, %dma_wait3A_327] : memref<8x64xi32, #tpu.memory_space<vmem>> -> memref<1x64xi32, #tpu.memory_space<vmem>>
      %dma_wait3A_329 = tpu.memref_squeeze %dma_wait3A_328 : memref<1x64xi32, #tpu.memory_space<vmem>> -> memref<64xi32, #tpu.memory_space<vmem>>
      %dma_wait3A_330 = arith.constant 0 : i32
      %dma_wait3A_331 = arith.constant 0 : i32
      %dma_wait3A_332 = tpu.memref_slice %arg26[%dma_wait3A_330, %dma_wait3A_331] : memref<10240x16xf32, #tpu.memory_space<vmem_shared>> -> memref<10240x16xf32, #tpu.memory_space<vmem_shared>>
      tpu.wait_indirect_dma semaphore(%arg25 : memref<!tpu.dma_semaphore, #tpu.memory_space<semaphore_mem>>) src(%arg27 : memref<64x16xf32, #tpu.memory_space<vmem>>) dst(%dma_wait3A_332 : memref<10240x16xf32, #tpu.memory_space<vmem_shared>>)
      %dma_wait3A_333 = arith.constant 3 : i32
      %dma_wait3A_334 = arith.constant 0 : i32
      %dma_wait3A_335 = tpu.memref_slice %arg12[%dma_wait3A_333, %dma_wait3A_334] : memref<8x64xi32, #tpu.memory_space<vmem>> -> memref<1x64xi32, #tpu.memory_space<vmem>>
      %dma_wait3A_336 = tpu.memref_squeeze %dma_wait3A_335 : memref<1x64xi32, #tpu.memory_space<vmem>> -> memref<64xi32, #tpu.memory_space<vmem>>
      %dma_wait3A_337 = arith.constant 0 : i32
      %dma_wait3A_338 = arith.constant 0 : i32
      %dma_wait3A_339 = tpu.memref_slice %arg26[%dma_wait3A_337, %dma_wait3A_338] : memref<10240x16xf32, #tpu.memory_space<vmem_shared>> -> memref<10240x16xf32, #tpu.memory_space<vmem_shared>>
      tpu.wait_indirect_dma semaphore(%arg25 : memref<!tpu.dma_semaphore, #tpu.memory_space<semaphore_mem>>) src(%arg27 : memref<64x16xf32, #tpu.memory_space<vmem>>) dst(%dma_wait3A_339 : memref<10240x16xf32, #tpu.memory_space<vmem_shared>>)
      %dma_wait3A_340 = arith.constant 4 : i32
      %dma_wait3A_341 = arith.constant 0 : i32
      %dma_wait3A_342 = tpu.memref_slice %arg12[%dma_wait3A_340, %dma_wait3A_341] : memref<8x64xi32, #tpu.memory_space<vmem>> -> memref<1x64xi32, #tpu.memory_space<vmem>>
      %dma_wait3A_343 = tpu.memref_squeeze %dma_wait3A_342 : memref<1x64xi32, #tpu.memory_space<vmem>> -> memref<64xi32, #tpu.memory_space<vmem>>
      %dma_wait3A_344 = arith.constant 0 : i32
      %dma_wait3A_345 = arith.constant 0 : i32
      %dma_wait3A_346 = tpu.memref_slice %arg26[%dma_wait3A_344, %dma_wait3A_345] : memref<10240x16xf32, #tpu.memory_space<vmem_shared>> -> memref<10240x16xf32, #tpu.memory_space<vmem_shared>>
      tpu.wait_indirect_dma semaphore(%arg25 : memref<!tpu.dma_semaphore, #tpu.memory_space<semaphore_mem>>) src(%arg27 : memref<64x16xf32, #tpu.memory_space<vmem>>) dst(%dma_wait3A_346 : memref<10240x16xf32, #tpu.memory_space<vmem_shared>>)
      %dma_wait3A_347 = arith.constant 5 : i32
      %dma_wait3A_348 = arith.constant 0 : i32
      %dma_wait3A_349 = tpu.memref_slice %arg12[%dma_wait3A_347, %dma_wait3A_348] : memref<8x64xi32, #tpu.memory_space<vmem>> -> memref<1x64xi32, #tpu.memory_space<vmem>>
      %dma_wait3A_350 = tpu.memref_squeeze %dma_wait3A_349 : memref<1x64xi32, #tpu.memory_space<vmem>> -> memref<64xi32, #tpu.memory_space<vmem>>
      %dma_wait3A_351 = arith.constant 0 : i32
      %dma_wait3A_352 = arith.constant 0 : i32
      %dma_wait3A_353 = tpu.memref_slice %arg26[%dma_wait3A_351, %dma_wait3A_352] : memref<10240x16xf32, #tpu.memory_space<vmem_shared>> -> memref<10240x16xf32, #tpu.memory_space<vmem_shared>>
      tpu.wait_indirect_dma semaphore(%arg25 : memref<!tpu.dma_semaphore, #tpu.memory_space<semaphore_mem>>) src(%arg27 : memref<64x16xf32, #tpu.memory_space<vmem>>) dst(%dma_wait3A_353 : memref<10240x16xf32, #tpu.memory_space<vmem_shared>>)
      %dma_wait3A_354 = arith.constant 6 : i32
      %dma_wait3A_355 = arith.constant 0 : i32
      %dma_wait3A_356 = tpu.memref_slice %arg12[%dma_wait3A_354, %dma_wait3A_355] : memref<8x64xi32, #tpu.memory_space<vmem>> -> memref<1x64xi32, #tpu.memory_space<vmem>>
      %dma_wait3A_357 = tpu.memref_squeeze %dma_wait3A_356 : memref<1x64xi32, #tpu.memory_space<vmem>> -> memref<64xi32, #tpu.memory_space<vmem>>
      %dma_wait3A_358 = arith.constant 0 : i32
      %dma_wait3A_359 = arith.constant 0 : i32
      %dma_wait3A_360 = tpu.memref_slice %arg26[%dma_wait3A_358, %dma_wait3A_359] : memref<10240x16xf32, #tpu.memory_space<vmem_shared>> -> memref<10240x16xf32, #tpu.memory_space<vmem_shared>>
      tpu.wait_indirect_dma semaphore(%arg25 : memref<!tpu.dma_semaphore, #tpu.memory_space<semaphore_mem>>) src(%arg27 : memref<64x16xf32, #tpu.memory_space<vmem>>) dst(%dma_wait3A_360 : memref<10240x16xf32, #tpu.memory_space<vmem_shared>>)
      %dma_wait3A_361 = arith.constant 7 : i32
      %dma_wait3A_362 = arith.constant 0 : i32
      %dma_wait3A_363 = tpu.memref_slice %arg12[%dma_wait3A_361, %dma_wait3A_362] : memref<8x64xi32, #tpu.memory_space<vmem>> -> memref<1x64xi32, #tpu.memory_space<vmem>>
      %dma_wait3A_364 = tpu.memref_squeeze %dma_wait3A_363 : memref<1x64xi32, #tpu.memory_space<vmem>> -> memref<64xi32, #tpu.memory_space<vmem>>
      %dma_wait3A_365 = arith.constant 0 : i32
      %dma_wait3A_366 = arith.constant 0 : i32
      %dma_wait3A_367 = tpu.memref_slice %arg26[%dma_wait3A_365, %dma_wait3A_366] : memref<10240x16xf32, #tpu.memory_space<vmem_shared>> -> memref<10240x16xf32, #tpu.memory_space<vmem_shared>>
      tpu.wait_indirect_dma semaphore(%arg25 : memref<!tpu.dma_semaphore, #tpu.memory_space<semaphore_mem>>) src(%arg27 : memref<64x16xf32, #tpu.memory_space<vmem>>) dst(%dma_wait3A_367 : memref<10240x16xf32, #tpu.memory_space<vmem_shared>>)
    }
    "tpu.trace_stop"() : () -> ()
    "tpu.trace_start"() <{level = 10 : i32, message = "sc_writeback"}> : () -> ()
    %barrier3A_27 = arith.constant 0 : index
    tpu.barrier barrier_id(%barrier3A_27)
    "tpu.region"() ({
      %run_scoped3A = tpu.sem_alloc : memref<!tpu.dma_semaphore, #tpu.memory_space<semaphore_mem>>
      %dma_start3A = arith.constant 0 : i32
      %dma_start3A_28 = tpu.memref_slice %arg8[%arg0, %mul3A_10, %dma_start3A] : memref<2x10240x128xf32, #tpu.memory_space<hbm>> -> memref<1x640x128xf32, #tpu.memory_space<hbm>>
      %dma_start3A_29 = tpu.memref_squeeze %dma_start3A_28 : memref<1x640x128xf32, #tpu.memory_space<hbm>> -> memref<640x128xf32, #tpu.memory_space<hbm>>
      %dma_start3A_30 = arith.constant 0 : i32
      %dma_start3A_31 = tpu.memref_slice %arg10[%mul3A_10, %dma_start3A_30] : memref<10240x128xf32, #tpu.memory_space<vmem_shared>> -> memref<640x128xf32, #tpu.memory_space<vmem_shared>>
      tpu.enqueue_dma source(%dma_start3A_31 : memref<640x128xf32, #tpu.memory_space<vmem_shared>>) target(%dma_start3A_29 : memref<640x128xf32, #tpu.memory_space<hbm>>) target_semaphore(%run_scoped3A : memref<!tpu.dma_semaphore, #tpu.memory_space<semaphore_mem>>)
      %dma_wait3A = arith.constant 0 : i32
      %dma_wait3A_32 = tpu.memref_slice %arg8[%arg0, %mul3A_10, %dma_wait3A] : memref<2x10240x128xf32, #tpu.memory_space<hbm>> -> memref<1x640x128xf32, #tpu.memory_space<hbm>>
      %dma_wait3A_33 = tpu.memref_squeeze %dma_wait3A_32 : memref<1x640x128xf32, #tpu.memory_space<hbm>> -> memref<640x128xf32, #tpu.memory_space<hbm>>
      %dma_wait3A_34 = arith.constant 0 : i32
      %dma_wait3A_35 = tpu.memref_slice %arg10[%mul3A_10, %dma_wait3A_34] : memref<10240x128xf32, #tpu.memory_space<vmem_shared>> -> memref<640x128xf32, #tpu.memory_space<vmem_shared>>
      tpu.wait_dma2 semaphore(%run_scoped3A : memref<!tpu.dma_semaphore, #tpu.memory_space<semaphore_mem>>) src(%dma_wait3A_35 : memref<640x128xf32, #tpu.memory_space<vmem_shared>>) dst(%dma_wait3A_33 : memref<640x128xf32, #tpu.memory_space<hbm>>)
      tpu.yield
    }) : () -> ()
    "tpu.region"() ({
      %run_scoped3A = tpu.sem_alloc : memref<!tpu.dma_semaphore, #tpu.memory_space<semaphore_mem>>
      %dma_start3A = arith.constant 0 : i32
      %dma_start3A_28 = tpu.memref_slice %arg9[%arg0, %mul3A_10, %dma_start3A] : memref<2x10240x16xf32, #tpu.memory_space<hbm>> -> memref<1x640x16xf32, #tpu.memory_space<hbm>>
      %dma_start3A_29 = tpu.memref_squeeze %dma_start3A_28 : memref<1x640x16xf32, #tpu.memory_space<hbm>> -> memref<640x16xf32, #tpu.memory_space<hbm>>
      %dma_start3A_30 = arith.constant 0 : i32
      %dma_start3A_31 = tpu.memref_slice %arg26[%mul3A_10, %dma_start3A_30] : memref<10240x16xf32, #tpu.memory_space<vmem_shared>> -> memref<640x16xf32, #tpu.memory_space<vmem_shared>>
      tpu.enqueue_dma source(%dma_start3A_31 : memref<640x16xf32, #tpu.memory_space<vmem_shared>>) target(%dma_start3A_29 : memref<640x16xf32, #tpu.memory_space<hbm>>) target_semaphore(%run_scoped3A : memref<!tpu.dma_semaphore, #tpu.memory_space<semaphore_mem>>)
      %dma_wait3A = arith.constant 0 : i32
      %dma_wait3A_32 = tpu.memref_slice %arg9[%arg0, %mul3A_10, %dma_wait3A] : memref<2x10240x16xf32, #tpu.memory_space<hbm>> -> memref<1x640x16xf32, #tpu.memory_space<hbm>>
      %dma_wait3A_33 = tpu.memref_squeeze %dma_wait3A_32 : memref<1x640x16xf32, #tpu.memory_space<hbm>> -> memref<640x16xf32, #tpu.memory_space<hbm>>
      %dma_wait3A_34 = arith.constant 0 : i32
      %dma_wait3A_35 = tpu.memref_slice %arg26[%mul3A_10, %dma_wait3A_34] : memref<10240x16xf32, #tpu.memory_space<vmem_shared>> -> memref<640x16xf32, #tpu.memory_space<vmem_shared>>
      tpu.wait_dma2 semaphore(%run_scoped3A : memref<!tpu.dma_semaphore, #tpu.memory_space<semaphore_mem>>) src(%dma_wait3A_35 : memref<640x16xf32, #tpu.memory_space<vmem_shared>>) dst(%dma_wait3A_33 : memref<640x16xf32, #tpu.memory_space<hbm>>)
      tpu.yield
    }) : () -> ()
    "tpu.trace_stop"() : () -> ()
    return
  }
}

#map = affine_map<(d0, d1) -> (0, 0)>
#map1 = affine_map<(d0, d1) -> (0, 0, 0)>
module attributes {stable_mosaic.version = 14 : i64} {
  func.func @body(%arg0: i32, %arg1: i32, %arg2: memref<10000x64xf32, #tpu.memory_space<hbm>>, %arg3: memref<5120x64xi32, #tpu.memory_space<hbm>>, %arg4: memref<5120x64xi32, #tpu.memory_space<hbm>>, %arg5: memref<640x64xf32, #tpu.memory_space<hbm>>, %arg6: memref<2x10240x64xf32, #tpu.memory_space<hbm>>, %arg7: memref<10240x64xf32, #tpu.memory_space<vmem_shared>>, %arg8: memref<8x64xi32, #tpu.memory_space<vmem>>, %arg9: memref<8x64xi32, #tpu.memory_space<vmem>>, %arg10: memref<64x64xf32, #tpu.memory_space<vmem>>, %arg11: memref<64x64xf32, #tpu.memory_space<vmem>>, %arg12: memref<64x64xf32, #tpu.memory_space<vmem>>, %arg13: memref<64x64xf32, #tpu.memory_space<vmem>>, %arg14: memref<64x64xf32, #tpu.memory_space<vmem>>, %arg15: memref<64x64xf32, #tpu.memory_space<vmem>>, %arg16: memref<64x64xf32, #tpu.memory_space<vmem>>, %arg17: memref<64x64xf32, #tpu.memory_space<vmem>>, %arg18: memref<!tpu.dma_semaphore, #tpu.memory_space<semaphore_mem>>, %arg19: memref<!tpu.dma_semaphore, #tpu.memory_space<semaphore_mem>>, %arg20: memref<!tpu.dma_semaphore, #tpu.memory_space<semaphore_mem>>, %arg21: memref<!tpu.dma_semaphore, #tpu.memory_space<semaphore_mem>>, %arg22: memref<!tpu.dma_semaphore, #tpu.memory_space<semaphore_mem>>, %arg23: memref<!tpu.dma_semaphore, #tpu.memory_space<semaphore_mem>>, %arg24: memref<!tpu.dma_semaphore, #tpu.memory_space<semaphore_mem>>, %arg25: memref<!tpu.dma_semaphore, #tpu.memory_space<semaphore_mem>>, %arg26: memref<!tpu.dma_semaphore, #tpu.memory_space<semaphore_mem>>, %arg27: memref<!tpu.dma_semaphore, #tpu.memory_space<semaphore_mem>>, %arg28: memref<!tpu.dma_semaphore, #tpu.memory_space<semaphore_mem>>, %arg29: memref<!tpu.dma_semaphore, #tpu.memory_space<semaphore_mem>>, %arg30: memref<!tpu.dma_semaphore, #tpu.memory_space<semaphore_mem>>, %arg31: memref<!tpu.dma_semaphore, #tpu.memory_space<semaphore_mem>>, %arg32: memref<!tpu.dma_semaphore, #tpu.memory_space<semaphore_mem>>, %arg33: memref<!tpu.dma_semaphore, #tpu.memory_space<semaphore_mem>>, %arg34: memref<!tpu.dma_semaphore, #tpu.memory_space<semaphore_mem>>) attributes {dimension_semantics = [#tpu.dimension_semantics<core_parallel>, #tpu.dimension_semantics<subcore_parallel>], iteration_bounds = array<i64: 2, 16>, scalar_prefetch = 0 : i64, scratch_operands = 28 : i64, tpu.core_type = #tpu.core_type<sc_vector_subcore>, window_params = [{transform_indices = #map}, {transform_indices = #map}, {transform_indices = #map}, {transform_indices = #map}, {transform_indices = #map1}]} {
    %eq3A = arith.constant 0 : i32
    %eq3A_0 = arith.cmpi eq, %arg0, %eq3A : i32
    %mul3A = arith.constant 160 : i32
    %mul3A_1 = arith.muli %arg1, %mul3A : i32
    %mul3A_2 = arith.constant 160 : i32
    %mul3A_3 = arith.muli %arg1, %mul3A_2 : i32
    %add3A = arith.constant 2560 : i32
    %add3A_4 = arith.addi %add3A, %mul3A_3 : i32
    %select_n3A = arith.select %eq3A_0, %mul3A_1, %add3A_4 : i32
    %eq3A_5 = arith.constant 0 : i32
    %eq3A_6 = arith.cmpi eq, %arg0, %eq3A_5 : i32
    %jit3A = arith.constant 20 : i32
    %jit3A_7 = arith.constant 20 : i32
    %select_n3A_8 = arith.select %eq3A_6, %jit3A, %jit3A_7 : i32
    %mul3A_9 = arith.constant 640 : i32
    %mul3A_10 = arith.muli %arg1, %mul3A_9 : i32
    "tpu.trace_start"() <{level = 10 : i32, message = "sc_zero_fill"}> : () -> ()
    "tpu.region"() ({
      %run_scoped3A = tpu.sem_alloc : memref<!tpu.dma_semaphore, #tpu.memory_space<semaphore_mem>>
      %dma_start3A = arith.constant 0 : i32
      %dma_start3A_28 = tpu.memref_slice %arg7[%mul3A_10, %dma_start3A] : memref<10240x64xf32, #tpu.memory_space<vmem_shared>> -> memref<640x64xf32, #tpu.memory_space<vmem_shared>>
      tpu.enqueue_dma source(%arg5 : memref<640x64xf32, #tpu.memory_space<hbm>>) target(%dma_start3A_28 : memref<640x64xf32, #tpu.memory_space<vmem_shared>>) target_semaphore(%run_scoped3A : memref<!tpu.dma_semaphore, #tpu.memory_space<semaphore_mem>>)
      %dma_wait3A = arith.constant 0 : i32
      %dma_wait3A_29 = tpu.memref_slice %arg7[%mul3A_10, %dma_wait3A] : memref<10240x64xf32, #tpu.memory_space<vmem_shared>> -> memref<640x64xf32, #tpu.memory_space<vmem_shared>>
      tpu.wait_dma2 semaphore(%run_scoped3A : memref<!tpu.dma_semaphore, #tpu.memory_space<semaphore_mem>>) src(%arg5 : memref<640x64xf32, #tpu.memory_space<hbm>>) dst(%dma_wait3A_29 : memref<640x64xf32, #tpu.memory_space<vmem_shared>>)
      tpu.yield
    }) : () -> ()
    %barrier3A = arith.constant 0 : index
    tpu.barrier barrier_id(%barrier3A)
    "tpu.trace_stop"() : () -> ()
    "tpu.trace_start"() <{level = 10 : i32, message = "sc_edge_loop"}> : () -> ()
    %sub3A = arith.constant 0 : i32
    %sub3A_11 = arith.subi %select_n3A_8, %sub3A : i32
    %sub3A_12 = arith.constant 1 : i32
    %sub3A_13 = arith.constant 1 : i32
    %sub3A_14 = arith.subi %sub3A_12, %sub3A_13 : i32
    %add3A_15 = arith.addi %sub3A_11, %sub3A_14 : i32
    %div3A = arith.constant 1 : i32
    %div3A_16 = arith.divsi %add3A_15, %div3A : i32
    %while3A = arith.constant 1 : i32
    %while3A_17 = arith.constant 0 : i32
    %while3A_18 = arith.constant 0 : i32
    %while3A_19 = arith.subi %div3A_16, %while3A_18 : i32
    %while3A_20 = arith.addi %while3A_18, %while3A_19 : i32
    %while3A_21 = arith.constant 1 : i32
    %while3A_22 = arith.divsi %while3A_19, %while3A_21 : i32
    %while3A_23 = arith.muli %while3A_22, %while3A_21 : i32
    %while3A_24 = arith.addi %while3A_18, %while3A_23 : i32
    %while3A_25 = arith.constant 1 : i32
    scf.for %while3A_28 = %while3A_18 to %while3A_24 step %while3A_25  : i32 {
      %mul3A_29 = arith.muli %while3A_28, %while3A : i32
      %add3A_30 = arith.addi %while3A_17, %mul3A_29 : i32
      %mul3A_31 = arith.constant 8 : i32
      %mul3A_32 = arith.muli %add3A_30, %mul3A_31 : i32
      %add3A_33 = arith.addi %select_n3A, %mul3A_32 : i32
      "tpu.region"() ({
        %run_scoped3A = tpu.sem_alloc : memref<!tpu.dma_semaphore, #tpu.memory_space<semaphore_mem>>
        %dma_start3A_256 = arith.constant 0 : i32
        %dma_start3A_257 = tpu.memref_slice %arg3[%add3A_33, %dma_start3A_256] : memref<5120x64xi32, #tpu.memory_space<hbm>> -> memref<8x64xi32, #tpu.memory_space<hbm>>
        %dma_start3A_258 = arith.constant 0 : i32
        %dma_start3A_259 = tpu.memref_slice %arg3[%add3A_33, %dma_start3A_258] : memref<5120x64xi32, #tpu.memory_space<hbm>> -> memref<8x64xi32, #tpu.memory_space<hbm>>
        tpu.enqueue_dma source(%dma_start3A_259 : memref<8x64xi32, #tpu.memory_space<hbm>>) target(%arg8 : memref<8x64xi32, #tpu.memory_space<vmem>>) target_semaphore(%run_scoped3A : memref<!tpu.dma_semaphore, #tpu.memory_space<semaphore_mem>>)
        %dma_wait3A_260 = arith.constant 0 : i32
        %dma_wait3A_261 = tpu.memref_slice %arg3[%add3A_33, %dma_wait3A_260] : memref<5120x64xi32, #tpu.memory_space<hbm>> -> memref<8x64xi32, #tpu.memory_space<hbm>>
        %dma_wait3A_262 = arith.constant 0 : i32
        %dma_wait3A_263 = tpu.memref_slice %arg3[%add3A_33, %dma_wait3A_262] : memref<5120x64xi32, #tpu.memory_space<hbm>> -> memref<8x64xi32, #tpu.memory_space<hbm>>
        tpu.wait_dma2 semaphore(%run_scoped3A : memref<!tpu.dma_semaphore, #tpu.memory_space<semaphore_mem>>) src(%dma_wait3A_263 : memref<8x64xi32, #tpu.memory_space<hbm>>) dst(%arg8 : memref<8x64xi32, #tpu.memory_space<vmem>>)
        tpu.yield
      }) : () -> ()
      "tpu.region"() ({
        %run_scoped3A = tpu.sem_alloc : memref<!tpu.dma_semaphore, #tpu.memory_space<semaphore_mem>>
        %dma_start3A_256 = arith.constant 0 : i32
        %dma_start3A_257 = tpu.memref_slice %arg4[%add3A_33, %dma_start3A_256] : memref<5120x64xi32, #tpu.memory_space<hbm>> -> memref<8x64xi32, #tpu.memory_space<hbm>>
        %dma_start3A_258 = arith.constant 0 : i32
        %dma_start3A_259 = tpu.memref_slice %arg4[%add3A_33, %dma_start3A_258] : memref<5120x64xi32, #tpu.memory_space<hbm>> -> memref<8x64xi32, #tpu.memory_space<hbm>>
        tpu.enqueue_dma source(%dma_start3A_259 : memref<8x64xi32, #tpu.memory_space<hbm>>) target(%arg9 : memref<8x64xi32, #tpu.memory_space<vmem>>) target_semaphore(%run_scoped3A : memref<!tpu.dma_semaphore, #tpu.memory_space<semaphore_mem>>)
        %dma_wait3A_260 = arith.constant 0 : i32
        %dma_wait3A_261 = tpu.memref_slice %arg4[%add3A_33, %dma_wait3A_260] : memref<5120x64xi32, #tpu.memory_space<hbm>> -> memref<8x64xi32, #tpu.memory_space<hbm>>
        %dma_wait3A_262 = arith.constant 0 : i32
        %dma_wait3A_263 = tpu.memref_slice %arg4[%add3A_33, %dma_wait3A_262] : memref<5120x64xi32, #tpu.memory_space<hbm>> -> memref<8x64xi32, #tpu.memory_space<hbm>>
        tpu.wait_dma2 semaphore(%run_scoped3A : memref<!tpu.dma_semaphore, #tpu.memory_space<semaphore_mem>>) src(%dma_wait3A_263 : memref<8x64xi32, #tpu.memory_space<hbm>>) dst(%arg9 : memref<8x64xi32, #tpu.memory_space<vmem>>)
        tpu.yield
      }) : () -> ()
      %dma_start3A = arith.constant 0 : i32
      %dma_start3A_34 = arith.constant 0 : i32
      %dma_start3A_35 = tpu.memref_slice %arg8[%dma_start3A, %dma_start3A_34] : memref<8x64xi32, #tpu.memory_space<vmem>> -> memref<1x64xi32, #tpu.memory_space<vmem>>
      %dma_start3A_36 = tpu.memref_squeeze %dma_start3A_35 : memref<1x64xi32, #tpu.memory_space<vmem>> -> memref<64xi32, #tpu.memory_space<vmem>>
      %dma_start3A_37 = arith.constant 0 : i32
      %dma_start3A_38 = arith.constant 0 : i32
      %dma_start3A_39 = tpu.memref_slice %arg2[%dma_start3A_37, %dma_start3A_38] : memref<10000x64xf32, #tpu.memory_space<hbm>> -> memref<10000x64xf32, #tpu.memory_space<hbm>>
      tpu.enqueue_indirect_dma source(%dma_start3A_39 : memref<10000x64xf32, #tpu.memory_space<hbm>>) target(%arg10 : memref<64x64xf32, #tpu.memory_space<vmem>>) offsets(%dma_start3A_36 : memref<64xi32, #tpu.memory_space<vmem>>) semaphore(%arg18 : memref<!tpu.dma_semaphore, #tpu.memory_space<semaphore_mem>>)
      %dma_start3A_40 = arith.constant 1 : i32
      %dma_start3A_41 = arith.constant 0 : i32
      %dma_start3A_42 = tpu.memref_slice %arg8[%dma_start3A_40, %dma_start3A_41] : memref<8x64xi32, #tpu.memory_space<vmem>> -> memref<1x64xi32, #tpu.memory_space<vmem>>
      %dma_start3A_43 = tpu.memref_squeeze %dma_start3A_42 : memref<1x64xi32, #tpu.memory_space<vmem>> -> memref<64xi32, #tpu.memory_space<vmem>>
      %dma_start3A_44 = arith.constant 0 : i32
      %dma_start3A_45 = arith.constant 0 : i32
      %dma_start3A_46 = tpu.memref_slice %arg2[%dma_start3A_44, %dma_start3A_45] : memref<10000x64xf32, #tpu.memory_space<hbm>> -> memref<10000x64xf32, #tpu.memory_space<hbm>>
      tpu.enqueue_indirect_dma source(%dma_start3A_46 : memref<10000x64xf32, #tpu.memory_space<hbm>>) target(%arg11 : memref<64x64xf32, #tpu.memory_space<vmem>>) offsets(%dma_start3A_43 : memref<64xi32, #tpu.memory_space<vmem>>) semaphore(%arg19 : memref<!tpu.dma_semaphore, #tpu.memory_space<semaphore_mem>>)
      %dma_start3A_47 = arith.constant 2 : i32
      %dma_start3A_48 = arith.constant 0 : i32
      %dma_start3A_49 = tpu.memref_slice %arg8[%dma_start3A_47, %dma_start3A_48] : memref<8x64xi32, #tpu.memory_space<vmem>> -> memref<1x64xi32, #tpu.memory_space<vmem>>
      %dma_start3A_50 = tpu.memref_squeeze %dma_start3A_49 : memref<1x64xi32, #tpu.memory_space<vmem>> -> memref<64xi32, #tpu.memory_space<vmem>>
      %dma_start3A_51 = arith.constant 0 : i32
      %dma_start3A_52 = arith.constant 0 : i32
      %dma_start3A_53 = tpu.memref_slice %arg2[%dma_start3A_51, %dma_start3A_52] : memref<10000x64xf32, #tpu.memory_space<hbm>> -> memref<10000x64xf32, #tpu.memory_space<hbm>>
      tpu.enqueue_indirect_dma source(%dma_start3A_53 : memref<10000x64xf32, #tpu.memory_space<hbm>>) target(%arg12 : memref<64x64xf32, #tpu.memory_space<vmem>>) offsets(%dma_start3A_50 : memref<64xi32, #tpu.memory_space<vmem>>) semaphore(%arg20 : memref<!tpu.dma_semaphore, #tpu.memory_space<semaphore_mem>>)
      %dma_start3A_54 = arith.constant 3 : i32
      %dma_start3A_55 = arith.constant 0 : i32
      %dma_start3A_56 = tpu.memref_slice %arg8[%dma_start3A_54, %dma_start3A_55] : memref<8x64xi32, #tpu.memory_space<vmem>> -> memref<1x64xi32, #tpu.memory_space<vmem>>
      %dma_start3A_57 = tpu.memref_squeeze %dma_start3A_56 : memref<1x64xi32, #tpu.memory_space<vmem>> -> memref<64xi32, #tpu.memory_space<vmem>>
      %dma_start3A_58 = arith.constant 0 : i32
      %dma_start3A_59 = arith.constant 0 : i32
      %dma_start3A_60 = tpu.memref_slice %arg2[%dma_start3A_58, %dma_start3A_59] : memref<10000x64xf32, #tpu.memory_space<hbm>> -> memref<10000x64xf32, #tpu.memory_space<hbm>>
      tpu.enqueue_indirect_dma source(%dma_start3A_60 : memref<10000x64xf32, #tpu.memory_space<hbm>>) target(%arg13 : memref<64x64xf32, #tpu.memory_space<vmem>>) offsets(%dma_start3A_57 : memref<64xi32, #tpu.memory_space<vmem>>) semaphore(%arg21 : memref<!tpu.dma_semaphore, #tpu.memory_space<semaphore_mem>>)
      %dma_start3A_61 = arith.constant 4 : i32
      %dma_start3A_62 = arith.constant 0 : i32
      %dma_start3A_63 = tpu.memref_slice %arg8[%dma_start3A_61, %dma_start3A_62] : memref<8x64xi32, #tpu.memory_space<vmem>> -> memref<1x64xi32, #tpu.memory_space<vmem>>
      %dma_start3A_64 = tpu.memref_squeeze %dma_start3A_63 : memref<1x64xi32, #tpu.memory_space<vmem>> -> memref<64xi32, #tpu.memory_space<vmem>>
      %dma_start3A_65 = arith.constant 0 : i32
      %dma_start3A_66 = arith.constant 0 : i32
      %dma_start3A_67 = tpu.memref_slice %arg2[%dma_start3A_65, %dma_start3A_66] : memref<10000x64xf32, #tpu.memory_space<hbm>> -> memref<10000x64xf32, #tpu.memory_space<hbm>>
      tpu.enqueue_indirect_dma source(%dma_start3A_67 : memref<10000x64xf32, #tpu.memory_space<hbm>>) target(%arg14 : memref<64x64xf32, #tpu.memory_space<vmem>>) offsets(%dma_start3A_64 : memref<64xi32, #tpu.memory_space<vmem>>) semaphore(%arg22 : memref<!tpu.dma_semaphore, #tpu.memory_space<semaphore_mem>>)
      %dma_start3A_68 = arith.constant 5 : i32
      %dma_start3A_69 = arith.constant 0 : i32
      %dma_start3A_70 = tpu.memref_slice %arg8[%dma_start3A_68, %dma_start3A_69] : memref<8x64xi32, #tpu.memory_space<vmem>> -> memref<1x64xi32, #tpu.memory_space<vmem>>
      %dma_start3A_71 = tpu.memref_squeeze %dma_start3A_70 : memref<1x64xi32, #tpu.memory_space<vmem>> -> memref<64xi32, #tpu.memory_space<vmem>>
      %dma_start3A_72 = arith.constant 0 : i32
      %dma_start3A_73 = arith.constant 0 : i32
      %dma_start3A_74 = tpu.memref_slice %arg2[%dma_start3A_72, %dma_start3A_73] : memref<10000x64xf32, #tpu.memory_space<hbm>> -> memref<10000x64xf32, #tpu.memory_space<hbm>>
      tpu.enqueue_indirect_dma source(%dma_start3A_74 : memref<10000x64xf32, #tpu.memory_space<hbm>>) target(%arg15 : memref<64x64xf32, #tpu.memory_space<vmem>>) offsets(%dma_start3A_71 : memref<64xi32, #tpu.memory_space<vmem>>) semaphore(%arg23 : memref<!tpu.dma_semaphore, #tpu.memory_space<semaphore_mem>>)
      %dma_start3A_75 = arith.constant 6 : i32
      %dma_start3A_76 = arith.constant 0 : i32
      %dma_start3A_77 = tpu.memref_slice %arg8[%dma_start3A_75, %dma_start3A_76] : memref<8x64xi32, #tpu.memory_space<vmem>> -> memref<1x64xi32, #tpu.memory_space<vmem>>
      %dma_start3A_78 = tpu.memref_squeeze %dma_start3A_77 : memref<1x64xi32, #tpu.memory_space<vmem>> -> memref<64xi32, #tpu.memory_space<vmem>>
      %dma_start3A_79 = arith.constant 0 : i32
      %dma_start3A_80 = arith.constant 0 : i32
      %dma_start3A_81 = tpu.memref_slice %arg2[%dma_start3A_79, %dma_start3A_80] : memref<10000x64xf32, #tpu.memory_space<hbm>> -> memref<10000x64xf32, #tpu.memory_space<hbm>>
      tpu.enqueue_indirect_dma source(%dma_start3A_81 : memref<10000x64xf32, #tpu.memory_space<hbm>>) target(%arg16 : memref<64x64xf32, #tpu.memory_space<vmem>>) offsets(%dma_start3A_78 : memref<64xi32, #tpu.memory_space<vmem>>) semaphore(%arg24 : memref<!tpu.dma_semaphore, #tpu.memory_space<semaphore_mem>>)
      %dma_start3A_82 = arith.constant 7 : i32
      %dma_start3A_83 = arith.constant 0 : i32
      %dma_start3A_84 = tpu.memref_slice %arg8[%dma_start3A_82, %dma_start3A_83] : memref<8x64xi32, #tpu.memory_space<vmem>> -> memref<1x64xi32, #tpu.memory_space<vmem>>
      %dma_start3A_85 = tpu.memref_squeeze %dma_start3A_84 : memref<1x64xi32, #tpu.memory_space<vmem>> -> memref<64xi32, #tpu.memory_space<vmem>>
      %dma_start3A_86 = arith.constant 0 : i32
      %dma_start3A_87 = arith.constant 0 : i32
      %dma_start3A_88 = tpu.memref_slice %arg2[%dma_start3A_86, %dma_start3A_87] : memref<10000x64xf32, #tpu.memory_space<hbm>> -> memref<10000x64xf32, #tpu.memory_space<hbm>>
      tpu.enqueue_indirect_dma source(%dma_start3A_88 : memref<10000x64xf32, #tpu.memory_space<hbm>>) target(%arg17 : memref<64x64xf32, #tpu.memory_space<vmem>>) offsets(%dma_start3A_85 : memref<64xi32, #tpu.memory_space<vmem>>) semaphore(%arg25 : memref<!tpu.dma_semaphore, #tpu.memory_space<semaphore_mem>>)
      %dma_wait3A = arith.constant 0 : i32
      %dma_wait3A_89 = arith.constant 0 : i32
      %dma_wait3A_90 = tpu.memref_slice %arg8[%dma_wait3A, %dma_wait3A_89] : memref<8x64xi32, #tpu.memory_space<vmem>> -> memref<1x64xi32, #tpu.memory_space<vmem>>
      %dma_wait3A_91 = tpu.memref_squeeze %dma_wait3A_90 : memref<1x64xi32, #tpu.memory_space<vmem>> -> memref<64xi32, #tpu.memory_space<vmem>>
      %dma_wait3A_92 = arith.constant 0 : i32
      %dma_wait3A_93 = arith.constant 0 : i32
      %dma_wait3A_94 = tpu.memref_slice %arg2[%dma_wait3A_92, %dma_wait3A_93] : memref<10000x64xf32, #tpu.memory_space<hbm>> -> memref<10000x64xf32, #tpu.memory_space<hbm>>
      tpu.wait_indirect_dma semaphore(%arg18 : memref<!tpu.dma_semaphore, #tpu.memory_space<semaphore_mem>>) src(%dma_wait3A_94 : memref<10000x64xf32, #tpu.memory_space<hbm>>) dst(%arg10 : memref<64x64xf32, #tpu.memory_space<vmem>>)
      %dma_start3A_95 = arith.constant 0 : i32
      %dma_start3A_96 = arith.constant 0 : i32
      %dma_start3A_97 = tpu.memref_slice %arg9[%dma_start3A_95, %dma_start3A_96] : memref<8x64xi32, #tpu.memory_space<vmem>> -> memref<1x64xi32, #tpu.memory_space<vmem>>
      %dma_start3A_98 = tpu.memref_squeeze %dma_start3A_97 : memref<1x64xi32, #tpu.memory_space<vmem>> -> memref<64xi32, #tpu.memory_space<vmem>>
      %dma_start3A_99 = arith.constant 0 : i32
      %dma_start3A_100 = arith.constant 0 : i32
      %dma_start3A_101 = tpu.memref_slice %arg7[%dma_start3A_99, %dma_start3A_100] : memref<10240x64xf32, #tpu.memory_space<vmem_shared>> -> memref<10240x64xf32, #tpu.memory_space<vmem_shared>>
      tpu.enqueue_indirect_dma source(%arg10 : memref<64x64xf32, #tpu.memory_space<vmem>>) target(%dma_start3A_101 : memref<10240x64xf32, #tpu.memory_space<vmem_shared>>) offsets(%dma_start3A_98 : memref<64xi32, #tpu.memory_space<vmem>>) semaphore(%arg26 : memref<!tpu.dma_semaphore, #tpu.memory_space<semaphore_mem>>) {add = true}
      %dma_wait3A_102 = arith.constant 1 : i32
      %dma_wait3A_103 = arith.constant 0 : i32
      %dma_wait3A_104 = tpu.memref_slice %arg8[%dma_wait3A_102, %dma_wait3A_103] : memref<8x64xi32, #tpu.memory_space<vmem>> -> memref<1x64xi32, #tpu.memory_space<vmem>>
      %dma_wait3A_105 = tpu.memref_squeeze %dma_wait3A_104 : memref<1x64xi32, #tpu.memory_space<vmem>> -> memref<64xi32, #tpu.memory_space<vmem>>
      %dma_wait3A_106 = arith.constant 0 : i32
      %dma_wait3A_107 = arith.constant 0 : i32
      %dma_wait3A_108 = tpu.memref_slice %arg2[%dma_wait3A_106, %dma_wait3A_107] : memref<10000x64xf32, #tpu.memory_space<hbm>> -> memref<10000x64xf32, #tpu.memory_space<hbm>>
      tpu.wait_indirect_dma semaphore(%arg19 : memref<!tpu.dma_semaphore, #tpu.memory_space<semaphore_mem>>) src(%dma_wait3A_108 : memref<10000x64xf32, #tpu.memory_space<hbm>>) dst(%arg11 : memref<64x64xf32, #tpu.memory_space<vmem>>)
      %dma_start3A_109 = arith.constant 1 : i32
      %dma_start3A_110 = arith.constant 0 : i32
      %dma_start3A_111 = tpu.memref_slice %arg9[%dma_start3A_109, %dma_start3A_110] : memref<8x64xi32, #tpu.memory_space<vmem>> -> memref<1x64xi32, #tpu.memory_space<vmem>>
      %dma_start3A_112 = tpu.memref_squeeze %dma_start3A_111 : memref<1x64xi32, #tpu.memory_space<vmem>> -> memref<64xi32, #tpu.memory_space<vmem>>
      %dma_start3A_113 = arith.constant 0 : i32
      %dma_start3A_114 = arith.constant 0 : i32
      %dma_start3A_115 = tpu.memref_slice %arg7[%dma_start3A_113, %dma_start3A_114] : memref<10240x64xf32, #tpu.memory_space<vmem_shared>> -> memref<10240x64xf32, #tpu.memory_space<vmem_shared>>
      tpu.enqueue_indirect_dma source(%arg11 : memref<64x64xf32, #tpu.memory_space<vmem>>) target(%dma_start3A_115 : memref<10240x64xf32, #tpu.memory_space<vmem_shared>>) offsets(%dma_start3A_112 : memref<64xi32, #tpu.memory_space<vmem>>) semaphore(%arg27 : memref<!tpu.dma_semaphore, #tpu.memory_space<semaphore_mem>>) {add = true}
      %dma_wait3A_116 = arith.constant 2 : i32
      %dma_wait3A_117 = arith.constant 0 : i32
      %dma_wait3A_118 = tpu.memref_slice %arg8[%dma_wait3A_116, %dma_wait3A_117] : memref<8x64xi32, #tpu.memory_space<vmem>> -> memref<1x64xi32, #tpu.memory_space<vmem>>
      %dma_wait3A_119 = tpu.memref_squeeze %dma_wait3A_118 : memref<1x64xi32, #tpu.memory_space<vmem>> -> memref<64xi32, #tpu.memory_space<vmem>>
      %dma_wait3A_120 = arith.constant 0 : i32
      %dma_wait3A_121 = arith.constant 0 : i32
      %dma_wait3A_122 = tpu.memref_slice %arg2[%dma_wait3A_120, %dma_wait3A_121] : memref<10000x64xf32, #tpu.memory_space<hbm>> -> memref<10000x64xf32, #tpu.memory_space<hbm>>
      tpu.wait_indirect_dma semaphore(%arg20 : memref<!tpu.dma_semaphore, #tpu.memory_space<semaphore_mem>>) src(%dma_wait3A_122 : memref<10000x64xf32, #tpu.memory_space<hbm>>) dst(%arg12 : memref<64x64xf32, #tpu.memory_space<vmem>>)
      %dma_start3A_123 = arith.constant 2 : i32
      %dma_start3A_124 = arith.constant 0 : i32
      %dma_start3A_125 = tpu.memref_slice %arg9[%dma_start3A_123, %dma_start3A_124] : memref<8x64xi32, #tpu.memory_space<vmem>> -> memref<1x64xi32, #tpu.memory_space<vmem>>
      %dma_start3A_126 = tpu.memref_squeeze %dma_start3A_125 : memref<1x64xi32, #tpu.memory_space<vmem>> -> memref<64xi32, #tpu.memory_space<vmem>>
      %dma_start3A_127 = arith.constant 0 : i32
      %dma_start3A_128 = arith.constant 0 : i32
      %dma_start3A_129 = tpu.memref_slice %arg7[%dma_start3A_127, %dma_start3A_128] : memref<10240x64xf32, #tpu.memory_space<vmem_shared>> -> memref<10240x64xf32, #tpu.memory_space<vmem_shared>>
      tpu.enqueue_indirect_dma source(%arg12 : memref<64x64xf32, #tpu.memory_space<vmem>>) target(%dma_start3A_129 : memref<10240x64xf32, #tpu.memory_space<vmem_shared>>) offsets(%dma_start3A_126 : memref<64xi32, #tpu.memory_space<vmem>>) semaphore(%arg28 : memref<!tpu.dma_semaphore, #tpu.memory_space<semaphore_mem>>) {add = true}
      %dma_wait3A_130 = arith.constant 3 : i32
      %dma_wait3A_131 = arith.constant 0 : i32
      %dma_wait3A_132 = tpu.memref_slice %arg8[%dma_wait3A_130, %dma_wait3A_131] : memref<8x64xi32, #tpu.memory_space<vmem>> -> memref<1x64xi32, #tpu.memory_space<vmem>>
      %dma_wait3A_133 = tpu.memref_squeeze %dma_wait3A_132 : memref<1x64xi32, #tpu.memory_space<vmem>> -> memref<64xi32, #tpu.memory_space<vmem>>
      %dma_wait3A_134 = arith.constant 0 : i32
      %dma_wait3A_135 = arith.constant 0 : i32
      %dma_wait3A_136 = tpu.memref_slice %arg2[%dma_wait3A_134, %dma_wait3A_135] : memref<10000x64xf32, #tpu.memory_space<hbm>> -> memref<10000x64xf32, #tpu.memory_space<hbm>>
      tpu.wait_indirect_dma semaphore(%arg21 : memref<!tpu.dma_semaphore, #tpu.memory_space<semaphore_mem>>) src(%dma_wait3A_136 : memref<10000x64xf32, #tpu.memory_space<hbm>>) dst(%arg13 : memref<64x64xf32, #tpu.memory_space<vmem>>)
      %dma_start3A_137 = arith.constant 3 : i32
      %dma_start3A_138 = arith.constant 0 : i32
      %dma_start3A_139 = tpu.memref_slice %arg9[%dma_start3A_137, %dma_start3A_138] : memref<8x64xi32, #tpu.memory_space<vmem>> -> memref<1x64xi32, #tpu.memory_space<vmem>>
      %dma_start3A_140 = tpu.memref_squeeze %dma_start3A_139 : memref<1x64xi32, #tpu.memory_space<vmem>> -> memref<64xi32, #tpu.memory_space<vmem>>
      %dma_start3A_141 = arith.constant 0 : i32
      %dma_start3A_142 = arith.constant 0 : i32
      %dma_start3A_143 = tpu.memref_slice %arg7[%dma_start3A_141, %dma_start3A_142] : memref<10240x64xf32, #tpu.memory_space<vmem_shared>> -> memref<10240x64xf32, #tpu.memory_space<vmem_shared>>
      tpu.enqueue_indirect_dma source(%arg13 : memref<64x64xf32, #tpu.memory_space<vmem>>) target(%dma_start3A_143 : memref<10240x64xf32, #tpu.memory_space<vmem_shared>>) offsets(%dma_start3A_140 : memref<64xi32, #tpu.memory_space<vmem>>) semaphore(%arg29 : memref<!tpu.dma_semaphore, #tpu.memory_space<semaphore_mem>>) {add = true}
      %dma_wait3A_144 = arith.constant 4 : i32
      %dma_wait3A_145 = arith.constant 0 : i32
      %dma_wait3A_146 = tpu.memref_slice %arg8[%dma_wait3A_144, %dma_wait3A_145] : memref<8x64xi32, #tpu.memory_space<vmem>> -> memref<1x64xi32, #tpu.memory_space<vmem>>
      %dma_wait3A_147 = tpu.memref_squeeze %dma_wait3A_146 : memref<1x64xi32, #tpu.memory_space<vmem>> -> memref<64xi32, #tpu.memory_space<vmem>>
      %dma_wait3A_148 = arith.constant 0 : i32
      %dma_wait3A_149 = arith.constant 0 : i32
      %dma_wait3A_150 = tpu.memref_slice %arg2[%dma_wait3A_148, %dma_wait3A_149] : memref<10000x64xf32, #tpu.memory_space<hbm>> -> memref<10000x64xf32, #tpu.memory_space<hbm>>
      tpu.wait_indirect_dma semaphore(%arg22 : memref<!tpu.dma_semaphore, #tpu.memory_space<semaphore_mem>>) src(%dma_wait3A_150 : memref<10000x64xf32, #tpu.memory_space<hbm>>) dst(%arg14 : memref<64x64xf32, #tpu.memory_space<vmem>>)
      %dma_start3A_151 = arith.constant 4 : i32
      %dma_start3A_152 = arith.constant 0 : i32
      %dma_start3A_153 = tpu.memref_slice %arg9[%dma_start3A_151, %dma_start3A_152] : memref<8x64xi32, #tpu.memory_space<vmem>> -> memref<1x64xi32, #tpu.memory_space<vmem>>
      %dma_start3A_154 = tpu.memref_squeeze %dma_start3A_153 : memref<1x64xi32, #tpu.memory_space<vmem>> -> memref<64xi32, #tpu.memory_space<vmem>>
      %dma_start3A_155 = arith.constant 0 : i32
      %dma_start3A_156 = arith.constant 0 : i32
      %dma_start3A_157 = tpu.memref_slice %arg7[%dma_start3A_155, %dma_start3A_156] : memref<10240x64xf32, #tpu.memory_space<vmem_shared>> -> memref<10240x64xf32, #tpu.memory_space<vmem_shared>>
      tpu.enqueue_indirect_dma source(%arg14 : memref<64x64xf32, #tpu.memory_space<vmem>>) target(%dma_start3A_157 : memref<10240x64xf32, #tpu.memory_space<vmem_shared>>) offsets(%dma_start3A_154 : memref<64xi32, #tpu.memory_space<vmem>>) semaphore(%arg30 : memref<!tpu.dma_semaphore, #tpu.memory_space<semaphore_mem>>) {add = true}
      %dma_wait3A_158 = arith.constant 5 : i32
      %dma_wait3A_159 = arith.constant 0 : i32
      %dma_wait3A_160 = tpu.memref_slice %arg8[%dma_wait3A_158, %dma_wait3A_159] : memref<8x64xi32, #tpu.memory_space<vmem>> -> memref<1x64xi32, #tpu.memory_space<vmem>>
      %dma_wait3A_161 = tpu.memref_squeeze %dma_wait3A_160 : memref<1x64xi32, #tpu.memory_space<vmem>> -> memref<64xi32, #tpu.memory_space<vmem>>
      %dma_wait3A_162 = arith.constant 0 : i32
      %dma_wait3A_163 = arith.constant 0 : i32
      %dma_wait3A_164 = tpu.memref_slice %arg2[%dma_wait3A_162, %dma_wait3A_163] : memref<10000x64xf32, #tpu.memory_space<hbm>> -> memref<10000x64xf32, #tpu.memory_space<hbm>>
      tpu.wait_indirect_dma semaphore(%arg23 : memref<!tpu.dma_semaphore, #tpu.memory_space<semaphore_mem>>) src(%dma_wait3A_164 : memref<10000x64xf32, #tpu.memory_space<hbm>>) dst(%arg15 : memref<64x64xf32, #tpu.memory_space<vmem>>)
      %dma_start3A_165 = arith.constant 5 : i32
      %dma_start3A_166 = arith.constant 0 : i32
      %dma_start3A_167 = tpu.memref_slice %arg9[%dma_start3A_165, %dma_start3A_166] : memref<8x64xi32, #tpu.memory_space<vmem>> -> memref<1x64xi32, #tpu.memory_space<vmem>>
      %dma_start3A_168 = tpu.memref_squeeze %dma_start3A_167 : memref<1x64xi32, #tpu.memory_space<vmem>> -> memref<64xi32, #tpu.memory_space<vmem>>
      %dma_start3A_169 = arith.constant 0 : i32
      %dma_start3A_170 = arith.constant 0 : i32
      %dma_start3A_171 = tpu.memref_slice %arg7[%dma_start3A_169, %dma_start3A_170] : memref<10240x64xf32, #tpu.memory_space<vmem_shared>> -> memref<10240x64xf32, #tpu.memory_space<vmem_shared>>
      tpu.enqueue_indirect_dma source(%arg15 : memref<64x64xf32, #tpu.memory_space<vmem>>) target(%dma_start3A_171 : memref<10240x64xf32, #tpu.memory_space<vmem_shared>>) offsets(%dma_start3A_168 : memref<64xi32, #tpu.memory_space<vmem>>) semaphore(%arg31 : memref<!tpu.dma_semaphore, #tpu.memory_space<semaphore_mem>>) {add = true}
      %dma_wait3A_172 = arith.constant 6 : i32
      %dma_wait3A_173 = arith.constant 0 : i32
      %dma_wait3A_174 = tpu.memref_slice %arg8[%dma_wait3A_172, %dma_wait3A_173] : memref<8x64xi32, #tpu.memory_space<vmem>> -> memref<1x64xi32, #tpu.memory_space<vmem>>
      %dma_wait3A_175 = tpu.memref_squeeze %dma_wait3A_174 : memref<1x64xi32, #tpu.memory_space<vmem>> -> memref<64xi32, #tpu.memory_space<vmem>>
      %dma_wait3A_176 = arith.constant 0 : i32
      %dma_wait3A_177 = arith.constant 0 : i32
      %dma_wait3A_178 = tpu.memref_slice %arg2[%dma_wait3A_176, %dma_wait3A_177] : memref<10000x64xf32, #tpu.memory_space<hbm>> -> memref<10000x64xf32, #tpu.memory_space<hbm>>
      tpu.wait_indirect_dma semaphore(%arg24 : memref<!tpu.dma_semaphore, #tpu.memory_space<semaphore_mem>>) src(%dma_wait3A_178 : memref<10000x64xf32, #tpu.memory_space<hbm>>) dst(%arg16 : memref<64x64xf32, #tpu.memory_space<vmem>>)
      %dma_start3A_179 = arith.constant 6 : i32
      %dma_start3A_180 = arith.constant 0 : i32
      %dma_start3A_181 = tpu.memref_slice %arg9[%dma_start3A_179, %dma_start3A_180] : memref<8x64xi32, #tpu.memory_space<vmem>> -> memref<1x64xi32, #tpu.memory_space<vmem>>
      %dma_start3A_182 = tpu.memref_squeeze %dma_start3A_181 : memref<1x64xi32, #tpu.memory_space<vmem>> -> memref<64xi32, #tpu.memory_space<vmem>>
      %dma_start3A_183 = arith.constant 0 : i32
      %dma_start3A_184 = arith.constant 0 : i32
      %dma_start3A_185 = tpu.memref_slice %arg7[%dma_start3A_183, %dma_start3A_184] : memref<10240x64xf32, #tpu.memory_space<vmem_shared>> -> memref<10240x64xf32, #tpu.memory_space<vmem_shared>>
      tpu.enqueue_indirect_dma source(%arg16 : memref<64x64xf32, #tpu.memory_space<vmem>>) target(%dma_start3A_185 : memref<10240x64xf32, #tpu.memory_space<vmem_shared>>) offsets(%dma_start3A_182 : memref<64xi32, #tpu.memory_space<vmem>>) semaphore(%arg32 : memref<!tpu.dma_semaphore, #tpu.memory_space<semaphore_mem>>) {add = true}
      %dma_wait3A_186 = arith.constant 7 : i32
      %dma_wait3A_187 = arith.constant 0 : i32
      %dma_wait3A_188 = tpu.memref_slice %arg8[%dma_wait3A_186, %dma_wait3A_187] : memref<8x64xi32, #tpu.memory_space<vmem>> -> memref<1x64xi32, #tpu.memory_space<vmem>>
      %dma_wait3A_189 = tpu.memref_squeeze %dma_wait3A_188 : memref<1x64xi32, #tpu.memory_space<vmem>> -> memref<64xi32, #tpu.memory_space<vmem>>
      %dma_wait3A_190 = arith.constant 0 : i32
      %dma_wait3A_191 = arith.constant 0 : i32
      %dma_wait3A_192 = tpu.memref_slice %arg2[%dma_wait3A_190, %dma_wait3A_191] : memref<10000x64xf32, #tpu.memory_space<hbm>> -> memref<10000x64xf32, #tpu.memory_space<hbm>>
      tpu.wait_indirect_dma semaphore(%arg25 : memref<!tpu.dma_semaphore, #tpu.memory_space<semaphore_mem>>) src(%dma_wait3A_192 : memref<10000x64xf32, #tpu.memory_space<hbm>>) dst(%arg17 : memref<64x64xf32, #tpu.memory_space<vmem>>)
      %dma_start3A_193 = arith.constant 7 : i32
      %dma_start3A_194 = arith.constant 0 : i32
      %dma_start3A_195 = tpu.memref_slice %arg9[%dma_start3A_193, %dma_start3A_194] : memref<8x64xi32, #tpu.memory_space<vmem>> -> memref<1x64xi32, #tpu.memory_space<vmem>>
      %dma_start3A_196 = tpu.memref_squeeze %dma_start3A_195 : memref<1x64xi32, #tpu.memory_space<vmem>> -> memref<64xi32, #tpu.memory_space<vmem>>
      %dma_start3A_197 = arith.constant 0 : i32
      %dma_start3A_198 = arith.constant 0 : i32
      %dma_start3A_199 = tpu.memref_slice %arg7[%dma_start3A_197, %dma_start3A_198] : memref<10240x64xf32, #tpu.memory_space<vmem_shared>> -> memref<10240x64xf32, #tpu.memory_space<vmem_shared>>
      tpu.enqueue_indirect_dma source(%arg17 : memref<64x64xf32, #tpu.memory_space<vmem>>) target(%dma_start3A_199 : memref<10240x64xf32, #tpu.memory_space<vmem_shared>>) offsets(%dma_start3A_196 : memref<64xi32, #tpu.memory_space<vmem>>) semaphore(%arg33 : memref<!tpu.dma_semaphore, #tpu.memory_space<semaphore_mem>>) {add = true}
      %dma_wait3A_200 = arith.constant 0 : i32
      %dma_wait3A_201 = arith.constant 0 : i32
      %dma_wait3A_202 = tpu.memref_slice %arg9[%dma_wait3A_200, %dma_wait3A_201] : memref<8x64xi32, #tpu.memory_space<vmem>> -> memref<1x64xi32, #tpu.memory_space<vmem>>
      %dma_wait3A_203 = tpu.memref_squeeze %dma_wait3A_202 : memref<1x64xi32, #tpu.memory_space<vmem>> -> memref<64xi32, #tpu.memory_space<vmem>>
      %dma_wait3A_204 = arith.constant 0 : i32
      %dma_wait3A_205 = arith.constant 0 : i32
      %dma_wait3A_206 = tpu.memref_slice %arg7[%dma_wait3A_204, %dma_wait3A_205] : memref<10240x64xf32, #tpu.memory_space<vmem_shared>> -> memref<10240x64xf32, #tpu.memory_space<vmem_shared>>
      tpu.wait_indirect_dma semaphore(%arg26 : memref<!tpu.dma_semaphore, #tpu.memory_space<semaphore_mem>>) src(%arg10 : memref<64x64xf32, #tpu.memory_space<vmem>>) dst(%dma_wait3A_206 : memref<10240x64xf32, #tpu.memory_space<vmem_shared>>)
      %dma_wait3A_207 = arith.constant 1 : i32
      %dma_wait3A_208 = arith.constant 0 : i32
      %dma_wait3A_209 = tpu.memref_slice %arg9[%dma_wait3A_207, %dma_wait3A_208] : memref<8x64xi32, #tpu.memory_space<vmem>> -> memref<1x64xi32, #tpu.memory_space<vmem>>
      %dma_wait3A_210 = tpu.memref_squeeze %dma_wait3A_209 : memref<1x64xi32, #tpu.memory_space<vmem>> -> memref<64xi32, #tpu.memory_space<vmem>>
      %dma_wait3A_211 = arith.constant 0 : i32
      %dma_wait3A_212 = arith.constant 0 : i32
      %dma_wait3A_213 = tpu.memref_slice %arg7[%dma_wait3A_211, %dma_wait3A_212] : memref<10240x64xf32, #tpu.memory_space<vmem_shared>> -> memref<10240x64xf32, #tpu.memory_space<vmem_shared>>
      tpu.wait_indirect_dma semaphore(%arg27 : memref<!tpu.dma_semaphore, #tpu.memory_space<semaphore_mem>>) src(%arg11 : memref<64x64xf32, #tpu.memory_space<vmem>>) dst(%dma_wait3A_213 : memref<10240x64xf32, #tpu.memory_space<vmem_shared>>)
      %dma_wait3A_214 = arith.constant 2 : i32
      %dma_wait3A_215 = arith.constant 0 : i32
      %dma_wait3A_216 = tpu.memref_slice %arg9[%dma_wait3A_214, %dma_wait3A_215] : memref<8x64xi32, #tpu.memory_space<vmem>> -> memref<1x64xi32, #tpu.memory_space<vmem>>
      %dma_wait3A_217 = tpu.memref_squeeze %dma_wait3A_216 : memref<1x64xi32, #tpu.memory_space<vmem>> -> memref<64xi32, #tpu.memory_space<vmem>>
      %dma_wait3A_218 = arith.constant 0 : i32
      %dma_wait3A_219 = arith.constant 0 : i32
      %dma_wait3A_220 = tpu.memref_slice %arg7[%dma_wait3A_218, %dma_wait3A_219] : memref<10240x64xf32, #tpu.memory_space<vmem_shared>> -> memref<10240x64xf32, #tpu.memory_space<vmem_shared>>
      tpu.wait_indirect_dma semaphore(%arg28 : memref<!tpu.dma_semaphore, #tpu.memory_space<semaphore_mem>>) src(%arg12 : memref<64x64xf32, #tpu.memory_space<vmem>>) dst(%dma_wait3A_220 : memref<10240x64xf32, #tpu.memory_space<vmem_shared>>)
      %dma_wait3A_221 = arith.constant 3 : i32
      %dma_wait3A_222 = arith.constant 0 : i32
      %dma_wait3A_223 = tpu.memref_slice %arg9[%dma_wait3A_221, %dma_wait3A_222] : memref<8x64xi32, #tpu.memory_space<vmem>> -> memref<1x64xi32, #tpu.memory_space<vmem>>
      %dma_wait3A_224 = tpu.memref_squeeze %dma_wait3A_223 : memref<1x64xi32, #tpu.memory_space<vmem>> -> memref<64xi32, #tpu.memory_space<vmem>>
      %dma_wait3A_225 = arith.constant 0 : i32
      %dma_wait3A_226 = arith.constant 0 : i32
      %dma_wait3A_227 = tpu.memref_slice %arg7[%dma_wait3A_225, %dma_wait3A_226] : memref<10240x64xf32, #tpu.memory_space<vmem_shared>> -> memref<10240x64xf32, #tpu.memory_space<vmem_shared>>
      tpu.wait_indirect_dma semaphore(%arg29 : memref<!tpu.dma_semaphore, #tpu.memory_space<semaphore_mem>>) src(%arg13 : memref<64x64xf32, #tpu.memory_space<vmem>>) dst(%dma_wait3A_227 : memref<10240x64xf32, #tpu.memory_space<vmem_shared>>)
      %dma_wait3A_228 = arith.constant 4 : i32
      %dma_wait3A_229 = arith.constant 0 : i32
      %dma_wait3A_230 = tpu.memref_slice %arg9[%dma_wait3A_228, %dma_wait3A_229] : memref<8x64xi32, #tpu.memory_space<vmem>> -> memref<1x64xi32, #tpu.memory_space<vmem>>
      %dma_wait3A_231 = tpu.memref_squeeze %dma_wait3A_230 : memref<1x64xi32, #tpu.memory_space<vmem>> -> memref<64xi32, #tpu.memory_space<vmem>>
      %dma_wait3A_232 = arith.constant 0 : i32
      %dma_wait3A_233 = arith.constant 0 : i32
      %dma_wait3A_234 = tpu.memref_slice %arg7[%dma_wait3A_232, %dma_wait3A_233] : memref<10240x64xf32, #tpu.memory_space<vmem_shared>> -> memref<10240x64xf32, #tpu.memory_space<vmem_shared>>
      tpu.wait_indirect_dma semaphore(%arg30 : memref<!tpu.dma_semaphore, #tpu.memory_space<semaphore_mem>>) src(%arg14 : memref<64x64xf32, #tpu.memory_space<vmem>>) dst(%dma_wait3A_234 : memref<10240x64xf32, #tpu.memory_space<vmem_shared>>)
      %dma_wait3A_235 = arith.constant 5 : i32
      %dma_wait3A_236 = arith.constant 0 : i32
      %dma_wait3A_237 = tpu.memref_slice %arg9[%dma_wait3A_235, %dma_wait3A_236] : memref<8x64xi32, #tpu.memory_space<vmem>> -> memref<1x64xi32, #tpu.memory_space<vmem>>
      %dma_wait3A_238 = tpu.memref_squeeze %dma_wait3A_237 : memref<1x64xi32, #tpu.memory_space<vmem>> -> memref<64xi32, #tpu.memory_space<vmem>>
      %dma_wait3A_239 = arith.constant 0 : i32
      %dma_wait3A_240 = arith.constant 0 : i32
      %dma_wait3A_241 = tpu.memref_slice %arg7[%dma_wait3A_239, %dma_wait3A_240] : memref<10240x64xf32, #tpu.memory_space<vmem_shared>> -> memref<10240x64xf32, #tpu.memory_space<vmem_shared>>
      tpu.wait_indirect_dma semaphore(%arg31 : memref<!tpu.dma_semaphore, #tpu.memory_space<semaphore_mem>>) src(%arg15 : memref<64x64xf32, #tpu.memory_space<vmem>>) dst(%dma_wait3A_241 : memref<10240x64xf32, #tpu.memory_space<vmem_shared>>)
      %dma_wait3A_242 = arith.constant 6 : i32
      %dma_wait3A_243 = arith.constant 0 : i32
      %dma_wait3A_244 = tpu.memref_slice %arg9[%dma_wait3A_242, %dma_wait3A_243] : memref<8x64xi32, #tpu.memory_space<vmem>> -> memref<1x64xi32, #tpu.memory_space<vmem>>
      %dma_wait3A_245 = tpu.memref_squeeze %dma_wait3A_244 : memref<1x64xi32, #tpu.memory_space<vmem>> -> memref<64xi32, #tpu.memory_space<vmem>>
      %dma_wait3A_246 = arith.constant 0 : i32
      %dma_wait3A_247 = arith.constant 0 : i32
      %dma_wait3A_248 = tpu.memref_slice %arg7[%dma_wait3A_246, %dma_wait3A_247] : memref<10240x64xf32, #tpu.memory_space<vmem_shared>> -> memref<10240x64xf32, #tpu.memory_space<vmem_shared>>
      tpu.wait_indirect_dma semaphore(%arg32 : memref<!tpu.dma_semaphore, #tpu.memory_space<semaphore_mem>>) src(%arg16 : memref<64x64xf32, #tpu.memory_space<vmem>>) dst(%dma_wait3A_248 : memref<10240x64xf32, #tpu.memory_space<vmem_shared>>)
      %dma_wait3A_249 = arith.constant 7 : i32
      %dma_wait3A_250 = arith.constant 0 : i32
      %dma_wait3A_251 = tpu.memref_slice %arg9[%dma_wait3A_249, %dma_wait3A_250] : memref<8x64xi32, #tpu.memory_space<vmem>> -> memref<1x64xi32, #tpu.memory_space<vmem>>
      %dma_wait3A_252 = tpu.memref_squeeze %dma_wait3A_251 : memref<1x64xi32, #tpu.memory_space<vmem>> -> memref<64xi32, #tpu.memory_space<vmem>>
      %dma_wait3A_253 = arith.constant 0 : i32
      %dma_wait3A_254 = arith.constant 0 : i32
      %dma_wait3A_255 = tpu.memref_slice %arg7[%dma_wait3A_253, %dma_wait3A_254] : memref<10240x64xf32, #tpu.memory_space<vmem_shared>> -> memref<10240x64xf32, #tpu.memory_space<vmem_shared>>
      tpu.wait_indirect_dma semaphore(%arg33 : memref<!tpu.dma_semaphore, #tpu.memory_space<semaphore_mem>>) src(%arg17 : memref<64x64xf32, #tpu.memory_space<vmem>>) dst(%dma_wait3A_255 : memref<10240x64xf32, #tpu.memory_space<vmem_shared>>)
    }
    %while3A_26 = arith.constant 1 : i32
    scf.for %while3A_28 = %while3A_24 to %while3A_20 step %while3A_26  : i32 {
      %mul3A_29 = arith.muli %while3A_28, %while3A : i32
      %add3A_30 = arith.addi %while3A_17, %mul3A_29 : i32
      %mul3A_31 = arith.constant 8 : i32
      %mul3A_32 = arith.muli %add3A_30, %mul3A_31 : i32
      %add3A_33 = arith.addi %select_n3A, %mul3A_32 : i32
      "tpu.region"() ({
        %run_scoped3A = tpu.sem_alloc : memref<!tpu.dma_semaphore, #tpu.memory_space<semaphore_mem>>
        %dma_start3A_256 = arith.constant 0 : i32
        %dma_start3A_257 = tpu.memref_slice %arg3[%add3A_33, %dma_start3A_256] : memref<5120x64xi32, #tpu.memory_space<hbm>> -> memref<8x64xi32, #tpu.memory_space<hbm>>
        %dma_start3A_258 = arith.constant 0 : i32
        %dma_start3A_259 = tpu.memref_slice %arg3[%add3A_33, %dma_start3A_258] : memref<5120x64xi32, #tpu.memory_space<hbm>> -> memref<8x64xi32, #tpu.memory_space<hbm>>
        tpu.enqueue_dma source(%dma_start3A_259 : memref<8x64xi32, #tpu.memory_space<hbm>>) target(%arg8 : memref<8x64xi32, #tpu.memory_space<vmem>>) target_semaphore(%run_scoped3A : memref<!tpu.dma_semaphore, #tpu.memory_space<semaphore_mem>>)
        %dma_wait3A_260 = arith.constant 0 : i32
        %dma_wait3A_261 = tpu.memref_slice %arg3[%add3A_33, %dma_wait3A_260] : memref<5120x64xi32, #tpu.memory_space<hbm>> -> memref<8x64xi32, #tpu.memory_space<hbm>>
        %dma_wait3A_262 = arith.constant 0 : i32
        %dma_wait3A_263 = tpu.memref_slice %arg3[%add3A_33, %dma_wait3A_262] : memref<5120x64xi32, #tpu.memory_space<hbm>> -> memref<8x64xi32, #tpu.memory_space<hbm>>
        tpu.wait_dma2 semaphore(%run_scoped3A : memref<!tpu.dma_semaphore, #tpu.memory_space<semaphore_mem>>) src(%dma_wait3A_263 : memref<8x64xi32, #tpu.memory_space<hbm>>) dst(%arg8 : memref<8x64xi32, #tpu.memory_space<vmem>>)
        tpu.yield
      }) : () -> ()
      "tpu.region"() ({
        %run_scoped3A = tpu.sem_alloc : memref<!tpu.dma_semaphore, #tpu.memory_space<semaphore_mem>>
        %dma_start3A_256 = arith.constant 0 : i32
        %dma_start3A_257 = tpu.memref_slice %arg4[%add3A_33, %dma_start3A_256] : memref<5120x64xi32, #tpu.memory_space<hbm>> -> memref<8x64xi32, #tpu.memory_space<hbm>>
        %dma_start3A_258 = arith.constant 0 : i32
        %dma_start3A_259 = tpu.memref_slice %arg4[%add3A_33, %dma_start3A_258] : memref<5120x64xi32, #tpu.memory_space<hbm>> -> memref<8x64xi32, #tpu.memory_space<hbm>>
        tpu.enqueue_dma source(%dma_start3A_259 : memref<8x64xi32, #tpu.memory_space<hbm>>) target(%arg9 : memref<8x64xi32, #tpu.memory_space<vmem>>) target_semaphore(%run_scoped3A : memref<!tpu.dma_semaphore, #tpu.memory_space<semaphore_mem>>)
        %dma_wait3A_260 = arith.constant 0 : i32
        %dma_wait3A_261 = tpu.memref_slice %arg4[%add3A_33, %dma_wait3A_260] : memref<5120x64xi32, #tpu.memory_space<hbm>> -> memref<8x64xi32, #tpu.memory_space<hbm>>
        %dma_wait3A_262 = arith.constant 0 : i32
        %dma_wait3A_263 = tpu.memref_slice %arg4[%add3A_33, %dma_wait3A_262] : memref<5120x64xi32, #tpu.memory_space<hbm>> -> memref<8x64xi32, #tpu.memory_space<hbm>>
        tpu.wait_dma2 semaphore(%run_scoped3A : memref<!tpu.dma_semaphore, #tpu.memory_space<semaphore_mem>>) src(%dma_wait3A_263 : memref<8x64xi32, #tpu.memory_space<hbm>>) dst(%arg9 : memref<8x64xi32, #tpu.memory_space<vmem>>)
        tpu.yield
      }) : () -> ()
      %dma_start3A = arith.constant 0 : i32
      %dma_start3A_34 = arith.constant 0 : i32
      %dma_start3A_35 = tpu.memref_slice %arg8[%dma_start3A, %dma_start3A_34] : memref<8x64xi32, #tpu.memory_space<vmem>> -> memref<1x64xi32, #tpu.memory_space<vmem>>
      %dma_start3A_36 = tpu.memref_squeeze %dma_start3A_35 : memref<1x64xi32, #tpu.memory_space<vmem>> -> memref<64xi32, #tpu.memory_space<vmem>>
      %dma_start3A_37 = arith.constant 0 : i32
      %dma_start3A_38 = arith.constant 0 : i32
      %dma_start3A_39 = tpu.memref_slice %arg2[%dma_start3A_37, %dma_start3A_38] : memref<10000x64xf32, #tpu.memory_space<hbm>> -> memref<10000x64xf32, #tpu.memory_space<hbm>>
      tpu.enqueue_indirect_dma source(%dma_start3A_39 : memref<10000x64xf32, #tpu.memory_space<hbm>>) target(%arg10 : memref<64x64xf32, #tpu.memory_space<vmem>>) offsets(%dma_start3A_36 : memref<64xi32, #tpu.memory_space<vmem>>) semaphore(%arg18 : memref<!tpu.dma_semaphore, #tpu.memory_space<semaphore_mem>>)
      %dma_start3A_40 = arith.constant 1 : i32
      %dma_start3A_41 = arith.constant 0 : i32
      %dma_start3A_42 = tpu.memref_slice %arg8[%dma_start3A_40, %dma_start3A_41] : memref<8x64xi32, #tpu.memory_space<vmem>> -> memref<1x64xi32, #tpu.memory_space<vmem>>
      %dma_start3A_43 = tpu.memref_squeeze %dma_start3A_42 : memref<1x64xi32, #tpu.memory_space<vmem>> -> memref<64xi32, #tpu.memory_space<vmem>>
      %dma_start3A_44 = arith.constant 0 : i32
      %dma_start3A_45 = arith.constant 0 : i32
      %dma_start3A_46 = tpu.memref_slice %arg2[%dma_start3A_44, %dma_start3A_45] : memref<10000x64xf32, #tpu.memory_space<hbm>> -> memref<10000x64xf32, #tpu.memory_space<hbm>>
      tpu.enqueue_indirect_dma source(%dma_start3A_46 : memref<10000x64xf32, #tpu.memory_space<hbm>>) target(%arg11 : memref<64x64xf32, #tpu.memory_space<vmem>>) offsets(%dma_start3A_43 : memref<64xi32, #tpu.memory_space<vmem>>) semaphore(%arg19 : memref<!tpu.dma_semaphore, #tpu.memory_space<semaphore_mem>>)
      %dma_start3A_47 = arith.constant 2 : i32
      %dma_start3A_48 = arith.constant 0 : i32
      %dma_start3A_49 = tpu.memref_slice %arg8[%dma_start3A_47, %dma_start3A_48] : memref<8x64xi32, #tpu.memory_space<vmem>> -> memref<1x64xi32, #tpu.memory_space<vmem>>
      %dma_start3A_50 = tpu.memref_squeeze %dma_start3A_49 : memref<1x64xi32, #tpu.memory_space<vmem>> -> memref<64xi32, #tpu.memory_space<vmem>>
      %dma_start3A_51 = arith.constant 0 : i32
      %dma_start3A_52 = arith.constant 0 : i32
      %dma_start3A_53 = tpu.memref_slice %arg2[%dma_start3A_51, %dma_start3A_52] : memref<10000x64xf32, #tpu.memory_space<hbm>> -> memref<10000x64xf32, #tpu.memory_space<hbm>>
      tpu.enqueue_indirect_dma source(%dma_start3A_53 : memref<10000x64xf32, #tpu.memory_space<hbm>>) target(%arg12 : memref<64x64xf32, #tpu.memory_space<vmem>>) offsets(%dma_start3A_50 : memref<64xi32, #tpu.memory_space<vmem>>) semaphore(%arg20 : memref<!tpu.dma_semaphore, #tpu.memory_space<semaphore_mem>>)
      %dma_start3A_54 = arith.constant 3 : i32
      %dma_start3A_55 = arith.constant 0 : i32
      %dma_start3A_56 = tpu.memref_slice %arg8[%dma_start3A_54, %dma_start3A_55] : memref<8x64xi32, #tpu.memory_space<vmem>> -> memref<1x64xi32, #tpu.memory_space<vmem>>
      %dma_start3A_57 = tpu.memref_squeeze %dma_start3A_56 : memref<1x64xi32, #tpu.memory_space<vmem>> -> memref<64xi32, #tpu.memory_space<vmem>>
      %dma_start3A_58 = arith.constant 0 : i32
      %dma_start3A_59 = arith.constant 0 : i32
      %dma_start3A_60 = tpu.memref_slice %arg2[%dma_start3A_58, %dma_start3A_59] : memref<10000x64xf32, #tpu.memory_space<hbm>> -> memref<10000x64xf32, #tpu.memory_space<hbm>>
      tpu.enqueue_indirect_dma source(%dma_start3A_60 : memref<10000x64xf32, #tpu.memory_space<hbm>>) target(%arg13 : memref<64x64xf32, #tpu.memory_space<vmem>>) offsets(%dma_start3A_57 : memref<64xi32, #tpu.memory_space<vmem>>) semaphore(%arg21 : memref<!tpu.dma_semaphore, #tpu.memory_space<semaphore_mem>>)
      %dma_start3A_61 = arith.constant 4 : i32
      %dma_start3A_62 = arith.constant 0 : i32
      %dma_start3A_63 = tpu.memref_slice %arg8[%dma_start3A_61, %dma_start3A_62] : memref<8x64xi32, #tpu.memory_space<vmem>> -> memref<1x64xi32, #tpu.memory_space<vmem>>
      %dma_start3A_64 = tpu.memref_squeeze %dma_start3A_63 : memref<1x64xi32, #tpu.memory_space<vmem>> -> memref<64xi32, #tpu.memory_space<vmem>>
      %dma_start3A_65 = arith.constant 0 : i32
      %dma_start3A_66 = arith.constant 0 : i32
      %dma_start3A_67 = tpu.memref_slice %arg2[%dma_start3A_65, %dma_start3A_66] : memref<10000x64xf32, #tpu.memory_space<hbm>> -> memref<10000x64xf32, #tpu.memory_space<hbm>>
      tpu.enqueue_indirect_dma source(%dma_start3A_67 : memref<10000x64xf32, #tpu.memory_space<hbm>>) target(%arg14 : memref<64x64xf32, #tpu.memory_space<vmem>>) offsets(%dma_start3A_64 : memref<64xi32, #tpu.memory_space<vmem>>) semaphore(%arg22 : memref<!tpu.dma_semaphore, #tpu.memory_space<semaphore_mem>>)
      %dma_start3A_68 = arith.constant 5 : i32
      %dma_start3A_69 = arith.constant 0 : i32
      %dma_start3A_70 = tpu.memref_slice %arg8[%dma_start3A_68, %dma_start3A_69] : memref<8x64xi32, #tpu.memory_space<vmem>> -> memref<1x64xi32, #tpu.memory_space<vmem>>
      %dma_start3A_71 = tpu.memref_squeeze %dma_start3A_70 : memref<1x64xi32, #tpu.memory_space<vmem>> -> memref<64xi32, #tpu.memory_space<vmem>>
      %dma_start3A_72 = arith.constant 0 : i32
      %dma_start3A_73 = arith.constant 0 : i32
      %dma_start3A_74 = tpu.memref_slice %arg2[%dma_start3A_72, %dma_start3A_73] : memref<10000x64xf32, #tpu.memory_space<hbm>> -> memref<10000x64xf32, #tpu.memory_space<hbm>>
      tpu.enqueue_indirect_dma source(%dma_start3A_74 : memref<10000x64xf32, #tpu.memory_space<hbm>>) target(%arg15 : memref<64x64xf32, #tpu.memory_space<vmem>>) offsets(%dma_start3A_71 : memref<64xi32, #tpu.memory_space<vmem>>) semaphore(%arg23 : memref<!tpu.dma_semaphore, #tpu.memory_space<semaphore_mem>>)
      %dma_start3A_75 = arith.constant 6 : i32
      %dma_start3A_76 = arith.constant 0 : i32
      %dma_start3A_77 = tpu.memref_slice %arg8[%dma_start3A_75, %dma_start3A_76] : memref<8x64xi32, #tpu.memory_space<vmem>> -> memref<1x64xi32, #tpu.memory_space<vmem>>
      %dma_start3A_78 = tpu.memref_squeeze %dma_start3A_77 : memref<1x64xi32, #tpu.memory_space<vmem>> -> memref<64xi32, #tpu.memory_space<vmem>>
      %dma_start3A_79 = arith.constant 0 : i32
      %dma_start3A_80 = arith.constant 0 : i32
      %dma_start3A_81 = tpu.memref_slice %arg2[%dma_start3A_79, %dma_start3A_80] : memref<10000x64xf32, #tpu.memory_space<hbm>> -> memref<10000x64xf32, #tpu.memory_space<hbm>>
      tpu.enqueue_indirect_dma source(%dma_start3A_81 : memref<10000x64xf32, #tpu.memory_space<hbm>>) target(%arg16 : memref<64x64xf32, #tpu.memory_space<vmem>>) offsets(%dma_start3A_78 : memref<64xi32, #tpu.memory_space<vmem>>) semaphore(%arg24 : memref<!tpu.dma_semaphore, #tpu.memory_space<semaphore_mem>>)
      %dma_start3A_82 = arith.constant 7 : i32
      %dma_start3A_83 = arith.constant 0 : i32
      %dma_start3A_84 = tpu.memref_slice %arg8[%dma_start3A_82, %dma_start3A_83] : memref<8x64xi32, #tpu.memory_space<vmem>> -> memref<1x64xi32, #tpu.memory_space<vmem>>
      %dma_start3A_85 = tpu.memref_squeeze %dma_start3A_84 : memref<1x64xi32, #tpu.memory_space<vmem>> -> memref<64xi32, #tpu.memory_space<vmem>>
      %dma_start3A_86 = arith.constant 0 : i32
      %dma_start3A_87 = arith.constant 0 : i32
      %dma_start3A_88 = tpu.memref_slice %arg2[%dma_start3A_86, %dma_start3A_87] : memref<10000x64xf32, #tpu.memory_space<hbm>> -> memref<10000x64xf32, #tpu.memory_space<hbm>>
      tpu.enqueue_indirect_dma source(%dma_start3A_88 : memref<10000x64xf32, #tpu.memory_space<hbm>>) target(%arg17 : memref<64x64xf32, #tpu.memory_space<vmem>>) offsets(%dma_start3A_85 : memref<64xi32, #tpu.memory_space<vmem>>) semaphore(%arg25 : memref<!tpu.dma_semaphore, #tpu.memory_space<semaphore_mem>>)
      %dma_wait3A = arith.constant 0 : i32
      %dma_wait3A_89 = arith.constant 0 : i32
      %dma_wait3A_90 = tpu.memref_slice %arg8[%dma_wait3A, %dma_wait3A_89] : memref<8x64xi32, #tpu.memory_space<vmem>> -> memref<1x64xi32, #tpu.memory_space<vmem>>
      %dma_wait3A_91 = tpu.memref_squeeze %dma_wait3A_90 : memref<1x64xi32, #tpu.memory_space<vmem>> -> memref<64xi32, #tpu.memory_space<vmem>>
      %dma_wait3A_92 = arith.constant 0 : i32
      %dma_wait3A_93 = arith.constant 0 : i32
      %dma_wait3A_94 = tpu.memref_slice %arg2[%dma_wait3A_92, %dma_wait3A_93] : memref<10000x64xf32, #tpu.memory_space<hbm>> -> memref<10000x64xf32, #tpu.memory_space<hbm>>
      tpu.wait_indirect_dma semaphore(%arg18 : memref<!tpu.dma_semaphore, #tpu.memory_space<semaphore_mem>>) src(%dma_wait3A_94 : memref<10000x64xf32, #tpu.memory_space<hbm>>) dst(%arg10 : memref<64x64xf32, #tpu.memory_space<vmem>>)
      %dma_start3A_95 = arith.constant 0 : i32
      %dma_start3A_96 = arith.constant 0 : i32
      %dma_start3A_97 = tpu.memref_slice %arg9[%dma_start3A_95, %dma_start3A_96] : memref<8x64xi32, #tpu.memory_space<vmem>> -> memref<1x64xi32, #tpu.memory_space<vmem>>
      %dma_start3A_98 = tpu.memref_squeeze %dma_start3A_97 : memref<1x64xi32, #tpu.memory_space<vmem>> -> memref<64xi32, #tpu.memory_space<vmem>>
      %dma_start3A_99 = arith.constant 0 : i32
      %dma_start3A_100 = arith.constant 0 : i32
      %dma_start3A_101 = tpu.memref_slice %arg7[%dma_start3A_99, %dma_start3A_100] : memref<10240x64xf32, #tpu.memory_space<vmem_shared>> -> memref<10240x64xf32, #tpu.memory_space<vmem_shared>>
      tpu.enqueue_indirect_dma source(%arg10 : memref<64x64xf32, #tpu.memory_space<vmem>>) target(%dma_start3A_101 : memref<10240x64xf32, #tpu.memory_space<vmem_shared>>) offsets(%dma_start3A_98 : memref<64xi32, #tpu.memory_space<vmem>>) semaphore(%arg26 : memref<!tpu.dma_semaphore, #tpu.memory_space<semaphore_mem>>) {add = true}
      %dma_wait3A_102 = arith.constant 1 : i32
      %dma_wait3A_103 = arith.constant 0 : i32
      %dma_wait3A_104 = tpu.memref_slice %arg8[%dma_wait3A_102, %dma_wait3A_103] : memref<8x64xi32, #tpu.memory_space<vmem>> -> memref<1x64xi32, #tpu.memory_space<vmem>>
      %dma_wait3A_105 = tpu.memref_squeeze %dma_wait3A_104 : memref<1x64xi32, #tpu.memory_space<vmem>> -> memref<64xi32, #tpu.memory_space<vmem>>
      %dma_wait3A_106 = arith.constant 0 : i32
      %dma_wait3A_107 = arith.constant 0 : i32
      %dma_wait3A_108 = tpu.memref_slice %arg2[%dma_wait3A_106, %dma_wait3A_107] : memref<10000x64xf32, #tpu.memory_space<hbm>> -> memref<10000x64xf32, #tpu.memory_space<hbm>>
      tpu.wait_indirect_dma semaphore(%arg19 : memref<!tpu.dma_semaphore, #tpu.memory_space<semaphore_mem>>) src(%dma_wait3A_108 : memref<10000x64xf32, #tpu.memory_space<hbm>>) dst(%arg11 : memref<64x64xf32, #tpu.memory_space<vmem>>)
      %dma_start3A_109 = arith.constant 1 : i32
      %dma_start3A_110 = arith.constant 0 : i32
      %dma_start3A_111 = tpu.memref_slice %arg9[%dma_start3A_109, %dma_start3A_110] : memref<8x64xi32, #tpu.memory_space<vmem>> -> memref<1x64xi32, #tpu.memory_space<vmem>>
      %dma_start3A_112 = tpu.memref_squeeze %dma_start3A_111 : memref<1x64xi32, #tpu.memory_space<vmem>> -> memref<64xi32, #tpu.memory_space<vmem>>
      %dma_start3A_113 = arith.constant 0 : i32
      %dma_start3A_114 = arith.constant 0 : i32
      %dma_start3A_115 = tpu.memref_slice %arg7[%dma_start3A_113, %dma_start3A_114] : memref<10240x64xf32, #tpu.memory_space<vmem_shared>> -> memref<10240x64xf32, #tpu.memory_space<vmem_shared>>
      tpu.enqueue_indirect_dma source(%arg11 : memref<64x64xf32, #tpu.memory_space<vmem>>) target(%dma_start3A_115 : memref<10240x64xf32, #tpu.memory_space<vmem_shared>>) offsets(%dma_start3A_112 : memref<64xi32, #tpu.memory_space<vmem>>) semaphore(%arg27 : memref<!tpu.dma_semaphore, #tpu.memory_space<semaphore_mem>>) {add = true}
      %dma_wait3A_116 = arith.constant 2 : i32
      %dma_wait3A_117 = arith.constant 0 : i32
      %dma_wait3A_118 = tpu.memref_slice %arg8[%dma_wait3A_116, %dma_wait3A_117] : memref<8x64xi32, #tpu.memory_space<vmem>> -> memref<1x64xi32, #tpu.memory_space<vmem>>
      %dma_wait3A_119 = tpu.memref_squeeze %dma_wait3A_118 : memref<1x64xi32, #tpu.memory_space<vmem>> -> memref<64xi32, #tpu.memory_space<vmem>>
      %dma_wait3A_120 = arith.constant 0 : i32
      %dma_wait3A_121 = arith.constant 0 : i32
      %dma_wait3A_122 = tpu.memref_slice %arg2[%dma_wait3A_120, %dma_wait3A_121] : memref<10000x64xf32, #tpu.memory_space<hbm>> -> memref<10000x64xf32, #tpu.memory_space<hbm>>
      tpu.wait_indirect_dma semaphore(%arg20 : memref<!tpu.dma_semaphore, #tpu.memory_space<semaphore_mem>>) src(%dma_wait3A_122 : memref<10000x64xf32, #tpu.memory_space<hbm>>) dst(%arg12 : memref<64x64xf32, #tpu.memory_space<vmem>>)
      %dma_start3A_123 = arith.constant 2 : i32
      %dma_start3A_124 = arith.constant 0 : i32
      %dma_start3A_125 = tpu.memref_slice %arg9[%dma_start3A_123, %dma_start3A_124] : memref<8x64xi32, #tpu.memory_space<vmem>> -> memref<1x64xi32, #tpu.memory_space<vmem>>
      %dma_start3A_126 = tpu.memref_squeeze %dma_start3A_125 : memref<1x64xi32, #tpu.memory_space<vmem>> -> memref<64xi32, #tpu.memory_space<vmem>>
      %dma_start3A_127 = arith.constant 0 : i32
      %dma_start3A_128 = arith.constant 0 : i32
      %dma_start3A_129 = tpu.memref_slice %arg7[%dma_start3A_127, %dma_start3A_128] : memref<10240x64xf32, #tpu.memory_space<vmem_shared>> -> memref<10240x64xf32, #tpu.memory_space<vmem_shared>>
      tpu.enqueue_indirect_dma source(%arg12 : memref<64x64xf32, #tpu.memory_space<vmem>>) target(%dma_start3A_129 : memref<10240x64xf32, #tpu.memory_space<vmem_shared>>) offsets(%dma_start3A_126 : memref<64xi32, #tpu.memory_space<vmem>>) semaphore(%arg28 : memref<!tpu.dma_semaphore, #tpu.memory_space<semaphore_mem>>) {add = true}
      %dma_wait3A_130 = arith.constant 3 : i32
      %dma_wait3A_131 = arith.constant 0 : i32
      %dma_wait3A_132 = tpu.memref_slice %arg8[%dma_wait3A_130, %dma_wait3A_131] : memref<8x64xi32, #tpu.memory_space<vmem>> -> memref<1x64xi32, #tpu.memory_space<vmem>>
      %dma_wait3A_133 = tpu.memref_squeeze %dma_wait3A_132 : memref<1x64xi32, #tpu.memory_space<vmem>> -> memref<64xi32, #tpu.memory_space<vmem>>
      %dma_wait3A_134 = arith.constant 0 : i32
      %dma_wait3A_135 = arith.constant 0 : i32
      %dma_wait3A_136 = tpu.memref_slice %arg2[%dma_wait3A_134, %dma_wait3A_135] : memref<10000x64xf32, #tpu.memory_space<hbm>> -> memref<10000x64xf32, #tpu.memory_space<hbm>>
      tpu.wait_indirect_dma semaphore(%arg21 : memref<!tpu.dma_semaphore, #tpu.memory_space<semaphore_mem>>) src(%dma_wait3A_136 : memref<10000x64xf32, #tpu.memory_space<hbm>>) dst(%arg13 : memref<64x64xf32, #tpu.memory_space<vmem>>)
      %dma_start3A_137 = arith.constant 3 : i32
      %dma_start3A_138 = arith.constant 0 : i32
      %dma_start3A_139 = tpu.memref_slice %arg9[%dma_start3A_137, %dma_start3A_138] : memref<8x64xi32, #tpu.memory_space<vmem>> -> memref<1x64xi32, #tpu.memory_space<vmem>>
      %dma_start3A_140 = tpu.memref_squeeze %dma_start3A_139 : memref<1x64xi32, #tpu.memory_space<vmem>> -> memref<64xi32, #tpu.memory_space<vmem>>
      %dma_start3A_141 = arith.constant 0 : i32
      %dma_start3A_142 = arith.constant 0 : i32
      %dma_start3A_143 = tpu.memref_slice %arg7[%dma_start3A_141, %dma_start3A_142] : memref<10240x64xf32, #tpu.memory_space<vmem_shared>> -> memref<10240x64xf32, #tpu.memory_space<vmem_shared>>
      tpu.enqueue_indirect_dma source(%arg13 : memref<64x64xf32, #tpu.memory_space<vmem>>) target(%dma_start3A_143 : memref<10240x64xf32, #tpu.memory_space<vmem_shared>>) offsets(%dma_start3A_140 : memref<64xi32, #tpu.memory_space<vmem>>) semaphore(%arg29 : memref<!tpu.dma_semaphore, #tpu.memory_space<semaphore_mem>>) {add = true}
      %dma_wait3A_144 = arith.constant 4 : i32
      %dma_wait3A_145 = arith.constant 0 : i32
      %dma_wait3A_146 = tpu.memref_slice %arg8[%dma_wait3A_144, %dma_wait3A_145] : memref<8x64xi32, #tpu.memory_space<vmem>> -> memref<1x64xi32, #tpu.memory_space<vmem>>
      %dma_wait3A_147 = tpu.memref_squeeze %dma_wait3A_146 : memref<1x64xi32, #tpu.memory_space<vmem>> -> memref<64xi32, #tpu.memory_space<vmem>>
      %dma_wait3A_148 = arith.constant 0 : i32
      %dma_wait3A_149 = arith.constant 0 : i32
      %dma_wait3A_150 = tpu.memref_slice %arg2[%dma_wait3A_148, %dma_wait3A_149] : memref<10000x64xf32, #tpu.memory_space<hbm>> -> memref<10000x64xf32, #tpu.memory_space<hbm>>
      tpu.wait_indirect_dma semaphore(%arg22 : memref<!tpu.dma_semaphore, #tpu.memory_space<semaphore_mem>>) src(%dma_wait3A_150 : memref<10000x64xf32, #tpu.memory_space<hbm>>) dst(%arg14 : memref<64x64xf32, #tpu.memory_space<vmem>>)
      %dma_start3A_151 = arith.constant 4 : i32
      %dma_start3A_152 = arith.constant 0 : i32
      %dma_start3A_153 = tpu.memref_slice %arg9[%dma_start3A_151, %dma_start3A_152] : memref<8x64xi32, #tpu.memory_space<vmem>> -> memref<1x64xi32, #tpu.memory_space<vmem>>
      %dma_start3A_154 = tpu.memref_squeeze %dma_start3A_153 : memref<1x64xi32, #tpu.memory_space<vmem>> -> memref<64xi32, #tpu.memory_space<vmem>>
      %dma_start3A_155 = arith.constant 0 : i32
      %dma_start3A_156 = arith.constant 0 : i32
      %dma_start3A_157 = tpu.memref_slice %arg7[%dma_start3A_155, %dma_start3A_156] : memref<10240x64xf32, #tpu.memory_space<vmem_shared>> -> memref<10240x64xf32, #tpu.memory_space<vmem_shared>>
      tpu.enqueue_indirect_dma source(%arg14 : memref<64x64xf32, #tpu.memory_space<vmem>>) target(%dma_start3A_157 : memref<10240x64xf32, #tpu.memory_space<vmem_shared>>) offsets(%dma_start3A_154 : memref<64xi32, #tpu.memory_space<vmem>>) semaphore(%arg30 : memref<!tpu.dma_semaphore, #tpu.memory_space<semaphore_mem>>) {add = true}
      %dma_wait3A_158 = arith.constant 5 : i32
      %dma_wait3A_159 = arith.constant 0 : i32
      %dma_wait3A_160 = tpu.memref_slice %arg8[%dma_wait3A_158, %dma_wait3A_159] : memref<8x64xi32, #tpu.memory_space<vmem>> -> memref<1x64xi32, #tpu.memory_space<vmem>>
      %dma_wait3A_161 = tpu.memref_squeeze %dma_wait3A_160 : memref<1x64xi32, #tpu.memory_space<vmem>> -> memref<64xi32, #tpu.memory_space<vmem>>
      %dma_wait3A_162 = arith.constant 0 : i32
      %dma_wait3A_163 = arith.constant 0 : i32
      %dma_wait3A_164 = tpu.memref_slice %arg2[%dma_wait3A_162, %dma_wait3A_163] : memref<10000x64xf32, #tpu.memory_space<hbm>> -> memref<10000x64xf32, #tpu.memory_space<hbm>>
      tpu.wait_indirect_dma semaphore(%arg23 : memref<!tpu.dma_semaphore, #tpu.memory_space<semaphore_mem>>) src(%dma_wait3A_164 : memref<10000x64xf32, #tpu.memory_space<hbm>>) dst(%arg15 : memref<64x64xf32, #tpu.memory_space<vmem>>)
      %dma_start3A_165 = arith.constant 5 : i32
      %dma_start3A_166 = arith.constant 0 : i32
      %dma_start3A_167 = tpu.memref_slice %arg9[%dma_start3A_165, %dma_start3A_166] : memref<8x64xi32, #tpu.memory_space<vmem>> -> memref<1x64xi32, #tpu.memory_space<vmem>>
      %dma_start3A_168 = tpu.memref_squeeze %dma_start3A_167 : memref<1x64xi32, #tpu.memory_space<vmem>> -> memref<64xi32, #tpu.memory_space<vmem>>
      %dma_start3A_169 = arith.constant 0 : i32
      %dma_start3A_170 = arith.constant 0 : i32
      %dma_start3A_171 = tpu.memref_slice %arg7[%dma_start3A_169, %dma_start3A_170] : memref<10240x64xf32, #tpu.memory_space<vmem_shared>> -> memref<10240x64xf32, #tpu.memory_space<vmem_shared>>
      tpu.enqueue_indirect_dma source(%arg15 : memref<64x64xf32, #tpu.memory_space<vmem>>) target(%dma_start3A_171 : memref<10240x64xf32, #tpu.memory_space<vmem_shared>>) offsets(%dma_start3A_168 : memref<64xi32, #tpu.memory_space<vmem>>) semaphore(%arg31 : memref<!tpu.dma_semaphore, #tpu.memory_space<semaphore_mem>>) {add = true}
      %dma_wait3A_172 = arith.constant 6 : i32
      %dma_wait3A_173 = arith.constant 0 : i32
      %dma_wait3A_174 = tpu.memref_slice %arg8[%dma_wait3A_172, %dma_wait3A_173] : memref<8x64xi32, #tpu.memory_space<vmem>> -> memref<1x64xi32, #tpu.memory_space<vmem>>
      %dma_wait3A_175 = tpu.memref_squeeze %dma_wait3A_174 : memref<1x64xi32, #tpu.memory_space<vmem>> -> memref<64xi32, #tpu.memory_space<vmem>>
      %dma_wait3A_176 = arith.constant 0 : i32
      %dma_wait3A_177 = arith.constant 0 : i32
      %dma_wait3A_178 = tpu.memref_slice %arg2[%dma_wait3A_176, %dma_wait3A_177] : memref<10000x64xf32, #tpu.memory_space<hbm>> -> memref<10000x64xf32, #tpu.memory_space<hbm>>
      tpu.wait_indirect_dma semaphore(%arg24 : memref<!tpu.dma_semaphore, #tpu.memory_space<semaphore_mem>>) src(%dma_wait3A_178 : memref<10000x64xf32, #tpu.memory_space<hbm>>) dst(%arg16 : memref<64x64xf32, #tpu.memory_space<vmem>>)
      %dma_start3A_179 = arith.constant 6 : i32
      %dma_start3A_180 = arith.constant 0 : i32
      %dma_start3A_181 = tpu.memref_slice %arg9[%dma_start3A_179, %dma_start3A_180] : memref<8x64xi32, #tpu.memory_space<vmem>> -> memref<1x64xi32, #tpu.memory_space<vmem>>
      %dma_start3A_182 = tpu.memref_squeeze %dma_start3A_181 : memref<1x64xi32, #tpu.memory_space<vmem>> -> memref<64xi32, #tpu.memory_space<vmem>>
      %dma_start3A_183 = arith.constant 0 : i32
      %dma_start3A_184 = arith.constant 0 : i32
      %dma_start3A_185 = tpu.memref_slice %arg7[%dma_start3A_183, %dma_start3A_184] : memref<10240x64xf32, #tpu.memory_space<vmem_shared>> -> memref<10240x64xf32, #tpu.memory_space<vmem_shared>>
      tpu.enqueue_indirect_dma source(%arg16 : memref<64x64xf32, #tpu.memory_space<vmem>>) target(%dma_start3A_185 : memref<10240x64xf32, #tpu.memory_space<vmem_shared>>) offsets(%dma_start3A_182 : memref<64xi32, #tpu.memory_space<vmem>>) semaphore(%arg32 : memref<!tpu.dma_semaphore, #tpu.memory_space<semaphore_mem>>) {add = true}
      %dma_wait3A_186 = arith.constant 7 : i32
      %dma_wait3A_187 = arith.constant 0 : i32
      %dma_wait3A_188 = tpu.memref_slice %arg8[%dma_wait3A_186, %dma_wait3A_187] : memref<8x64xi32, #tpu.memory_space<vmem>> -> memref<1x64xi32, #tpu.memory_space<vmem>>
      %dma_wait3A_189 = tpu.memref_squeeze %dma_wait3A_188 : memref<1x64xi32, #tpu.memory_space<vmem>> -> memref<64xi32, #tpu.memory_space<vmem>>
      %dma_wait3A_190 = arith.constant 0 : i32
      %dma_wait3A_191 = arith.constant 0 : i32
      %dma_wait3A_192 = tpu.memref_slice %arg2[%dma_wait3A_190, %dma_wait3A_191] : memref<10000x64xf32, #tpu.memory_space<hbm>> -> memref<10000x64xf32, #tpu.memory_space<hbm>>
      tpu.wait_indirect_dma semaphore(%arg25 : memref<!tpu.dma_semaphore, #tpu.memory_space<semaphore_mem>>) src(%dma_wait3A_192 : memref<10000x64xf32, #tpu.memory_space<hbm>>) dst(%arg17 : memref<64x64xf32, #tpu.memory_space<vmem>>)
      %dma_start3A_193 = arith.constant 7 : i32
      %dma_start3A_194 = arith.constant 0 : i32
      %dma_start3A_195 = tpu.memref_slice %arg9[%dma_start3A_193, %dma_start3A_194] : memref<8x64xi32, #tpu.memory_space<vmem>> -> memref<1x64xi32, #tpu.memory_space<vmem>>
      %dma_start3A_196 = tpu.memref_squeeze %dma_start3A_195 : memref<1x64xi32, #tpu.memory_space<vmem>> -> memref<64xi32, #tpu.memory_space<vmem>>
      %dma_start3A_197 = arith.constant 0 : i32
      %dma_start3A_198 = arith.constant 0 : i32
      %dma_start3A_199 = tpu.memref_slice %arg7[%dma_start3A_197, %dma_start3A_198] : memref<10240x64xf32, #tpu.memory_space<vmem_shared>> -> memref<10240x64xf32, #tpu.memory_space<vmem_shared>>
      tpu.enqueue_indirect_dma source(%arg17 : memref<64x64xf32, #tpu.memory_space<vmem>>) target(%dma_start3A_199 : memref<10240x64xf32, #tpu.memory_space<vmem_shared>>) offsets(%dma_start3A_196 : memref<64xi32, #tpu.memory_space<vmem>>) semaphore(%arg33 : memref<!tpu.dma_semaphore, #tpu.memory_space<semaphore_mem>>) {add = true}
      %dma_wait3A_200 = arith.constant 0 : i32
      %dma_wait3A_201 = arith.constant 0 : i32
      %dma_wait3A_202 = tpu.memref_slice %arg9[%dma_wait3A_200, %dma_wait3A_201] : memref<8x64xi32, #tpu.memory_space<vmem>> -> memref<1x64xi32, #tpu.memory_space<vmem>>
      %dma_wait3A_203 = tpu.memref_squeeze %dma_wait3A_202 : memref<1x64xi32, #tpu.memory_space<vmem>> -> memref<64xi32, #tpu.memory_space<vmem>>
      %dma_wait3A_204 = arith.constant 0 : i32
      %dma_wait3A_205 = arith.constant 0 : i32
      %dma_wait3A_206 = tpu.memref_slice %arg7[%dma_wait3A_204, %dma_wait3A_205] : memref<10240x64xf32, #tpu.memory_space<vmem_shared>> -> memref<10240x64xf32, #tpu.memory_space<vmem_shared>>
      tpu.wait_indirect_dma semaphore(%arg26 : memref<!tpu.dma_semaphore, #tpu.memory_space<semaphore_mem>>) src(%arg10 : memref<64x64xf32, #tpu.memory_space<vmem>>) dst(%dma_wait3A_206 : memref<10240x64xf32, #tpu.memory_space<vmem_shared>>)
      %dma_wait3A_207 = arith.constant 1 : i32
      %dma_wait3A_208 = arith.constant 0 : i32
      %dma_wait3A_209 = tpu.memref_slice %arg9[%dma_wait3A_207, %dma_wait3A_208] : memref<8x64xi32, #tpu.memory_space<vmem>> -> memref<1x64xi32, #tpu.memory_space<vmem>>
      %dma_wait3A_210 = tpu.memref_squeeze %dma_wait3A_209 : memref<1x64xi32, #tpu.memory_space<vmem>> -> memref<64xi32, #tpu.memory_space<vmem>>
      %dma_wait3A_211 = arith.constant 0 : i32
      %dma_wait3A_212 = arith.constant 0 : i32
      %dma_wait3A_213 = tpu.memref_slice %arg7[%dma_wait3A_211, %dma_wait3A_212] : memref<10240x64xf32, #tpu.memory_space<vmem_shared>> -> memref<10240x64xf32, #tpu.memory_space<vmem_shared>>
      tpu.wait_indirect_dma semaphore(%arg27 : memref<!tpu.dma_semaphore, #tpu.memory_space<semaphore_mem>>) src(%arg11 : memref<64x64xf32, #tpu.memory_space<vmem>>) dst(%dma_wait3A_213 : memref<10240x64xf32, #tpu.memory_space<vmem_shared>>)
      %dma_wait3A_214 = arith.constant 2 : i32
      %dma_wait3A_215 = arith.constant 0 : i32
      %dma_wait3A_216 = tpu.memref_slice %arg9[%dma_wait3A_214, %dma_wait3A_215] : memref<8x64xi32, #tpu.memory_space<vmem>> -> memref<1x64xi32, #tpu.memory_space<vmem>>
      %dma_wait3A_217 = tpu.memref_squeeze %dma_wait3A_216 : memref<1x64xi32, #tpu.memory_space<vmem>> -> memref<64xi32, #tpu.memory_space<vmem>>
      %dma_wait3A_218 = arith.constant 0 : i32
      %dma_wait3A_219 = arith.constant 0 : i32
      %dma_wait3A_220 = tpu.memref_slice %arg7[%dma_wait3A_218, %dma_wait3A_219] : memref<10240x64xf32, #tpu.memory_space<vmem_shared>> -> memref<10240x64xf32, #tpu.memory_space<vmem_shared>>
      tpu.wait_indirect_dma semaphore(%arg28 : memref<!tpu.dma_semaphore, #tpu.memory_space<semaphore_mem>>) src(%arg12 : memref<64x64xf32, #tpu.memory_space<vmem>>) dst(%dma_wait3A_220 : memref<10240x64xf32, #tpu.memory_space<vmem_shared>>)
      %dma_wait3A_221 = arith.constant 3 : i32
      %dma_wait3A_222 = arith.constant 0 : i32
      %dma_wait3A_223 = tpu.memref_slice %arg9[%dma_wait3A_221, %dma_wait3A_222] : memref<8x64xi32, #tpu.memory_space<vmem>> -> memref<1x64xi32, #tpu.memory_space<vmem>>
      %dma_wait3A_224 = tpu.memref_squeeze %dma_wait3A_223 : memref<1x64xi32, #tpu.memory_space<vmem>> -> memref<64xi32, #tpu.memory_space<vmem>>
      %dma_wait3A_225 = arith.constant 0 : i32
      %dma_wait3A_226 = arith.constant 0 : i32
      %dma_wait3A_227 = tpu.memref_slice %arg7[%dma_wait3A_225, %dma_wait3A_226] : memref<10240x64xf32, #tpu.memory_space<vmem_shared>> -> memref<10240x64xf32, #tpu.memory_space<vmem_shared>>
      tpu.wait_indirect_dma semaphore(%arg29 : memref<!tpu.dma_semaphore, #tpu.memory_space<semaphore_mem>>) src(%arg13 : memref<64x64xf32, #tpu.memory_space<vmem>>) dst(%dma_wait3A_227 : memref<10240x64xf32, #tpu.memory_space<vmem_shared>>)
      %dma_wait3A_228 = arith.constant 4 : i32
      %dma_wait3A_229 = arith.constant 0 : i32
      %dma_wait3A_230 = tpu.memref_slice %arg9[%dma_wait3A_228, %dma_wait3A_229] : memref<8x64xi32, #tpu.memory_space<vmem>> -> memref<1x64xi32, #tpu.memory_space<vmem>>
      %dma_wait3A_231 = tpu.memref_squeeze %dma_wait3A_230 : memref<1x64xi32, #tpu.memory_space<vmem>> -> memref<64xi32, #tpu.memory_space<vmem>>
      %dma_wait3A_232 = arith.constant 0 : i32
      %dma_wait3A_233 = arith.constant 0 : i32
      %dma_wait3A_234 = tpu.memref_slice %arg7[%dma_wait3A_232, %dma_wait3A_233] : memref<10240x64xf32, #tpu.memory_space<vmem_shared>> -> memref<10240x64xf32, #tpu.memory_space<vmem_shared>>
      tpu.wait_indirect_dma semaphore(%arg30 : memref<!tpu.dma_semaphore, #tpu.memory_space<semaphore_mem>>) src(%arg14 : memref<64x64xf32, #tpu.memory_space<vmem>>) dst(%dma_wait3A_234 : memref<10240x64xf32, #tpu.memory_space<vmem_shared>>)
      %dma_wait3A_235 = arith.constant 5 : i32
      %dma_wait3A_236 = arith.constant 0 : i32
      %dma_wait3A_237 = tpu.memref_slice %arg9[%dma_wait3A_235, %dma_wait3A_236] : memref<8x64xi32, #tpu.memory_space<vmem>> -> memref<1x64xi32, #tpu.memory_space<vmem>>
      %dma_wait3A_238 = tpu.memref_squeeze %dma_wait3A_237 : memref<1x64xi32, #tpu.memory_space<vmem>> -> memref<64xi32, #tpu.memory_space<vmem>>
      %dma_wait3A_239 = arith.constant 0 : i32
      %dma_wait3A_240 = arith.constant 0 : i32
      %dma_wait3A_241 = tpu.memref_slice %arg7[%dma_wait3A_239, %dma_wait3A_240] : memref<10240x64xf32, #tpu.memory_space<vmem_shared>> -> memref<10240x64xf32, #tpu.memory_space<vmem_shared>>
      tpu.wait_indirect_dma semaphore(%arg31 : memref<!tpu.dma_semaphore, #tpu.memory_space<semaphore_mem>>) src(%arg15 : memref<64x64xf32, #tpu.memory_space<vmem>>) dst(%dma_wait3A_241 : memref<10240x64xf32, #tpu.memory_space<vmem_shared>>)
      %dma_wait3A_242 = arith.constant 6 : i32
      %dma_wait3A_243 = arith.constant 0 : i32
      %dma_wait3A_244 = tpu.memref_slice %arg9[%dma_wait3A_242, %dma_wait3A_243] : memref<8x64xi32, #tpu.memory_space<vmem>> -> memref<1x64xi32, #tpu.memory_space<vmem>>
      %dma_wait3A_245 = tpu.memref_squeeze %dma_wait3A_244 : memref<1x64xi32, #tpu.memory_space<vmem>> -> memref<64xi32, #tpu.memory_space<vmem>>
      %dma_wait3A_246 = arith.constant 0 : i32
      %dma_wait3A_247 = arith.constant 0 : i32
      %dma_wait3A_248 = tpu.memref_slice %arg7[%dma_wait3A_246, %dma_wait3A_247] : memref<10240x64xf32, #tpu.memory_space<vmem_shared>> -> memref<10240x64xf32, #tpu.memory_space<vmem_shared>>
      tpu.wait_indirect_dma semaphore(%arg32 : memref<!tpu.dma_semaphore, #tpu.memory_space<semaphore_mem>>) src(%arg16 : memref<64x64xf32, #tpu.memory_space<vmem>>) dst(%dma_wait3A_248 : memref<10240x64xf32, #tpu.memory_space<vmem_shared>>)
      %dma_wait3A_249 = arith.constant 7 : i32
      %dma_wait3A_250 = arith.constant 0 : i32
      %dma_wait3A_251 = tpu.memref_slice %arg9[%dma_wait3A_249, %dma_wait3A_250] : memref<8x64xi32, #tpu.memory_space<vmem>> -> memref<1x64xi32, #tpu.memory_space<vmem>>
      %dma_wait3A_252 = tpu.memref_squeeze %dma_wait3A_251 : memref<1x64xi32, #tpu.memory_space<vmem>> -> memref<64xi32, #tpu.memory_space<vmem>>
      %dma_wait3A_253 = arith.constant 0 : i32
      %dma_wait3A_254 = arith.constant 0 : i32
      %dma_wait3A_255 = tpu.memref_slice %arg7[%dma_wait3A_253, %dma_wait3A_254] : memref<10240x64xf32, #tpu.memory_space<vmem_shared>> -> memref<10240x64xf32, #tpu.memory_space<vmem_shared>>
      tpu.wait_indirect_dma semaphore(%arg33 : memref<!tpu.dma_semaphore, #tpu.memory_space<semaphore_mem>>) src(%arg17 : memref<64x64xf32, #tpu.memory_space<vmem>>) dst(%dma_wait3A_255 : memref<10240x64xf32, #tpu.memory_space<vmem_shared>>)
    }
    "tpu.trace_stop"() : () -> ()
    "tpu.trace_start"() <{level = 10 : i32, message = "sc_writeback"}> : () -> ()
    %barrier3A_27 = arith.constant 0 : index
    tpu.barrier barrier_id(%barrier3A_27)
    "tpu.region"() ({
      %run_scoped3A = tpu.sem_alloc : memref<!tpu.dma_semaphore, #tpu.memory_space<semaphore_mem>>
      %dma_start3A = arith.constant 0 : i32
      %dma_start3A_28 = tpu.memref_slice %arg6[%arg0, %mul3A_10, %dma_start3A] : memref<2x10240x64xf32, #tpu.memory_space<hbm>> -> memref<1x640x64xf32, #tpu.memory_space<hbm>>
      %dma_start3A_29 = tpu.memref_squeeze %dma_start3A_28 : memref<1x640x64xf32, #tpu.memory_space<hbm>> -> memref<640x64xf32, #tpu.memory_space<hbm>>
      %dma_start3A_30 = arith.constant 0 : i32
      %dma_start3A_31 = tpu.memref_slice %arg7[%mul3A_10, %dma_start3A_30] : memref<10240x64xf32, #tpu.memory_space<vmem_shared>> -> memref<640x64xf32, #tpu.memory_space<vmem_shared>>
      tpu.enqueue_dma source(%dma_start3A_31 : memref<640x64xf32, #tpu.memory_space<vmem_shared>>) target(%dma_start3A_29 : memref<640x64xf32, #tpu.memory_space<hbm>>) target_semaphore(%run_scoped3A : memref<!tpu.dma_semaphore, #tpu.memory_space<semaphore_mem>>)
      %dma_wait3A = arith.constant 0 : i32
      %dma_wait3A_32 = tpu.memref_slice %arg6[%arg0, %mul3A_10, %dma_wait3A] : memref<2x10240x64xf32, #tpu.memory_space<hbm>> -> memref<1x640x64xf32, #tpu.memory_space<hbm>>
      %dma_wait3A_33 = tpu.memref_squeeze %dma_wait3A_32 : memref<1x640x64xf32, #tpu.memory_space<hbm>> -> memref<640x64xf32, #tpu.memory_space<hbm>>
      %dma_wait3A_34 = arith.constant 0 : i32
      %dma_wait3A_35 = tpu.memref_slice %arg7[%mul3A_10, %dma_wait3A_34] : memref<10240x64xf32, #tpu.memory_space<vmem_shared>> -> memref<640x64xf32, #tpu.memory_space<vmem_shared>>
      tpu.wait_dma2 semaphore(%run_scoped3A : memref<!tpu.dma_semaphore, #tpu.memory_space<semaphore_mem>>) src(%dma_wait3A_35 : memref<640x64xf32, #tpu.memory_space<vmem_shared>>) dst(%dma_wait3A_33 : memref<640x64xf32, #tpu.memory_space<hbm>>)
      tpu.yield
    }) : () -> ()
    "tpu.trace_stop"() : () -> ()
    return
  }
}

module attributes {stable_mosaic.version = 14 : i64} {
  func.func @_tc_self0_body(%arg0: i32, %arg1: memref<1000x128xf32, #tpu.memory_space<vmem>>, %arg2: memref<128x128xf32, #tpu.memory_space<vmem>>, %arg3: memref<1x128xf32, #tpu.memory_space<vmem>>, %arg4: memref<1000x128xf32, #tpu.memory_space<vmem>>) attributes {dimension_semantics = [#tpu.dimension_semantics<arbitrary>], iteration_bounds = array<i64: 10>, scalar_prefetch = 0 : i64, scratch_operands = 0 : i64, tpu.core_type = #tpu.core_type<tc>, window_params = [{transform_indices = @transform_0, window_bounds = array<i64: 1000, 128>}, {pipeline_mode = #tpu.pipeline_mode<synchronous>, transform_indices = @transform_1, window_bounds = array<i64: 128, 128>}, {pipeline_mode = #tpu.pipeline_mode<synchronous>, transform_indices = @transform_2, window_bounds = array<i64: 1, 128>}, {transform_indices = @transform_3, window_bounds = array<i64: 1000, 128>}]} {
    %get3A = arith.constant 0 : index
    %get3A_0 = arith.constant 0 : index
    %get3A_1 = vector.load %arg1[%get3A, %get3A_0] : memref<1000x128xf32, #tpu.memory_space<vmem>>, vector<1000x128xf32>
    %get3A_2 = arith.constant 0 : index
    %get3A_3 = arith.constant 0 : index
    %get3A_4 = vector.load %arg2[%get3A_2, %get3A_3] : memref<128x128xf32, #tpu.memory_space<vmem>>, vector<128x128xf32>
    %dot_general3A = arith.constant dense<0.000000e+00> : vector<1000x128xf32>
    %dot_general3A_5 = tpu.matmul %get3A_1, %get3A_4, %dot_general3A {dimension_numbers = #tpu.dot_dimension_numbers<[1], [0], [0], [1], [0, 0, 1, 1], [], []>, precision = #tpu.contract_precision<fp32>, transpose_lhs_hint = false} : vector<1000x128xf32>, vector<128x128xf32>, vector<1000x128xf32> -> vector<1000x128xf32>
    %get3A_6 = arith.constant 0 : index
    %get3A_7 = arith.constant 0 : index
    %get3A_8 = vector.load %arg3[%get3A_6, %get3A_7] : memref<1x128xf32, #tpu.memory_space<vmem>>, vector<1x128xf32>
    %add3A = vector.broadcast %get3A_8 : vector<1x128xf32> to vector<1000x128xf32>
    %add3A_9 = arith.addf %dot_general3A_5, %add3A : vector<1000x128xf32>
    %swap3A = arith.constant 0 : index
    %swap3A_10 = arith.constant 0 : index
    %swap3A_11 = vector.load %arg4[%swap3A, %swap3A_10] : memref<1000x128xf32, #tpu.memory_space<vmem>>, vector<1000x128xf32>
    tpu.vector_store %arg4[%swap3A, %swap3A_10], %add3A_9 {strides = array<i32>} : memref<1000x128xf32, #tpu.memory_space<vmem>>, vector<1000x128xf32>,
    return
  }
  func.func @transform_0(%arg0: i32) -> (i32, i32) {
    %c0_i32 = arith.constant 0 : i32
    %c0_i32_0 = arith.constant 0 : i32
    return %arg0, %c0_i32 : i32, i32
  }
  func.func @transform_1(%arg0: i32) -> (i32, i32) {
    %c0_i32 = arith.constant 0 : i32
    %c0_i32_0 = arith.constant 0 : i32
    %c0_i32_1 = arith.constant 0 : i32
    return %c0_i32, %c0_i32_0 : i32, i32
  }
  func.func @transform_2(%arg0: i32) -> (i32, i32) {
    %c0_i32 = arith.constant 0 : i32
    %c0_i32_0 = arith.constant 0 : i32
    %c0_i32_1 = arith.constant 0 : i32
    return %c0_i32, %c0_i32_0 : i32, i32
  }
  func.func @transform_3(%arg0: i32) -> (i32, i32) {
    %c0_i32 = arith.constant 0 : i32
    %c0_i32_0 = arith.constant 0 : i32
    return %arg0, %c0_i32 : i32, i32
  }
}

module attributes {stable_mosaic.version = 14 : i64} {
  func.func @_tc_layer_a_body(%arg0: i32, %arg1: memref<1000x128xf32, #tpu.memory_space<vmem>>, %arg2: memref<2x1000x128xf32, #tpu.memory_space<vmem>>, %arg3: memref<2x1000x16xf32, #tpu.memory_space<vmem>>, %arg4: memref<128x128xf32, #tpu.memory_space<vmem>>, %arg5: memref<128x64xf32, #tpu.memory_space<vmem>>, %arg6: memref<128x64xf32, #tpu.memory_space<vmem>>, %arg7: memref<1x64xf32, #tpu.memory_space<vmem>>, %arg8: memref<1000x64xf32, #tpu.memory_space<vmem>>, %arg9: memref<1000x64xf32, #tpu.memory_space<vmem>>) attributes {dimension_semantics = [#tpu.dimension_semantics<arbitrary>], iteration_bounds = array<i64: 10>, scalar_prefetch = 0 : i64, scratch_operands = 0 : i64, tpu.core_type = #tpu.core_type<tc>, window_params = [{transform_indices = @transform_0, window_bounds = array<i64: 1000, 128>}, {transform_indices = @transform_1, window_bounds = array<i64: 2, 1000, 128>}, {transform_indices = @transform_2, window_bounds = array<i64: 2, 1000, 16>}, {pipeline_mode = #tpu.pipeline_mode<synchronous>, transform_indices = @transform_3, window_bounds = array<i64: 128, 128>}, {pipeline_mode = #tpu.pipeline_mode<synchronous>, transform_indices = @transform_4, window_bounds = array<i64: 128, 64>}, {pipeline_mode = #tpu.pipeline_mode<synchronous>, transform_indices = @transform_5, window_bounds = array<i64: 128, 64>}, {pipeline_mode = #tpu.pipeline_mode<synchronous>, transform_indices = @transform_6, window_bounds = array<i64: 1, 64>}, {transform_indices = @transform_7, window_bounds = array<i64: 1000, 64>}, {transform_indices = @transform_8, window_bounds = array<i64: 1000, 64>}]} {
    %get3A = arith.constant 0 : index
    %get3A_0 = arith.constant 0 : index
    %get3A_1 = arith.constant 0 : index
    %get3A_2 = vector.load %arg3[%get3A, %get3A_0, %get3A_1] : memref<2x1000x16xf32, #tpu.memory_space<vmem>>, vector<1x1000x1xf32>
    %get3A_3 = vector.shape_cast %get3A_2 : vector<1x1000x1xf32> to vector<1000x1xf32>
    %get3A_4 = arith.constant 1 : index
    %get3A_5 = arith.constant 0 : index
    %get3A_6 = arith.constant 0 : index
    %get3A_7 = vector.load %arg3[%get3A_4, %get3A_5, %get3A_6] : memref<2x1000x16xf32, #tpu.memory_space<vmem>>, vector<1x1000x1xf32>
    %get3A_8 = vector.shape_cast %get3A_7 : vector<1x1000x1xf32> to vector<1000x1xf32>
    %add3A = arith.addf %get3A_3, %get3A_8 : vector<1000x1xf32>
    %max3A = arith.constant 1.000000e+00 : f32
    %max3A_9 = vector.broadcast %max3A : f32 to vector<1000x1xf32>
    %max3A_10 = arith.maximumf %add3A, %max3A_9 : vector<1000x1xf32>
    %get3A_11 = arith.constant 0 : index
    %get3A_12 = arith.constant 0 : index
    %get3A_13 = arith.constant 0 : index
    %get3A_14 = vector.load %arg2[%get3A_11, %get3A_12, %get3A_13] : memref<2x1000x128xf32, #tpu.memory_space<vmem>>, vector<1x1000x128xf32>
    %get3A_15 = vector.shape_cast %get3A_14 : vector<1x1000x128xf32> to vector<1000x128xf32>
    %get3A_16 = arith.constant 1 : index
    %get3A_17 = arith.constant 0 : index
    %get3A_18 = arith.constant 0 : index
    %get3A_19 = vector.load %arg2[%get3A_16, %get3A_17, %get3A_18] : memref<2x1000x128xf32, #tpu.memory_space<vmem>>, vector<1x1000x128xf32>
    %get3A_20 = vector.shape_cast %get3A_19 : vector<1x1000x128xf32> to vector<1000x128xf32>
    %add3A_21 = arith.addf %get3A_15, %get3A_20 : vector<1000x128xf32>
    %div3A = vector.broadcast %max3A_10 : vector<1000x1xf32> to vector<1000x128xf32>
    %div3A_22 = arith.divf %add3A_21, %div3A : vector<1000x128xf32>
    %get3A_23 = arith.constant 0 : index
    %get3A_24 = arith.constant 0 : index
    %get3A_25 = vector.load %arg1[%get3A_23, %get3A_24] : memref<1000x128xf32, #tpu.memory_space<vmem>>, vector<1000x128xf32>
    %get3A_26 = arith.constant 0 : index
    %get3A_27 = arith.constant 0 : index
    %get3A_28 = vector.load %arg4[%get3A_26, %get3A_27] : memref<128x128xf32, #tpu.memory_space<vmem>>, vector<128x128xf32>
    %dot_general3A = arith.constant dense<0.000000e+00> : vector<1000x128xf32>
    %dot_general3A_29 = tpu.matmul %div3A_22, %get3A_28, %dot_general3A {dimension_numbers = #tpu.dot_dimension_numbers<[1], [0], [0], [1], [0, 0, 1, 1], [], []>, precision = #tpu.contract_precision<fp32>, transpose_lhs_hint = false} : vector<1000x128xf32>, vector<128x128xf32>, vector<1000x128xf32> -> vector<1000x128xf32>
    %add3A_30 = arith.addf %get3A_25, %dot_general3A_29 : vector<1000x128xf32>
    %max3A_31 = arith.constant 0.000000e+00 : f32
    %max3A_32 = vector.broadcast %max3A_31 : f32 to vector<1000x128xf32>
    %max3A_33 = arith.maximumf %add3A_30, %max3A_32 : vector<1000x128xf32>
    %get3A_34 = arith.constant 0 : index
    %get3A_35 = arith.constant 0 : index
    %get3A_36 = vector.load %arg6[%get3A_34, %get3A_35] : memref<128x64xf32, #tpu.memory_space<vmem>>, vector<128x64xf32>
    %dot_general3A_37 = arith.constant dense<0.000000e+00> : vector<1000x64xf32>
    %dot_general3A_38 = tpu.matmul %max3A_33, %get3A_36, %dot_general3A_37 {dimension_numbers = #tpu.dot_dimension_numbers<[1], [0], [0], [1], [0, 0, 1, 1], [], []>, precision = #tpu.contract_precision<fp32>, transpose_lhs_hint = false} : vector<1000x128xf32>, vector<128x64xf32>, vector<1000x64xf32> -> vector<1000x64xf32>
    %swap3A = arith.constant 0 : index
    %swap3A_39 = arith.constant 0 : index
    %swap3A_40 = vector.load %arg8[%swap3A, %swap3A_39] : memref<1000x64xf32, #tpu.memory_space<vmem>>, vector<1000x64xf32>
    tpu.vector_store %arg8[%swap3A, %swap3A_39], %dot_general3A_38 {strides = array<i32>} : memref<1000x64xf32, #tpu.memory_space<vmem>>, vector<1000x64xf32>,
    %get3A_41 = arith.constant 0 : index
    %get3A_42 = arith.constant 0 : index
    %get3A_43 = vector.load %arg5[%get3A_41, %get3A_42] : memref<128x64xf32, #tpu.memory_space<vmem>>, vector<128x64xf32>
    %dot_general3A_44 = arith.constant dense<0.000000e+00> : vector<1000x64xf32>
    %dot_general3A_45 = tpu.matmul %max3A_33, %get3A_43, %dot_general3A_44 {dimension_numbers = #tpu.dot_dimension_numbers<[1], [0], [0], [1], [0, 0, 1, 1], [], []>, precision = #tpu.contract_precision<fp32>, transpose_lhs_hint = false} : vector<1000x128xf32>, vector<128x64xf32>, vector<1000x64xf32> -> vector<1000x64xf32>
    %get3A_46 = arith.constant 0 : index
    %get3A_47 = arith.constant 0 : index
    %get3A_48 = vector.load %arg7[%get3A_46, %get3A_47] : memref<1x64xf32, #tpu.memory_space<vmem>>, vector<1x64xf32>
    %add3A_49 = vector.broadcast %get3A_48 : vector<1x64xf32> to vector<1000x64xf32>
    %add3A_50 = arith.addf %dot_general3A_45, %add3A_49 : vector<1000x64xf32>
    %swap3A_51 = arith.constant 0 : index
    %swap3A_52 = arith.constant 0 : index
    %swap3A_53 = vector.load %arg9[%swap3A_51, %swap3A_52] : memref<1000x64xf32, #tpu.memory_space<vmem>>, vector<1000x64xf32>
    tpu.vector_store %arg9[%swap3A_51, %swap3A_52], %add3A_50 {strides = array<i32>} : memref<1000x64xf32, #tpu.memory_space<vmem>>, vector<1000x64xf32>,
    return
  }
  func.func @transform_0(%arg0: i32) -> (i32, i32) {
    %c0_i32 = arith.constant 0 : i32
    %c0_i32_0 = arith.constant 0 : i32
    return %arg0, %c0_i32 : i32, i32
  }
  func.func @transform_1(%arg0: i32) -> (i32, i32, i32) {
    %c0_i32 = arith.constant 0 : i32
    %c0_i32_0 = arith.constant 0 : i32
    %c0_i32_1 = arith.constant 0 : i32
    return %c0_i32, %arg0, %c0_i32_0 : i32, i32, i32
  }
  func.func @transform_2(%arg0: i32) -> (i32, i32, i32) {
    %c0_i32 = arith.constant 0 : i32
    %c0_i32_0 = arith.constant 0 : i32
    %c0_i32_1 = arith.constant 0 : i32
    return %c0_i32, %arg0, %c0_i32_0 : i32, i32, i32
  }
  func.func @transform_3(%arg0: i32) -> (i32, i32) {
    %c0_i32 = arith.constant 0 : i32
    %c0_i32_0 = arith.constant 0 : i32
    %c0_i32_1 = arith.constant 0 : i32
    return %c0_i32, %c0_i32_0 : i32, i32
  }
  func.func @transform_4(%arg0: i32) -> (i32, i32) {
    %c0_i32 = arith.constant 0 : i32
    %c0_i32_0 = arith.constant 0 : i32
    %c0_i32_1 = arith.constant 0 : i32
    return %c0_i32, %c0_i32_0 : i32, i32
  }
  func.func @transform_5(%arg0: i32) -> (i32, i32) {
    %c0_i32 = arith.constant 0 : i32
    %c0_i32_0 = arith.constant 0 : i32
    %c0_i32_1 = arith.constant 0 : i32
    return %c0_i32, %c0_i32_0 : i32, i32
  }
  func.func @transform_6(%arg0: i32) -> (i32, i32) {
    %c0_i32 = arith.constant 0 : i32
    %c0_i32_0 = arith.constant 0 : i32
    %c0_i32_1 = arith.constant 0 : i32
    return %c0_i32, %c0_i32_0 : i32, i32
  }
  func.func @transform_7(%arg0: i32) -> (i32, i32) {
    %c0_i32 = arith.constant 0 : i32
    %c0_i32_0 = arith.constant 0 : i32
    return %arg0, %c0_i32 : i32, i32
  }
  func.func @transform_8(%arg0: i32) -> (i32, i32) {
    %c0_i32 = arith.constant 0 : i32
    %c0_i32_0 = arith.constant 0 : i32
    return %arg0, %c0_i32 : i32, i32
  }
}

module attributes {stable_mosaic.version = 14 : i64} {
  func.func @_tc_layer_b_body(%arg0: i32, %arg1: memref<2x1000x64xf32, #tpu.memory_space<vmem>>, %arg2: memref<2x1000x16xf32, #tpu.memory_space<vmem>>, %arg3: memref<1000x64xf32, #tpu.memory_space<vmem>>, %arg4: memref<1000x47xf32, #tpu.memory_space<vmem>>) attributes {dimension_semantics = [#tpu.dimension_semantics<arbitrary>], iteration_bounds = array<i64: 10>, scalar_prefetch = 0 : i64, scratch_operands = 0 : i64, tpu.core_type = #tpu.core_type<tc>, window_params = [{transform_indices = @transform_0, window_bounds = array<i64: 2, 1000, 64>}, {transform_indices = @transform_1, window_bounds = array<i64: 2, 1000, 16>}, {transform_indices = @transform_2, window_bounds = array<i64: 1000, 64>}, {transform_indices = @transform_3, window_bounds = array<i64: 1000, 47>}]} {
    %get3A = arith.constant 0 : index
    %get3A_0 = arith.constant 0 : index
    %get3A_1 = arith.constant 0 : index
    %get3A_2 = vector.load %arg2[%get3A, %get3A_0, %get3A_1] : memref<2x1000x16xf32, #tpu.memory_space<vmem>>, vector<1x1000x1xf32>
    %get3A_3 = vector.shape_cast %get3A_2 : vector<1x1000x1xf32> to vector<1000x1xf32>
    %get3A_4 = arith.constant 1 : index
    %get3A_5 = arith.constant 0 : index
    %get3A_6 = arith.constant 0 : index
    %get3A_7 = vector.load %arg2[%get3A_4, %get3A_5, %get3A_6] : memref<2x1000x16xf32, #tpu.memory_space<vmem>>, vector<1x1000x1xf32>
    %get3A_8 = vector.shape_cast %get3A_7 : vector<1x1000x1xf32> to vector<1000x1xf32>
    %add3A = arith.addf %get3A_3, %get3A_8 : vector<1000x1xf32>
    %max3A = arith.constant 1.000000e+00 : f32
    %max3A_9 = vector.broadcast %max3A : f32 to vector<1000x1xf32>
    %max3A_10 = arith.maximumf %add3A, %max3A_9 : vector<1000x1xf32>
    %get3A_11 = arith.constant 0 : index
    %get3A_12 = arith.constant 0 : index
    %get3A_13 = vector.load %arg3[%get3A_11, %get3A_12] : memref<1000x64xf32, #tpu.memory_space<vmem>>, vector<1000x64xf32>
    %get3A_14 = arith.constant 0 : index
    %get3A_15 = arith.constant 0 : index
    %get3A_16 = arith.constant 0 : index
    %get3A_17 = vector.load %arg1[%get3A_14, %get3A_15, %get3A_16] : memref<2x1000x64xf32, #tpu.memory_space<vmem>>, vector<1x1000x64xf32>
    %get3A_18 = vector.shape_cast %get3A_17 : vector<1x1000x64xf32> to vector<1000x64xf32>
    %get3A_19 = arith.constant 1 : index
    %get3A_20 = arith.constant 0 : index
    %get3A_21 = arith.constant 0 : index
    %get3A_22 = vector.load %arg1[%get3A_19, %get3A_20, %get3A_21] : memref<2x1000x64xf32, #tpu.memory_space<vmem>>, vector<1x1000x64xf32>
    %get3A_23 = vector.shape_cast %get3A_22 : vector<1x1000x64xf32> to vector<1000x64xf32>
    %add3A_24 = arith.addf %get3A_18, %get3A_23 : vector<1000x64xf32>
    %div3A = vector.broadcast %max3A_10 : vector<1000x1xf32> to vector<1000x64xf32>
    %div3A_25 = arith.divf %add3A_24, %div3A : vector<1000x64xf32>
    %add3A_26 = arith.addf %get3A_13, %div3A_25 : vector<1000x64xf32>
    %slice3A = vector.extract_strided_slice %add3A_26 {offsets = [0, 0], sizes = [1000, 47], strides = [1, 1]} : vector<1000x64xf32> to vector<1000x47xf32>
    %swap3A = arith.constant 0 : index
    %swap3A_27 = arith.constant 0 : index
    %swap3A_28 = vector.load %arg4[%swap3A, %swap3A_27] : memref<1000x47xf32, #tpu.memory_space<vmem>>, vector<1000x47xf32>
    tpu.vector_store %arg4[%swap3A, %swap3A_27], %slice3A {strides = array<i32>} : memref<1000x47xf32, #tpu.memory_space<vmem>>, vector<1000x47xf32>,
    return
  }
  func.func @transform_0(%arg0: i32) -> (i32, i32, i32) {
    %c0_i32 = arith.constant 0 : i32
    %c0_i32_0 = arith.constant 0 : i32
    %c0_i32_1 = arith.constant 0 : i32
    return %c0_i32, %arg0, %c0_i32_0 : i32, i32, i32
  }
  func.func @transform_1(%arg0: i32) -> (i32, i32, i32) {
    %c0_i32 = arith.constant 0 : i32
    %c0_i32_0 = arith.constant 0 : i32
    %c0_i32_1 = arith.constant 0 : i32
    return %c0_i32, %arg0, %c0_i32_0 : i32, i32, i32
  }
  func.func @transform_2(%arg0: i32) -> (i32, i32) {
    %c0_i32 = arith.constant 0 : i32
    %c0_i32_0 = arith.constant 0 : i32
    return %arg0, %c0_i32 : i32, i32
  }
  func.func @transform_3(%arg0: i32) -> (i32, i32) {
    %c0_i32 = arith.constant 0 : i32
    %c0_i32_0 = arith.constant 0 : i32
    return %arg0, %c0_i32 : i32, i32
  }
}

</mosaic_0001>

<sc_bundles>
// kernel: kernel.10.cloned.1.call-start
scs
__scs_entry_jumppad:
0x0: {  	(pc) =	sbr.rel $0x88, $3  }
0x1: {  	(tag) =	ssettag $0x0;
	lr =	simm.s32 $0x1  }
0x2: {  	[smem:$0x3F99] =	sst lr;
	_ =	strace $0xD0000000  }
0x3: {  	_ = 	snop  }
0x4: {  	_ = 	snop  }
0x5: {  	_ = 	snop  }
0x6: {  	_ = 	snop  }
0x7: {  	_ = 	snop  }
__scs_overlays_trampoline_lowered:
0x8: {  	[smem:$0x3FA8] =	sst s0  }
0x9: {  	[smem:$0x3FA9] =	sst s1  }
0xa: {  	[smem:$0x3FAA] =	sst s2  }
0xb: {  	[smem:$0x3FAB] =	sst s3  }
0xc: {  	[smem:$0x3FAC] =	sst s4  }
0xd: {  	[smem:$0x3FAD] =	sst s5  }
0xe: {  	[smem:$0x3FAE] =	sst s6  }
0xf: {  	[smem:$0x3FAF] =	sst s7  }
0x10: {  	[smem:$0x3FB0] =	sst s8  }
0x11: {  	[smem:$0x3FB1] =	sst s9;
	s0 =	simm.s32 @!p0 $0x0  }
0x12: {  	s1 =	sld [smem:$0x3F97];
	s0 =	simm.s32 @p0 $0x1  }
0x13: {  	[smem:$0x3FB2] =	sst s0;
	s0 =	simm.s32 @!p1 $0x0  }
0x14: {  	s2 =	sld [smem:$0x3F96];
	s0 =	simm.s32 @p1 $0x1  }
0x15: {  	[smem:$0x3FB3] =	sst s0;
	s0 =	simm.s32 @!p2 $0x0  }
0x16: {  	s3 =	sld [smem:$0x3FDB];
	s0 =	simm.s32 @p2 $0x1  }
0x17: {  	s4 =	simm.s32 $0x1BF5;
	[smem:$0x3FB5] =	sst s0  }
0x18: {  	s0 =	sld [smem:$0x3F98];
	_ =	swait.ge [sflag:s4], $0x0  }
0x19: {  	s7 =	sld [smem:$0x3F99]  }
0x1a: {  	s8 =	sadd.s32 $0xFFFFE003, lr  }
0x1b: {  	s9 =	sadd.s32 $0xFFFFFEF7, lr;
	s5 =	simm.s32 $0xFFFFFFFF;
	p2 =	slt.u32 s8, $0xFFFFF086  }
0x1c: {  	p1 =	slt.u32 s9, $0xF7A;
	s5 =	simm.s32 @!p2 $0x0  }
0x1d: {  	s5 =	simm.s32 @p1 $0x1;
	p0 =	seq.s32 s7, s2  }
0x1e: {  	s7 =	smul.u32 @!p0 $0xF7A, s2;
	p2 =	seq.s32 @!p0 s5, $0x0  }
0x1f: {  	s9 =	smul.u32 $0xF7A, s1;
	s8 =	simm.s32 @!p0 $0x1BF5;
	p2 =	por !p2, p0  }
0x20: {  	[sflag:s8] =	ssyncset.s32 @!p0 $0xFFFFF086;
	s6 =	sadd.s32 @!p0 s3, s7;
	s7 =	simm.s32 @!p0 $0x108  }
0x21: {  	s3 =	sadd.s32 s3, s9;
	s6 =	sadd.s32 @!p0 $0x88, s6;
	s7 =	simm.s32 @p2 $0x1082  }
0x22: {  	[simem:s7], [sflag:s8] =	dma.local @!p0 [hbm:s6], $0xF7A  }
0x23: {  	s9 =	sor.u32 $0xD0000000, s2;
	s6 =	simm.s32 $0x108;
	_ =	swait.ge @!p0 [sflag:s8], $0x0  }
0x24: {  	s3 =	sadd.s32 $0x88, s3;
	s6 =	simm.s32 @!p1 $0x1082;
	[sflag:s4] =	ssyncset.s32 $0xFFFFF086  }
0x25: {  	[simem:s6], [sflag:s4] =	dma.local [hbm:s3], $0xF7A  }
0x26: {  	[smem:$0x3F99] =	sst s1;
	(tag) =	ssettag s2;
	_ =	strace s9  }
0x27: {  	s1 =	sld [smem:$0x3FA9]  }
0x28: {  	s2 =	sld [smem:$0x3FAA]  }
0x29: {  	s4 =	sld [smem:$0x3FAC]  }
0x2a: {  	p0 =	seq.s32 s5, $0x0;
	s5 =	sld [smem:$0x3FAD]  }
0x2b: {  	s6 =	sld [smem:$0x3FAE]  }
0x2c: {  	s7 =	sld [smem:$0x3FAF]  }
0x2d: {  	s3 =	simm.s32 $0x108;
	s8 =	sld [smem:$0x3FB0]  }
0x2e: {  	s3 =	simm.s32 @!p0 $0x1082;
	s9 =	sld [smem:$0x3FB1]  }
0x2f: {  	lr =	sadd.s32 s0, s3;
	s0 =	sld [smem:$0x3FA8]  }
0x30: {  	s3 =	sld [smem:$0x3FAB]  }
0x31: {  	[smem:$0x3FB4] =	sst s10  }
0x32: {  	s10 =	sld [smem:$0x3FB2];
	_ =	sdelay $0x3  }
0x33: {  	p0 =	seq.s32 s10, $0x1;
	s10 =	sld [smem:$0x3FB4];
	_ =	sdelay $0x3  }
0x34: {  	[smem:$0x3FB4] =	sst s10  }
0x35: {  	s10 =	sld [smem:$0x3FB3];
	_ =	sdelay $0x3  }
0x36: {  	p1 =	seq.s32 s10, $0x1;
	s10 =	sld [smem:$0x3FB4];
	_ =	sdelay $0x3  }
0x37: {  	[smem:$0x3FB4] =	sst s10  }
0x38: {  	s10 =	sld [smem:$0x3FB5]  }
0x39: {  	_ = 	snop;
	(pc) =	sbr.ind lr, $3  }
0x3a: {  	_ = 	snop  }
0x3b: {  	_ = 	snop  }
0x3c: {  	p2 =	seq.s32 s10, $0x1;
	s10 =	sld [smem:$0x3FB4]  }
0x3d: {  	_ =	shalt  }
0x3e: {  	_ =	shalt  }
0x3f: {  	_ =	shalt  }
0x40: {  	_ =	shalt  }
0x41: {  	_ =	shalt  }
0x42: {  	_ =	shalt  }
0x43: {  	_ =	shalt  }
0x44: {  	_ =	shalt  }
0x45: {  	_ =	shalt  }
0x46: {  	_ =	shalt  }
0x47: {  	_ =	shalt  }
0x48: {  	_ =	shalt  }
0x49: {  	_ =	shalt  }
0x4a: {  	_ =	shalt  }
0x4b: {  	_ =	shalt  }
0x4c: {  	_ =	shalt  }
0x4d: {  	_ =	shalt  }
0x4e: {  	_ =	shalt  }
0x4f: {  	_ =	shalt  }
0x50: {  	_ =	shalt  }
0x51: {  	_ =	shalt  }
0x52: {  	_ =	shalt  }
0x53: {  	_ =	shalt  }
0x54: {  	_ =	shalt  }
0x55: {  	_ =	shalt  }
0x56: {  	_ =	shalt  }
0x57: {  	_ =	shalt  }
0x58: {  	_ =	shalt  }
0x59: {  	_ =	shalt  }
0x5a: {  	_ =	shalt  }
0x5b: {  	_ =	shalt  }
0x5c: {  	_ =	shalt  }
0x5d: {  	_ =	shalt  }
0x5e: {  	_ =	shalt  }
0x5f: {  	_ =	shalt  }
0x60: {  	_ =	shalt  }
0x61: {  	_ =	shalt  }
0x62: {  	_ =	shalt  }
0x63: {  	_ =	shalt  }
0x64: {  	_ =	shalt  }
0x65: {  	_ =	shalt  }
0x66: {  	_ =	shalt  }
0x67: {  	_ =	shalt  }
0x68: {  	_ =	shalt  }
0x69: {  	_ =	shalt  }
0x6a: {  	_ =	shalt  }
0x6b: {  	_ =	shalt  }
0x6c: {  	_ =	shalt  }
0x6d: {  	_ =	shalt  }
0x6e: {  	_ =	shalt  }
0x6f: {  	_ =	shalt  }
0x70: {  	_ =	shalt  }
0x71: {  	_ =	shalt  }
0x72: {  	_ =	shalt  }
0x73: {  	_ =	shalt  }
0x74: {  	_ =	shalt  }
0x75: {  	_ =	shalt  }
0x76: {  	_ =	shalt  }
0x77: {  	_ =	shalt  }
0x78: {  	_ =	shalt  }
0x79: {  	_ =	shalt  }
0x7a: {  	_ =	shalt  }
0x7b: {  	_ =	shalt  }
0x7c: {  	_ =	shalt  }
0x7d: {  	_ =	shalt  }
0x7e: {  	_ =	shalt  }
0x7f: {  	_ =	shalt  }
0x80: {  	_ =	shalt  }
0x81: {  	_ =	shalt  }
0x82: {  	_ =	shalt  }
0x83: {  	_ =	shalt  }
0x84: {  	_ =	shalt  }
0x85: {  	_ =	shalt  }
0x86: {  	_ =	shalt  }
0x87: {  	_ =	shalt  }
.Lfunc_end0:
.L_simem_size_0:
called_computation.1_lowered:
.L_overlay_start_0:
0x88: {  	s2 =	sld [smem:$0x3FD9]  }
0x89: {  	s3 =	sld [smem:$0x3FFE];
	_ =	sdelay $0x1  }
0x8a: {  	s1 =	srdreg.scid  }
0x8b: {  	s0 =	sand.u32 $0x1, s1  }
0x8c: {  	s17 =	sshll.u32 s0, $0xA;
	s2 =	sadd.s32 s3, s2  }
0x8d: {  	s2 =	sadd.s32 s2, s17  }
0x8e: {  	[smem:$0x3FC0] =	sst s2  }
0x8f: {  	_ = 	snop  }
0x90: {  	s2 =	sld [smem:$0x3FD0];
	(tm) =	ssettm $0x1  }
0x91: {  	s18 =	sld [smem:$0x3FFB];
	_ =	sdelay $0x3  }
0x92: {  	_ =	strace s18  }
0x93: {  	s3 =	sld [smem:$0x3FFC];
	_ =	sdelay $0x3  }
0x94: {  	_ =	strace s3  }
0x95: {  	s3 =	sld [smem:$0x3FFD];
	_ =	sdelay $0x3  }
0x96: {  	_ =	strace s3  }
0x97: {  	_ =	strace $0x8FFFFFFF  }
0x98: {  	s19 =	sld [smem:$0x3FDB];
	_ =	sdelay $0x1  }
0x99: {  	s4 =	simm.s32 $_scs_section_size  }
0x9a: {  	s5 =	simm.s32 $_size__tile_overlayer_lowered;
	s6 =	simm.s32 $_tile_overlayer_lowered  }
0x9b: {  	s22 =	simm.s32 $0x1BFF;
	s21 =	sshll.u32 s6, $0x1;
	s3 =	sadd.s32 s4, s19  }
0x9c: {  	s7 =	simm.s32 $0x0;
	s20 =	sshll.u32 s5, $0x1;
	s5 =	sadd.s32 s21, s3  }
0x9d: {  	[timem:s7], [sflag:s22] =	dma.local [hbm:s5], s20  }
0x9e: {  	_ =	swait.ge [sflag:s22], s20  }
0x9f: {  	s4 =	ssub.s32 $0x0, s20;
	[sflag:s22] =	ssyncset.done $0x0  }
0xa0: {  	[sflag:s22] =	ssyncadd.s32 s4;
	_ =	sdelay $0x1  }
0xa1: {  	s23 =	simm.s32 $0x1B8B  }
0xa2: {  	_ =	swait.ge [sflag:s23], $0x1  }
0xa3: {  	[sflag:s23] =	ssyncset.done $0x0  }
0xa4: {  	s25 =	simm.s32 $0x1B8E;
	s24 =	sld [smem:$0x3FFE];
	[sflag:s23] =	ssyncadd.s32 $0xFFFFFFFF  }
0xa5: {  	s26 =	simm.s32 $execute0_lowered;
	[smem:$0x3FD2] =	sst s25  }
0xa6: {  	s5 =	sshll.u32 s26, $0x1;
	_ =	strace $0x8000004C;
	[dreg:$0x1] =	wrdreg $0xFFFFFFFF  }
0xa7: {  	s28 =	simm.s32 $_size_execute0_lowered;
	s3 =	sadd.s32 s3, s5;
	[dreg:$0x0] =	wrdreg $0x0  }
0xa8: {  	s5 =	sshll.u32 s28, $0x1;
	[dreg:$0x2] =	wrdreg s3  }
0xa9: {  	[dreg:$0x3] =	wrdreg s5  }
0xaa: {  	[dreg:$0x4] =	wrdreg $0xC0  }
0xab: {  	_ =	task [dreg:s7], $0x5FFFF  }
0xac: {  	[dreg:$0x1] =	wrdreg $0xFFFFFFFF  }
0xad: {  	[dreg:$0x0] =	wrdreg $0x60  }
0xae: {  	[dreg:$0x2] =	wrdreg s24  }
0xaf: {  	[dreg:$0x3] =	wrdreg s2  }
0xb0: {  	[dreg:$0x4] =	wrdreg $0x0  }
0xb1: {  	[dreg:$0x5] =	wrdreg $0x9  }
0xb2: {  	_ =	task.clear_ibuf [dreg:s7], $0x6FFFF;
	_ =	strace $0x9000004C  }
0xb3: {  	s29 =	simm.s32 $0x9;
	_ =	strace $0x80000051  }
0xb4: {  	_ =	swait.ge [sflag:s29], $0x1  }
0xb5: {  	[sflag:s29] =	ssyncadd.s32 $0xFFFFFFFF  }
0xb6: {  	_ =	strace $0x90000051  }
0xb7: {  	_ =	sfence  }
0xb8: {  	s30 =	sld [smem:$0x0];
	_ =	sdelay $0x2  }
0xb9: {  	s31 =	sshll.u32 s1, $0xD;
	s1 =	sshrl.u32 s1, $0x2  }
0xba: {  	s3 =	sand.u32 $0x4000, s31;
	s1 =	sadd.s32 s1, s30  }
0xbb: {  	s0 =	sor.u32 s3, s0;
	s1 =	sshll.u32 s1, $0x11  }
0xbc: {  	s0 =	sor.u32 s1, s0  }
0xbd: {  	s0 =	sadd.s32 $0x8F2B, s0  }
0xbe: {  	[sflag:s0] =	ssyncadd.remote.s32 $0x1  }
0xbf: {  	_ =	sfence.sel $0xFFFF  }
0xc0: {  	[dreg:$0x0] =	wrdreg $0xFFFFFFFF;
	(pc) =	sbr.abs _section_cstart, $3  }
0xc1: {  	[dreg:$0x1] =	wrdreg $0xFFFFFFFF  }
0xc2: {  	_ =	task.clear_ibuf [dreg:s7], $0x2FFFF;
	_ =	strace $0x9FFFFFFF  }
0xc3: {  	(tm) =	ssettm $0x7FFFFFFF  }
tec
execute0_lowered:
.L_overlay_start_1:
0x0: {  	(tag) =	ssettag $0x1  }
0x1: {  	s0 =	rddreg [dreg:$0x0]  }
0x2: {  	s1 =	rddreg [dreg:$0x1]  }
0x3: {  	s2 =	rddreg [dreg:$0x2];
	s10 =	stileid.u32  }
0x4: {  	s5 =	simm.s32 $0x0;
	s3 =	srdreg.scid;
	s13 =	simm.s32 $0xA040  }
0x5: {  	s14 =	simm.s32 $0xA080;
	[smem:$0x7FF] =	sst s5;
	s9 =	sadd.s32 $0x1FC00, s0  }
0x6: {  	s15 =	simm.s32 $0xA0C0;
	_ =	strace $0x8000004D;
	[dreg:$0x14] =	wrdreg s9  }
0x7: {  	s16 =	simm.s32 $0xA100;
	s17 =	simm.s32 $0xA140;
	[dreg:$0x6] =	wrdreg s13  }
0x8: {  	s18 =	simm.s32 $0xA180;
	s19 =	simm.s32 $0xA1C0;
	[dreg:$0x7] =	wrdreg s14  }
0x9: {  	s20 =	simm.s32 $0xA240;
	s21 =	simm.s32 $0xA280;
	[dreg:$0x8] =	wrdreg s15  }
0xa: {  	s22 =	simm.s32 $0xA2C0;
	s23 =	simm.s32 $0xA300;
	[dreg:$0x9] =	wrdreg s16  }
0xb: {  	s24 =	simm.s32 $0xA340;
	s25 =	simm.s32 $0xA380;
	[dreg:$0xa] =	wrdreg s17  }
0xc: {  	s28 =	simm.s32 $0x6;
	s29 =	simm.s32 $0x7;
	[dreg:$0xb] =	wrdreg s18  }
0xd: {  	s30 =	simm.s32 $0x8;
	s31 =	simm.s32 $0x9;
	[dreg:$0xc] =	wrdreg s19  }
0xe: {  	s4 =	smul.u32 $0x2800, s10;
	s3 =	sand.u32 $0x1, s3;
	[dreg:$0xd] =	wrdreg s20  }
0xf: {  	s6 =	smul.u32 $0xA000, s10;
	s12 =	sshll.u32 s10, $0x6;
	[dreg:$0xe] =	wrdreg s21  }
0x10: {  	s10 =	simm.s32 $0x11;
	p0 =	seq.s32 s3, $0x0;
	[dreg:$0xf] =	wrdreg s22  }
0x11: {  	s7 =	smul.u32 $0xA0000, s3;
	s3 =	ssub.s32 $0x2, s3;
	[dreg:$0x10] =	wrdreg s23  }
0x12: {  	s13 =	simm.s32 $0x40;
	s23 =	simm.s32 $0x2;
	[dreg:$0x11] =	wrdreg s24  }
0x13: {  	s24 =	simm.s32 $0x3;
	[dreg:$0x12] =	wrdreg s25;
	s25 =	simm.s32 $0x4  }
0x14: {  	s14 =	simm.s32 $0x0;
	s21 =	simm.s32 $0xF400;
	s5 =	sadd.s32 $0x28000, s4  }
0x15: {  	s22 =	simm.s32 $0x10400;
	s26 =	sshrl.u32 s3, $0x1;
	s5 =	smov.u32 @p0 s4  }
0x16: {  	s4 =	sadd.s32 $0xC200, s0;
	s7 =	sadd.s32 s6, s7;
	s3 =	ssub.s32 s3, s26  }
0x17: {  	s6 =	sadd.s32 s6, s2;
	s26 =	simm.s32 $0xA3C0;
	s5 =	sshrl.u32 s5, $0x3  }
0x18: {  	s7 =	sshrl.u32 s7, $0x3;
	[dreg:$0x13] =	wrdreg s26;
	s26 =	simm.s32 $0x5  }
0x19: {  	s8 =	sadd.s32 s5, s0;
	s0 =	sadd.s32 s7, s0;
	s7 =	smax.u32 s3, $0x1  }
0x1a: {  	s11 =	sadd.s32 s5, s1;
	s1 =	simm.s32 $0xB;
	[dreg:$0x16] =	wrdreg s7  }
0x1b: {  	s5 =	simm.s32 $0xC;
	s0 =	sadd.s32 $0x21000, s0;
	[dreg:$0x5] =	wrdreg s11  }
0x1c: {  	s9 =	sadd.s32 $0x2200, s8;
	s11 =	sor.u32 $0x1C11, s12;
	[dreg:$0x15] =	wrdreg s0  }
0x1d: {  	s12 =	sshrl.u32 s6, $0x3;
	s6 =	simm.s32 $0xD;
	[dreg:$0x4] =	wrdreg s9  }
0x1e: {  	s7 =	simm.s32 $0xE;
	s8 =	simm.s32 $0xF;
	[dreg:$0x17] =	wrdreg s11  }
0x1f: {  	s0 =	simm.s32 $0xA;
	s9 =	simm.s32 $0x10;
	[dreg:$0x18] =	wrdreg s12  }
.LBB2_1:
0x20: {  	[dreg:$0x19] =	wrdreg s14  }
0x21: {  	_ =	strace $0x8000004E  }
0x22: {  	s3 =	rddreg [dreg:$0x14]  }
0x23: {  	[spmem:s12], [sflag:s11] =	dma.local [hbm:s3], $0x1400  }
0x24: {  	_ =	swait.ge [sflag:s10], $0x1400  }
0x25: {  	[sflag:s10] =	ssyncset.done $0x0  }
0x26: {  	[sflag:s10] =	ssyncadd.s32 $0xFFFFEC00  }
0x27: {  	[bflag:$0x0] =	sbarrier.arrive $0xFFFF  }
0x28: {  	_ =	strace $0x9000004E  }
0x29: {  	_ =	strace $0x8000004F  }
0x2a: {  	s18 =	rddreg [dreg:$0x5]  }
0x2b: {  	s19 =	simm.s32 $0x0;
	s20 =	simm.s32 $0xA000;
	s3 =	sadd.s32 $0x0, s18  }
0x2c: {  	[tilespmem:s20], [sflag:$0x11] =	stream.linear.gather [hbm4b:s3+s19], $0x200, $0x200038;
	[tilespmem:$0x12400] =	vst v63  }
0x2d: {  	_ =	swait.ge [sflag:s10], $0x200  }
0x2e: {  	s15 =	rddreg [dreg:$0x4];
	[sflag:s10] =	ssyncset.done $0x0  }
0x2f: {  	s14 =	simm.s32 $0xA200;
	[sflag:s10] =	ssyncadd.s32 $0xFFFFFE00;
	s3 =	sadd.s32 $0x0, s15  }
0x30: {  	[tilespmem:s14], [sflag:$0x11] =	stream.linear.gather [hbm4b:s3+s19], $0x200, $0x200038;
	[tilespmem:$0x12400] =	vst v63  }
0x31: {  	_ =	swait.ge [sflag:s10], $0x200  }
0x32: {  	[sflag:s10] =	ssyncset.done $0x0  }
0x33: {  	s15 =	simm.s32 $0xA400;
	[sflag:s10] =	ssyncadd.s32 $0xFFFFFE00  }
0x34: {  	[tilespmem:s15], [sflag:$0x1] =	stream.indirect.gather [hbm4b:s4+s13], $0x40, s20, s13, $0x2000b8;
	[tilespmem:$0x12400] =	vst v63  }
0x35: {  	s12 =	simm.s32 $0xB400;
	s16 =	rddreg [dreg:$0x6]  }
0x36: {  	[tilespmem:s12], [sflag:$0x2] =	stream.indirect.gather [hbm4b:s4+s13], $0x40, s16, s13, $0x2000b8;
	[tilespmem:$0x12400] =	vst v63  }
0x37: {  	s17 =	rddreg [dreg:$0x7];
	s16 =	simm.s32 $0xC400  }
0x38: {  	[tilespmem:s16], [sflag:$0x3] =	stream.indirect.gather [hbm4b:s4+s13], $0x40, s17, s13, $0x2000b8;
	[tilespmem:$0x12400] =	vst v63  }
0x39: {  	s18 =	rddreg [dreg:$0x8];
	s17 =	simm.s32 $0xD400  }
0x3a: {  	[tilespmem:s17], [sflag:$0x4] =	stream.indirect.gather [hbm4b:s4+s13], $0x40, s18, s13, $0x2000b8;
	[tilespmem:$0x12400] =	vst v63  }
0x3b: {  	s19 =	rddreg [dreg:$0x9];
	s18 =	simm.s32 $0xE400  }
0x3c: {  	[tilespmem:s18], [sflag:$0x5] =	stream.indirect.gather [hbm4b:s4+s13], $0x40, s19, s13, $0x2000b8;
	[tilespmem:$0x12400] =	vst v63  }
0x3d: {  	s20 =	rddreg [dreg:$0xa];
	s19 =	simm.s32 $0xF400  }
0x3e: {  	[tilespmem:s19], [sflag:$0x6] =	stream.indirect.gather [hbm4b:s4+s13], $0x40, s20, s13, $0x2000b8;
	[tilespmem:$0x12400] =	vst v63  }
0x3f: {  	s11 =	rddreg [dreg:$0xb];
	s20 =	simm.s32 $0x10400  }
0x40: {  	[tilespmem:s20], [sflag:$0x7] =	stream.indirect.gather [hbm4b:s4+s13], $0x40, s11, s13, $0x2000b8;
	[tilespmem:$0x12400] =	vst v63  }
0x41: {  	s3 =	rddreg [dreg:$0xc];
	s11 =	simm.s32 $0x11400  }
0x42: {  	[tilespmem:s11], [sflag:$0x8] =	stream.indirect.gather [hbm4b:s4+s13], $0x40, s3, s13, $0x2000b8;
	[tilespmem:$0x12400] =	vst v63  }
0x43: {  	s3 =	simm.s32 $0x1  }
0x44: {  	_ =	swait.ge [sflag:s3], $0x1000  }
0x45: {  	[sflag:s3] =	ssyncset.done $0x0  }
0x46: {  	[sflag:s3] =	ssyncadd.s32 $0xFFFFF000  }
0x47: {  	[spmem:s2] =	stream.indirect.scatter.add.f32 [tilespmem:s15], [sflag:$0x9], $0x40, s14, s13, $0x2000b8;
	[tilespmem:$0x12400] =	vst v63  }
0x48: {  	_ =	swait.ge [sflag:s23], $0x1000  }
0x49: {  	[sflag:s23] =	ssyncset.done $0x0  }
0x4a: {  	s14 =	rddreg [dreg:$0xd];
	[sflag:s23] =	ssyncadd.s32 $0xFFFFF000  }
0x4b: {  	[spmem:s2] =	stream.indirect.scatter.add.f32 [tilespmem:s12], [sflag:$0xA], $0x40, s14, s13, $0x2000b8;
	[tilespmem:$0x12400] =	vst v63  }
0x4c: {  	_ =	swait.ge [sflag:s24], $0x1000  }
0x4d: {  	[sflag:s24] =	ssyncset.done $0x0  }
0x4e: {  	s15 =	rddreg [dreg:$0xe];
	[sflag:s24] =	ssyncadd.s32 $0xFFFFF000  }
0x4f: {  	[spmem:s2] =	stream.indirect.scatter.add.f32 [tilespmem:s16], [sflag:$0xB], $0x40, s15, s13, $0x2000b8;
	[tilespmem:$0x12400] =	vst v63  }
0x50: {  	_ =	swait.ge [sflag:s25], $0x1000  }
0x51: {  	[sflag:s25] =	ssyncset.done $0x0  }
0x52: {  	s16 =	rddreg [dreg:$0xf];
	[sflag:s25] =	ssyncadd.s32 $0xFFFFF000  }
0x53: {  	[spmem:s2] =	stream.indirect.scatter.add.f32 [tilespmem:s17], [sflag:$0xC], $0x40, s16, s13, $0x2000b8;
	[tilespmem:$0x12400] =	vst v63  }
0x54: {  	_ =	swait.ge [sflag:s26], $0x1000  }
0x55: {  	[sflag:s26] =	ssyncset.done $0x0  }
0x56: {  	s17 =	rddreg [dreg:$0x10];
	[sflag:s26] =	ssyncadd.s32 $0xFFFFF000  }
0x57: {  	[spmem:s2] =	stream.indirect.scatter.add.f32 [tilespmem:s18], [sflag:$0xD], $0x40, s17, s13, $0x2000b8;
	[tilespmem:$0x12400] =	vst v63  }
0x58: {  	_ =	swait.ge [sflag:s28], $0x1000  }
0x59: {  	[sflag:s28] =	ssyncset.done $0x0  }
0x5a: {  	s18 =	rddreg [dreg:$0x11];
	[sflag:s28] =	ssyncadd.s32 $0xFFFFF000  }
0x5b: {  	[spmem:s2] =	stream.indirect.scatter.add.f32 [tilespmem:s19], [sflag:$0xE], $0x40, s18, s13, $0x2000b8;
	[tilespmem:$0x12400] =	vst v63  }
0x5c: {  	_ =	swait.ge [sflag:s29], $0x1000  }
0x5d: {  	[sflag:s29] =	ssyncset.done $0x0  }
0x5e: {  	s19 =	rddreg [dreg:$0x12];
	[sflag:s29] =	ssyncadd.s32 $0xFFFFF000  }
0x5f: {  	[spmem:s2] =	stream.indirect.scatter.add.f32 [tilespmem:s20], [sflag:$0xF], $0x40, s19, s13, $0x2000b8;
	[tilespmem:$0x12400] =	vst v63  }
0x60: {  	_ =	swait.ge [sflag:s30], $0x1000  }
0x61: {  	[sflag:s30] =	ssyncset.done $0x0  }
0x62: {  	s20 =	rddreg [dreg:$0x13];
	[sflag:s30] =	ssyncadd.s32 $0xFFFFF000  }
0x63: {  	[spmem:s2] =	stream.indirect.scatter.add.f32 [tilespmem:s11], [sflag:$0x10], $0x40, s20, s13, $0x2000b8;
	[tilespmem:$0x12400] =	vst v63  }
0x64: {  	_ =	swait.ge [sflag:s31], $0x1000  }
0x65: {  	[sflag:s31] =	ssyncset.done $0x0  }
0x66: {  	[sflag:s31] =	ssyncadd.s32 $0xFFFFF000  }
0x67: {  	_ =	swait.ge [sflag:s0], $0x1000  }
0x68: {  	[sflag:s0] =	ssyncset.done $0x0  }
0x69: {  	[sflag:s0] =	ssyncadd.s32 $0xFFFFF000  }
0x6a: {  	_ =	swait.ge [sflag:s1], $0x1000  }
0x6b: {  	[sflag:s1] =	ssyncset.done $0x0  }
0x6c: {  	[sflag:s1] =	ssyncadd.s32 $0xFFFFF000  }
0x6d: {  	_ =	swait.ge [sflag:s5], $0x1000  }
0x6e: {  	[sflag:s5] =	ssyncset.done $0x0  }
0x6f: {  	[sflag:s5] =	ssyncadd.s32 $0xFFFFF000  }
0x70: {  	_ =	swait.ge [sflag:s6], $0x1000  }
0x71: {  	[sflag:s6] =	ssyncset.done $0x0  }
0x72: {  	[sflag:s6] =	ssyncadd.s32 $0xFFFFF000  }
0x73: {  	_ =	swait.ge [sflag:s7], $0x1000  }
0x74: {  	[sflag:s7] =	ssyncset.done $0x0  }
0x75: {  	[sflag:s7] =	ssyncadd.s32 $0xFFFFF000  }
0x76: {  	_ =	swait.ge [sflag:s8], $0x1000  }
0x77: {  	[sflag:s8] =	ssyncset.done $0x0  }
0x78: {  	[sflag:s8] =	ssyncadd.s32 $0xFFFFF000  }
0x79: {  	s3 =	simm.s32 $0x40;
	_ =	swait.ge [sflag:s9], $0x1000  }
0x7a: {  	s11 =	simm.s32 $0x80;
	s12 =	rddreg [dreg:$0x5];
	[sflag:s9] =	ssyncset.done $0x0  }
.LBB2_2:
0x7b: {  	[sflag:s9] =	ssyncadd.s32 $0xFFFFF000  }
0x7c: {  	s12 =	sadd.s32 s3, s12;
	s15 =	simm.s32 $0x0;
	s16 =	simm.s32 $0xA000  }
0x7d: {  	[tilespmem:s16], [sflag:$0x11] =	stream.linear.gather [hbm4b:s12+s15], $0x200, $0x200038;
	[tilespmem:$0x12400] =	vst v63  }
0x7e: {  	_ =	swait.ge [sflag:s10], $0x200  }
0x7f: {  	s17 =	rddreg [dreg:$0x4];
	[sflag:s10] =	ssyncset.done $0x0  }
0x80: {  	[sflag:s10] =	ssyncadd.s32 $0xFFFFFE00;
	s12 =	sadd.s32 s3, s17;
	s17 =	simm.s32 $0xA200  }
0x81: {  	[tilespmem:s17], [sflag:$0x11] =	stream.linear.gather [hbm4b:s12+s15], $0x200, $0x200038;
	[tilespmem:$0x12400] =	vst v63  }
0x82: {  	_ =	swait.ge [sflag:s10], $0x200  }
0x83: {  	[sflag:s10] =	ssyncset.done $0x0  }
0x84: {  	s15 =	simm.s32 $0xA400;
	[sflag:s10] =	ssyncadd.s32 $0xFFFFFE00  }
0x85: {  	[tilespmem:s15], [sflag:$0x1] =	stream.indirect.gather [hbm4b:s4+s13], $0x40, s16, s13, $0x2000b8;
	[tilespmem:$0x12400] =	vst v63  }
0x86: {  	s18 =	rddreg [dreg:$0x6];
	s16 =	simm.s32 $0xB400  }
0x87: {  	[tilespmem:s16], [sflag:$0x2] =	stream.indirect.gather [hbm4b:s4+s13], $0x40, s18, s13, $0x2000b8;
	[tilespmem:$0x12400] =	vst v63  }
0x88: {  	s19 =	rddreg [dreg:$0x7];
	s18 =	simm.s32 $0xC400  }
0x89: {  	[tilespmem:s18], [sflag:$0x3] =	stream.indirect.gather [hbm4b:s4+s13], $0x40, s19, s13, $0x2000b8;
	[tilespmem:$0x12400] =	vst v63  }
0x8a: {  	s14 =	smov.u32 s11;
	s20 =	rddreg [dreg:$0x8];
	s19 =	simm.s32 $0xD400  }
0x8b: {  	[tilespmem:s19], [sflag:$0x4] =	stream.indirect.gather [hbm4b:s4+s13], $0x40, s20, s13, $0x2000b8;
	[tilespmem:$0x12400] =	vst v63  }
0x8c: {  	s3 =	smov.u32 s14;
	s14 =	rddreg [dreg:$0x9];
	s20 =	simm.s32 $0xE400  }
0x8d: {  	[tilespmem:s20], [sflag:$0x5] =	stream.indirect.gather [hbm4b:s4+s13], $0x40, s14, s13, $0x2000b8;
	[tilespmem:$0x12400] =	vst v63  }
0x8e: {  	s12 =	rddreg [dreg:$0xa]  }
0x8f: {  	[tilespmem:s21], [sflag:$0x6] =	stream.indirect.gather [hbm4b:s4+s13], $0x40, s12, s13, $0x2000b8;
	[tilespmem:$0x12400] =	vst v63  }
0x90: {  	s14 =	rddreg [dreg:$0xb]  }
0x91: {  	[tilespmem:s22], [sflag:$0x7] =	stream.indirect.gather [hbm4b:s4+s13], $0x40, s14, s13, $0x2000b8;
	[tilespmem:$0x12400] =	vst v63  }
0x92: {  	s12 =	rddreg [dreg:$0xc];
	s14 =	simm.s32 $0x11400  }
0x93: {  	[tilespmem:s14], [sflag:$0x8] =	stream.indirect.gather [hbm4b:s4+s13], $0x40, s12, s13, $0x2000b8;
	[tilespmem:$0x12400] =	vst v63  }
0x94: {  	s12 =	simm.s32 $0x1  }
0x95: {  	_ =	swait.ge [sflag:s12], $0x1000  }
0x96: {  	[sflag:s12] =	ssyncset.done $0x0  }
0x97: {  	[sflag:s12] =	ssyncadd.s32 $0xFFFFF000  }
0x98: {  	[spmem:s2] =	stream.indirect.scatter.add.f32 [tilespmem:s15], [sflag:$0x9], $0x40, s17, s13, $0x2000b8;
	[tilespmem:$0x12400] =	vst v63  }
0x99: {  	_ =	swait.ge [sflag:s23], $0x1000  }
0x9a: {  	[sflag:s23] =	ssyncset.done $0x0  }
0x9b: {  	s17 =	rddreg [dreg:$0xd];
	[sflag:s23] =	ssyncadd.s32 $0xFFFFF000  }
0x9c: {  	[spmem:s2] =	stream.indirect.scatter.add.f32 [tilespmem:s16], [sflag:$0xA], $0x40, s17, s13, $0x2000b8;
	[tilespmem:$0x12400] =	vst v63  }
0x9d: {  	_ =	swait.ge [sflag:s24], $0x1000  }
0x9e: {  	[sflag:s24] =	ssyncset.done $0x0  }
0x9f: {  	s15 =	rddreg [dreg:$0xe];
	[sflag:s24] =	ssyncadd.s32 $0xFFFFF000  }
0xa0: {  	[spmem:s2] =	stream.indirect.scatter.add.f32 [tilespmem:s18], [sflag:$0xB], $0x40, s15, s13, $0x2000b8;
	[tilespmem:$0x12400] =	vst v63  }
0xa1: {  	_ =	swait.ge [sflag:s25], $0x1000  }
0xa2: {  	[sflag:s25] =	ssyncset.done $0x0  }
0xa3: {  	s16 =	rddreg [dreg:$0xf];
	[sflag:s25] =	ssyncadd.s32 $0xFFFFF000  }
0xa4: {  	[spmem:s2] =	stream.indirect.scatter.add.f32 [tilespmem:s19], [sflag:$0xC], $0x40, s16, s13, $0x2000b8;
	[tilespmem:$0x12400] =	vst v63  }
0xa5: {  	_ =	swait.ge [sflag:s26], $0x1000  }
0xa6: {  	[sflag:s26] =	ssyncset.done $0x0  }
0xa7: {  	s17 =	rddreg [dreg:$0x10];
	[sflag:s26] =	ssyncadd.s32 $0xFFFFF000  }
0xa8: {  	[spmem:s2] =	stream.indirect.scatter.add.f32 [tilespmem:s20], [sflag:$0xD], $0x40, s17, s13, $0x2000b8;
	[tilespmem:$0x12400] =	vst v63  }
0xa9: {  	_ =	swait.ge [sflag:s28], $0x1000  }
0xaa: {  	[sflag:s28] =	ssyncset.done $0x0  }
0xab: {  	s18 =	rddreg [dreg:$0x11];
	[sflag:s28] =	ssyncadd.s32 $0xFFFFF000  }
0xac: {  	[spmem:s2] =	stream.indirect.scatter.add.f32 [tilespmem:s21], [sflag:$0xE], $0x40, s18, s13, $0x2000b8;
	[tilespmem:$0x12400] =	vst v63  }
0xad: {  	_ =	swait.ge [sflag:s29], $0x1000  }
0xae: {  	[sflag:s29] =	ssyncset.done $0x0  }
0xaf: {  	s19 =	rddreg [dreg:$0x12];
	[sflag:s29] =	ssyncadd.s32 $0xFFFFF000  }
0xb0: {  	[spmem:s2] =	stream.indirect.scatter.add.f32 [tilespmem:s22], [sflag:$0xF], $0x40, s19, s13, $0x2000b8;
	[tilespmem:$0x12400] =	vst v63  }
0xb1: {  	_ =	swait.ge [sflag:s30], $0x1000  }
0xb2: {  	[sflag:s30] =	ssyncset.done $0x0  }
0xb3: {  	s20 =	rddreg [dreg:$0x13];
	[sflag:s30] =	ssyncadd.s32 $0xFFFFF000  }
0xb4: {  	[spmem:s2] =	stream.indirect.scatter.add.f32 [tilespmem:s14], [sflag:$0x10], $0x40, s20, s13, $0x2000b8;
	[tilespmem:$0x12400] =	vst v63  }
0xb5: {  	_ =	swait.ge [sflag:s31], $0x1000  }
0xb6: {  	[sflag:s31] =	ssyncset.done $0x0  }
0xb7: {  	[sflag:s31] =	ssyncadd.s32 $0xFFFFF000  }
0xb8: {  	_ =	swait.ge [sflag:s0], $0x1000  }
0xb9: {  	[sflag:s0] =	ssyncset.done $0x0  }
0xba: {  	[sflag:s0] =	ssyncadd.s32 $0xFFFFF000  }
0xbb: {  	_ =	swait.ge [sflag:s1], $0x1000  }
0xbc: {  	[sflag:s1] =	ssyncset.done $0x0  }
0xbd: {  	[sflag:s1] =	ssyncadd.s32 $0xFFFFF000  }
0xbe: {  	_ =	swait.ge [sflag:s5], $0x1000  }
0xbf: {  	[sflag:s5] =	ssyncset.done $0x0  }
0xc0: {  	[sflag:s5] =	ssyncadd.s32 $0xFFFFF000  }
0xc1: {  	_ =	swait.ge [sflag:s6], $0x1000  }
0xc2: {  	[sflag:s6] =	ssyncset.done $0x0  }
0xc3: {  	[sflag:s6] =	ssyncadd.s32 $0xFFFFF000  }
0xc4: {  	_ =	swait.ge [sflag:s7], $0x1000  }
0xc5: {  	[sflag:s7] =	ssyncset.done $0x0  }
0xc6: {  	p0 =	sne.s32 s11, $0x4C0;
	[sflag:s7] =	ssyncadd.s32 $0xFFFFF000  }
.Ltmp0:
0xc7: {  	_ =	swait.ge [sflag:s8], $0x1000;
	(pc) =	sbr.rel @p0 .LBB2_2-.Ltmp0, $4  }
0xc8: {  	[sflag:s8] =	ssyncset.done $0x0  }
0xc9: {  	[sflag:s8] =	ssyncadd.s32 $0xFFFFF000  }
0xca: {  	_ =	swait.ge [sflag:s9], $0x1000  }
0xcb: {  	s11 =	sadd.s32 $0x40, s11;
	s12 =	rddreg [dreg:$0x5];
	[sflag:s9] =	ssyncset.done $0x0  }
0xcc: {  	[sflag:s9] =	ssyncadd.s32 $0xFFFFF000  }
0xcd: {  	s11 =	sadd.s32 s3, s12;
	s19 =	simm.s32 $0x0;
	s14 =	simm.s32 $0xA000  }
0xce: {  	[tilespmem:s14], [sflag:$0x11] =	stream.linear.gather [hbm4b:s11+s19], $0x200, $0x200038;
	[tilespmem:$0x12400] =	vst v63  }
0xcf: {  	_ =	swait.ge [sflag:s10], $0x200  }
0xd0: {  	s20 =	rddreg [dreg:$0x4];
	[sflag:s10] =	ssyncset.done $0x0  }
0xd1: {  	s15 =	simm.s32 $0xA200;
	[sflag:s10] =	ssyncadd.s32 $0xFFFFFE00;
	s11 =	sadd.s32 s3, s20  }
0xd2: {  	[tilespmem:s15], [sflag:$0x11] =	stream.linear.gather [hbm4b:s11+s19], $0x200, $0x200038;
	[tilespmem:$0x12400] =	vst v63  }
0xd3: {  	_ =	swait.ge [sflag:s10], $0x200  }
0xd4: {  	[sflag:s10] =	ssyncset.done $0x0  }
0xd5: {  	s12 =	simm.s32 $0xA400;
	[sflag:s10] =	ssyncadd.s32 $0xFFFFFE00  }
0xd6: {  	[tilespmem:s12], [sflag:$0x1] =	stream.indirect.gather [hbm4b:s4+s13], $0x40, s14, s13, $0x2000b8;
	[tilespmem:$0x12400] =	vst v63  }
0xd7: {  	s16 =	rddreg [dreg:$0x6];
	s14 =	simm.s32 $0xB400  }
0xd8: {  	[tilespmem:s14], [sflag:$0x2] =	stream.indirect.gather [hbm4b:s4+s13], $0x40, s16, s13, $0x2000b8;
	[tilespmem:$0x12400] =	vst v63  }
0xd9: {  	s17 =	rddreg [dreg:$0x7];
	s16 =	simm.s32 $0xC400  }
0xda: {  	[tilespmem:s16], [sflag:$0x3] =	stream.indirect.gather [hbm4b:s4+s13], $0x40, s17, s13, $0x2000b8;
	[tilespmem:$0x12400] =	vst v63  }
0xdb: {  	s18 =	rddreg [dreg:$0x8];
	s17 =	simm.s32 $0xD400  }
0xdc: {  	[tilespmem:s17], [sflag:$0x4] =	stream.indirect.gather [hbm4b:s4+s13], $0x40, s18, s13, $0x2000b8;
	[tilespmem:$0x12400] =	vst v63  }
0xdd: {  	s19 =	rddreg [dreg:$0x9];
	s18 =	simm.s32 $0xE400  }
0xde: {  	[tilespmem:s18], [sflag:$0x5] =	stream.indirect.gather [hbm4b:s4+s13], $0x40, s19, s13, $0x2000b8;
	[tilespmem:$0x12400] =	vst v63  }
0xdf: {  	s20 =	rddreg [dreg:$0xa];
	s19 =	simm.s32 $0xF400  }
0xe0: {  	[tilespmem:s19], [sflag:$0x6] =	stream.indirect.gather [hbm4b:s4+s13], $0x40, s20, s13, $0x2000b8;
	[tilespmem:$0x12400] =	vst v63  }
0xe1: {  	s11 =	rddreg [dreg:$0xb];
	s20 =	simm.s32 $0x10400  }
0xe2: {  	[tilespmem:s20], [sflag:$0x7] =	stream.indirect.gather [hbm4b:s4+s13], $0x40, s11, s13, $0x2000b8;
	[tilespmem:$0x12400] =	vst v63  }
0xe3: {  	s3 =	rddreg [dreg:$0xc];
	s11 =	simm.s32 $0x11400  }
0xe4: {  	[tilespmem:s11], [sflag:$0x8] =	stream.indirect.gather [hbm4b:s4+s13], $0x40, s3, s13, $0x2000b8;
	[tilespmem:$0x12400] =	vst v63  }
0xe5: {  	s3 =	simm.s32 $0x1  }
0xe6: {  	_ =	swait.ge [sflag:s3], $0x1000  }
0xe7: {  	[sflag:s3] =	ssyncset.done $0x0  }
0xe8: {  	[sflag:s3] =	ssyncadd.s32 $0xFFFFF000  }
0xe9: {  	[spmem:s2] =	stream.indirect.scatter.add.f32 [tilespmem:s12], [sflag:$0x9], $0x40, s15, s13, $0x2000b8;
	[tilespmem:$0x12400] =	vst v63  }
0xea: {  	_ =	swait.ge [sflag:s23], $0x1000  }
0xeb: {  	[sflag:s23] =	ssyncset.done $0x0  }
0xec: {  	s12 =	rddreg [dreg:$0xd];
	[sflag:s23] =	ssyncadd.s32 $0xFFFFF000  }
0xed: {  	[spmem:s2] =	stream.indirect.scatter.add.f32 [tilespmem:s14], [sflag:$0xA], $0x40, s12, s13, $0x2000b8;
	[tilespmem:$0x12400] =	vst v63  }
0xee: {  	_ =	swait.ge [sflag:s24], $0x1000  }
0xef: {  	[sflag:s24] =	ssyncset.done $0x0  }
0xf0: {  	s15 =	rddreg [dreg:$0xe];
	[sflag:s24] =	ssyncadd.s32 $0xFFFFF000  }
0xf1: {  	[spmem:s2] =	stream.indirect.scatter.add.f32 [tilespmem:s16], [sflag:$0xB], $0x40, s15, s13, $0x2000b8;
	[tilespmem:$0x12400] =	vst v63  }
0xf2: {  	_ =	swait.ge [sflag:s25], $0x1000  }
0xf3: {  	[sflag:s25] =	ssyncset.done $0x0  }
0xf4: {  	s12 =	rddreg [dreg:$0xf];
	[sflag:s25] =	ssyncadd.s32 $0xFFFFF000  }
0xf5: {  	[spmem:s2] =	stream.indirect.scatter.add.f32 [tilespmem:s17], [sflag:$0xC], $0x40, s12, s13, $0x2000b8;
	[tilespmem:$0x12400] =	vst v63  }
0xf6: {  	_ =	swait.ge [sflag:s26], $0x1000  }
0xf7: {  	[sflag:s26] =	ssyncset.done $0x0  }
0xf8: {  	s14 =	rddreg [dreg:$0x10];
	[sflag:s26] =	ssyncadd.s32 $0xFFFFF000  }
0xf9: {  	[spmem:s2] =	stream.indirect.scatter.add.f32 [tilespmem:s18], [sflag:$0xD], $0x40, s14, s13, $0x2000b8;
	[tilespmem:$0x12400] =	vst v63  }
0xfa: {  	_ =	swait.ge [sflag:s28], $0x1000  }
0xfb: {  	[sflag:s28] =	ssyncset.done $0x0  }
0xfc: {  	s15 =	rddreg [dreg:$0x11];
	[sflag:s28] =	ssyncadd.s32 $0xFFFFF000  }
0xfd: {  	[spmem:s2] =	stream.indirect.scatter.add.f32 [tilespmem:s19], [sflag:$0xE], $0x40, s15, s13, $0x2000b8;
	[tilespmem:$0x12400] =	vst v63  }
0xfe: {  	_ =	swait.ge [sflag:s29], $0x1000  }
0xff: {  	[sflag:s29] =	ssyncset.done $0x0  }
0x100: {  	s16 =	rddreg [dreg:$0x12];
	[sflag:s29] =	ssyncadd.s32 $0xFFFFF000  }
0x101: {  	[spmem:s2] =	stream.indirect.scatter.add.f32 [tilespmem:s20], [sflag:$0xF], $0x40, s16, s13, $0x2000b8;
	[tilespmem:$0x12400] =	vst v63  }
0x102: {  	_ =	swait.ge [sflag:s30], $0x1000  }
0x103: {  	[sflag:s30] =	ssyncset.done $0x0  }
0x104: {  	s17 =	rddreg [dreg:$0x13];
	[sflag:s30] =	ssyncadd.s32 $0xFFFFF000  }
0x105: {  	[spmem:s2] =	stream.indirect.scatter.add.f32 [tilespmem:s11], [sflag:$0x10], $0x40, s17, s13, $0x2000b8;
	[tilespmem:$0x12400] =	vst v63  }
0x106: {  	_ =	swait.ge [sflag:s31], $0x1000  }
0x107: {  	[sflag:s31] =	ssyncset.done $0x0  }
0x108: {  	[sflag:s31] =	ssyncadd.s32 $0xFFFFF000  }
0x109: {  	_ =	swait.ge [sflag:s0], $0x1000  }
0x10a: {  	[sflag:s0] =	ssyncset.done $0x0  }
0x10b: {  	[sflag:s0] =	ssyncadd.s32 $0xFFFFF000  }
0x10c: {  	_ =	swait.ge [sflag:s1], $0x1000  }
0x10d: {  	[sflag:s1] =	ssyncset.done $0x0  }
0x10e: {  	[sflag:s1] =	ssyncadd.s32 $0xFFFFF000  }
0x10f: {  	_ =	swait.ge [sflag:s5], $0x1000  }
0x110: {  	[sflag:s5] =	ssyncset.done $0x0  }
0x111: {  	[sflag:s5] =	ssyncadd.s32 $0xFFFFF000  }
0x112: {  	_ =	swait.ge [sflag:s6], $0x1000  }
0x113: {  	[sflag:s6] =	ssyncset.done $0x0  }
0x114: {  	[sflag:s6] =	ssyncadd.s32 $0xFFFFF000  }
0x115: {  	_ =	swait.ge [sflag:s7], $0x1000  }
0x116: {  	[sflag:s7] =	ssyncset.done $0x0  }
0x117: {  	[sflag:s7] =	ssyncadd.s32 $0xFFFFF000  }
0x118: {  	_ =	swait.ge [sflag:s8], $0x1000  }
0x119: {  	[sflag:s8] =	ssyncset.done $0x0  }
0x11a: {  	[sflag:s8] =	ssyncadd.s32 $0xFFFFF000  }
0x11b: {  	_ =	swait.ge [sflag:s9], $0x1000  }
0x11c: {  	[sflag:s9] =	ssyncset.done $0x0  }
0x11d: {  	[sflag:s9] =	ssyncadd.s32 $0xFFFFF000  }
0x11e: {  	_ =	strace $0x9000004F  }
0x11f: {  	_ =	strace $0x80000050  }
0x120: {  	[bflag:$0x0] =	sbarrier.arrive $0xFFFF  }
0x121: {  	s18 =	rddreg [dreg:$0x15]  }
0x122: {  	s11 =	rddreg [dreg:$0x17]  }
0x123: {  	s12 =	rddreg [dreg:$0x18]  }
0x124: {  	[hbm:s18], [sflag:s11] =	dma.local [spmem:s12], $0x1400  }
0x125: {  	_ =	swait.ge [sflag:s10], $0x1400  }
0x126: {  	s19 =	rddreg [dreg:$0x19]  }
0x127: {  	s20 =	rddreg [dreg:$0x16];
	s14 =	sadd.s32 $0x1, s19  }
0x128: {  	p0 =	sne.s32 s14, s20  }
.Ltmp1:
0x129: {  	_ = 	snop;
	(pc) =	sbr.rel @p0 .LBB2_1-.Ltmp1, $4  }
0x12a: {  	_ = 	snop  }
0x12b: {  	[sflag:s10] =	ssyncset.done $0x0  }
0x12c: {  	[sflag:s10] =	ssyncadd.s32 $0xFFFFEC00  }
0x12d: {  	_ =	strace $0x90000050  }
0x12e: {  	_ =	sfence.sel $0x180000  }
0x12f: {  	[bflag:$0x0] =	sbarrier.arrive $0xFFFF  }
0x130: {  	_ =	strace $0x9000004D  }
0x131: {  	s0 =	stileid.u32;
	[bflag:$0x2] =	sbarrier.arrive $0xFFFF  }
0x132: {  	p0 =	sne.s32 s0, $0x0;
	s0 =	rddreg [dreg:$0x3]  }
0x133: {  	s0 =	sadd.s32 @!p0 $0x100000, s0  }
0x134: {  	[sflag:s0] =	ssyncadd.tile.s32 @!p0 $0x1;
	_ =	shalt  }
.Lfunc_end2:
_tile_overlayer_lowered:
.L_overlay_start_2:
0x135: {  	(tag) =	ssettag $0x2  }
0x136: {  	s0 =	rddreg [dreg:$0x0];
	s2 =	stileid.u32  }
0x137: {  	s1 =	rddreg [dreg:$0x1];
	p0 =	sne.s32 s2, $0x0  }
0x138: {  	s3 =	rddreg [dreg:$0x2];
	[bflag:$0x3] =	sbarrier.arrive $0xFFFF;
	s2 =	simm.s32 @!p0 $0x1C11  }
0x139: {  	[timem:s3], [sflag:s2] =	dma.local @!p0 [hbm:s0], s1  }
0x13a: {  	s0 =	simm.s32 @!p0 $0x11  }
0x13b: {  	_ =	swait.ge @!p0 [sflag:s0], s1  }
0x13c: {  	s1 =	ssub.s32 @!p0 $0x0, s1;
	[sflag:s0] =	ssyncset.done @!p0 $0x0  }
0x13d: {  	[sflag:s0] =	ssyncadd.s32 @!p0 s1  }
0x13e: {  	[bflag:$0x3] =	sbarrier.arrive $0xFFFF  }
0x13f: {  	_ =	shalt  }

// kernel: kernel.7.cloned.1.call-start
scs
__scs_entry_jumppad:
0x0: {  	(pc) =	sbr.rel $0x88, $3  }
0x1: {  	(tag) =	ssettag $0x0;
	lr =	simm.s32 $0x1  }
0x2: {  	[smem:$0x3F99] =	sst lr;
	_ =	strace $0xD0000000  }
0x3: {  	_ = 	snop  }
0x4: {  	_ = 	snop  }
0x5: {  	_ = 	snop  }
0x6: {  	_ = 	snop  }
0x7: {  	_ = 	snop  }
__scs_overlays_trampoline_lowered:
0x8: {  	[smem:$0x3FA8] =	sst s0  }
0x9: {  	[smem:$0x3FA9] =	sst s1  }
0xa: {  	[smem:$0x3FAA] =	sst s2  }
0xb: {  	[smem:$0x3FAB] =	sst s3  }
0xc: {  	[smem:$0x3FAC] =	sst s4  }
0xd: {  	[smem:$0x3FAD] =	sst s5  }
0xe: {  	[smem:$0x3FAE] =	sst s6  }
0xf: {  	[smem:$0x3FAF] =	sst s7  }
0x10: {  	[smem:$0x3FB0] =	sst s8  }
0x11: {  	[smem:$0x3FB1] =	sst s9;
	s0 =	simm.s32 @!p0 $0x0  }
0x12: {  	s1 =	sld [smem:$0x3F97];
	s0 =	simm.s32 @p0 $0x1  }
0x13: {  	[smem:$0x3FB2] =	sst s0;
	s0 =	simm.s32 @!p1 $0x0  }
0x14: {  	s2 =	sld [smem:$0x3F96];
	s0 =	simm.s32 @p1 $0x1  }
0x15: {  	[smem:$0x3FB3] =	sst s0;
	s0 =	simm.s32 @!p2 $0x0  }
0x16: {  	s3 =	sld [smem:$0x3FDB];
	s0 =	simm.s32 @p2 $0x1  }
0x17: {  	s4 =	simm.s32 $0x1BF5;
	[smem:$0x3FB5] =	sst s0  }
0x18: {  	s0 =	sld [smem:$0x3F98];
	_ =	swait.ge [sflag:s4], $0x0  }
0x19: {  	s7 =	sld [smem:$0x3F99]  }
0x1a: {  	s8 =	sadd.s32 $0xFFFFE003, lr  }
0x1b: {  	s9 =	sadd.s32 $0xFFFFFEF7, lr;
	s5 =	simm.s32 $0xFFFFFFFF;
	p2 =	slt.u32 s8, $0xFFFFF086  }
0x1c: {  	p1 =	slt.u32 s9, $0xF7A;
	s5 =	simm.s32 @!p2 $0x0  }
0x1d: {  	s5 =	simm.s32 @p1 $0x1;
	p0 =	seq.s32 s7, s2  }
0x1e: {  	s7 =	smul.u32 @!p0 $0xF7A, s2;
	p2 =	seq.s32 @!p0 s5, $0x0  }
0x1f: {  	s9 =	smul.u32 $0xF7A, s1;
	s8 =	simm.s32 @!p0 $0x1BF5;
	p2 =	por !p2, p0  }
0x20: {  	[sflag:s8] =	ssyncset.s32 @!p0 $0xFFFFF086;
	s6 =	sadd.s32 @!p0 s3, s7;
	s7 =	simm.s32 @!p0 $0x108  }
0x21: {  	s3 =	sadd.s32 s3, s9;
	s6 =	sadd.s32 @!p0 $0x88, s6;
	s7 =	simm.s32 @p2 $0x1082  }
0x22: {  	[simem:s7], [sflag:s8] =	dma.local @!p0 [hbm:s6], $0xF7A  }
0x23: {  	s9 =	sor.u32 $0xD0000000, s2;
	s6 =	simm.s32 $0x108;
	_ =	swait.ge @!p0 [sflag:s8], $0x0  }
0x24: {  	s3 =	sadd.s32 $0x88, s3;
	s6 =	simm.s32 @!p1 $0x1082;
	[sflag:s4] =	ssyncset.s32 $0xFFFFF086  }
0x25: {  	[simem:s6], [sflag:s4] =	dma.local [hbm:s3], $0xF7A  }
0x26: {  	[smem:$0x3F99] =	sst s1;
	(tag) =	ssettag s2;
	_ =	strace s9  }
0x27: {  	s1 =	sld [smem:$0x3FA9]  }
0x28: {  	s2 =	sld [smem:$0x3FAA]  }
0x29: {  	s4 =	sld [smem:$0x3FAC]  }
0x2a: {  	p0 =	seq.s32 s5, $0x0;
	s5 =	sld [smem:$0x3FAD]  }
0x2b: {  	s6 =	sld [smem:$0x3FAE]  }
0x2c: {  	s7 =	sld [smem:$0x3FAF]  }
0x2d: {  	s3 =	simm.s32 $0x108;
	s8 =	sld [smem:$0x3FB0]  }
0x2e: {  	s3 =	simm.s32 @!p0 $0x1082;
	s9 =	sld [smem:$0x3FB1]  }
0x2f: {  	lr =	sadd.s32 s0, s3;
	s0 =	sld [smem:$0x3FA8]  }
0x30: {  	s3 =	sld [smem:$0x3FAB]  }
0x31: {  	[smem:$0x3FB4] =	sst s10  }
0x32: {  	s10 =	sld [smem:$0x3FB2];
	_ =	sdelay $0x3  }
0x33: {  	p0 =	seq.s32 s10, $0x1;
	s10 =	sld [smem:$0x3FB4];
	_ =	sdelay $0x3  }
0x34: {  	[smem:$0x3FB4] =	sst s10  }
0x35: {  	s10 =	sld [smem:$0x3FB3];
	_ =	sdelay $0x3  }
0x36: {  	p1 =	seq.s32 s10, $0x1;
	s10 =	sld [smem:$0x3FB4];
	_ =	sdelay $0x3  }
0x37: {  	[smem:$0x3FB4] =	sst s10  }
0x38: {  	s10 =	sld [smem:$0x3FB5]  }
0x39: {  	_ = 	snop;
	(pc) =	sbr.ind lr, $3  }
0x3a: {  	_ = 	snop  }
0x3b: {  	_ = 	snop  }
0x3c: {  	p2 =	seq.s32 s10, $0x1;
	s10 =	sld [smem:$0x3FB4]  }
0x3d: {  	_ =	shalt  }
0x3e: {  	_ =	shalt  }
0x3f: {  	_ =	shalt  }
0x40: {  	_ =	shalt  }
0x41: {  	_ =	shalt  }
0x42: {  	_ =	shalt  }
0x43: {  	_ =	shalt  }
0x44: {  	_ =	shalt  }
0x45: {  	_ =	shalt  }
0x46: {  	_ =	shalt  }
0x47: {  	_ =	shalt  }
0x48: {  	_ =	shalt  }
0x49: {  	_ =	shalt  }
0x4a: {  	_ =	shalt  }
0x4b: {  	_ =	shalt  }
0x4c: {  	_ =	shalt  }
0x4d: {  	_ =	shalt  }
0x4e: {  	_ =	shalt  }
0x4f: {  	_ =	shalt  }
0x50: {  	_ =	shalt  }
0x51: {  	_ =	shalt  }
0x52: {  	_ =	shalt  }
0x53: {  	_ =	shalt  }
0x54: {  	_ =	shalt  }
0x55: {  	_ =	shalt  }
0x56: {  	_ =	shalt  }
0x57: {  	_ =	shalt  }
0x58: {  	_ =	shalt  }
0x59: {  	_ =	shalt  }
0x5a: {  	_ =	shalt  }
0x5b: {  	_ =	shalt  }
0x5c: {  	_ =	shalt  }
0x5d: {  	_ =	shalt  }
0x5e: {  	_ =	shalt  }
0x5f: {  	_ =	shalt  }
0x60: {  	_ =	shalt  }
0x61: {  	_ =	shalt  }
0x62: {  	_ =	shalt  }
0x63: {  	_ =	shalt  }
0x64: {  	_ =	shalt  }
0x65: {  	_ =	shalt  }
0x66: {  	_ =	shalt  }
0x67: {  	_ =	shalt  }
0x68: {  	_ =	shalt  }
0x69: {  	_ =	shalt  }
0x6a: {  	_ =	shalt  }
0x6b: {  	_ =	shalt  }
0x6c: {  	_ =	shalt  }
0x6d: {  	_ =	shalt  }
0x6e: {  	_ =	shalt  }
0x6f: {  	_ =	shalt  }
0x70: {  	_ =	shalt  }
0x71: {  	_ =	shalt  }
0x72: {  	_ =	shalt  }
0x73: {  	_ =	shalt  }
0x74: {  	_ =	shalt  }
0x75: {  	_ =	shalt  }
0x76: {  	_ =	shalt  }
0x77: {  	_ =	shalt  }
0x78: {  	_ =	shalt  }
0x79: {  	_ =	shalt  }
0x7a: {  	_ =	shalt  }
0x7b: {  	_ =	shalt  }
0x7c: {  	_ =	shalt  }
0x7d: {  	_ =	shalt  }
0x7e: {  	_ =	shalt  }
0x7f: {  	_ =	shalt  }
0x80: {  	_ =	shalt  }
0x81: {  	_ =	shalt  }
0x82: {  	_ =	shalt  }
0x83: {  	_ =	shalt  }
0x84: {  	_ =	shalt  }
0x85: {  	_ =	shalt  }
0x86: {  	_ =	shalt  }
0x87: {  	_ =	shalt  }
.Lfunc_end0:
.L_simem_size_0:
called_computation_lowered:
.L_overlay_start_0:
0x88: {  	s2 =	sld [smem:$0x3FD9]  }
0x89: {  	s3 =	sld [smem:$0x3FFE];
	_ =	sdelay $0x1  }
0x8a: {  	s1 =	srdreg.scid  }
0x8b: {  	s0 =	sand.u32 $0x1, s1  }
0x8c: {  	s17 =	sshll.u32 s0, $0xA;
	s2 =	sadd.s32 s3, s2  }
0x8d: {  	s2 =	sadd.s32 s2, s17  }
0x8e: {  	[smem:$0x3FC0] =	sst s2  }
0x8f: {  	_ = 	snop  }
0x90: {  	s2 =	sld [smem:$0x3FC9]  }
0x91: {  	s18 =	sld [smem:$0x3FD0];
	(tm) =	ssettm $0x1  }
0x92: {  	s4 =	sld [smem:$0x3FFB];
	_ =	sdelay $0x3  }
0x93: {  	_ =	strace s4  }
0x94: {  	s4 =	sld [smem:$0x3FFC];
	_ =	sdelay $0x3  }
0x95: {  	_ =	strace s4  }
0x96: {  	s4 =	sld [smem:$0x3FFD];
	_ =	sdelay $0x3  }
0x97: {  	_ =	strace s4  }
0x98: {  	_ =	strace $0x8FFFFFFF  }
0x99: {  	s19 =	sld [smem:$0x3FDB];
	_ =	sdelay $0x1  }
0x9a: {  	s5 =	simm.s32 $_scs_section_size  }
0x9b: {  	s6 =	simm.s32 $_size__tile_overlayer_lowered;
	s7 =	simm.s32 $_tile_overlayer_lowered  }
0x9c: {  	s22 =	simm.s32 $0x1BFF;
	s21 =	sshll.u32 s7, $0x1;
	s4 =	sadd.s32 s5, s19  }
0x9d: {  	s8 =	simm.s32 $0x0;
	s20 =	sshll.u32 s6, $0x1;
	s6 =	sadd.s32 s21, s4  }
0x9e: {  	[timem:s8], [sflag:s22] =	dma.local [hbm:s6], s20  }
0x9f: {  	_ =	swait.ge [sflag:s22], s20  }
0xa0: {  	s5 =	ssub.s32 $0x0, s20;
	[sflag:s22] =	ssyncset.done $0x0  }
0xa1: {  	[sflag:s22] =	ssyncadd.s32 s5;
	_ =	sdelay $0x1  }
0xa2: {  	s23 =	simm.s32 $0x1B8B  }
0xa3: {  	_ =	swait.ge [sflag:s23], $0x1  }
0xa4: {  	[sflag:s23] =	ssyncset.done $0x0  }
0xa5: {  	s25 =	simm.s32 $0x1B8E;
	s24 =	sld [smem:$0x3FFE];
	[sflag:s23] =	ssyncadd.s32 $0xFFFFFFFF  }
0xa6: {  	s26 =	simm.s32 $execute0_lowered;
	[smem:$0x3FD2] =	sst s25  }
0xa7: {  	s6 =	sshll.u32 s26, $0x1;
	_ =	strace $0x80000046;
	[dreg:$0x1] =	wrdreg $0xFFFFFFFF  }
0xa8: {  	s28 =	simm.s32 $_size_execute0_lowered;
	s4 =	sadd.s32 s4, s6;
	[dreg:$0x0] =	wrdreg $0x0  }
0xa9: {  	s6 =	sshll.u32 s28, $0x1;
	[dreg:$0x2] =	wrdreg s4  }
0xaa: {  	[dreg:$0x3] =	wrdreg s6  }
0xab: {  	[dreg:$0x4] =	wrdreg $0xC0  }
0xac: {  	_ =	task [dreg:s8], $0x5FFFF  }
0xad: {  	[dreg:$0x1] =	wrdreg $0xFFFFFFFF  }
0xae: {  	[dreg:$0x0] =	wrdreg $0x60  }
0xaf: {  	[dreg:$0x2] =	wrdreg s2  }
0xb0: {  	[dreg:$0x3] =	wrdreg s18  }
0xb1: {  	[dreg:$0x4] =	wrdreg s24  }
0xb2: {  	[dreg:$0x5] =	wrdreg $0x0  }
0xb3: {  	[dreg:$0x6] =	wrdreg $0x1C4000  }
0xb4: {  	[dreg:$0x7] =	wrdreg $0x9  }
0xb5: {  	_ =	task.clear_ibuf [dreg:s8], $0x8FFFF;
	_ =	strace $0x90000046  }
0xb6: {  	s29 =	simm.s32 $0x9;
	_ =	strace $0x8000004B  }
0xb7: {  	_ =	swait.ge [sflag:s29], $0x1  }
0xb8: {  	[sflag:s29] =	ssyncadd.s32 $0xFFFFFFFF  }
0xb9: {  	_ =	strace $0x9000004B  }
0xba: {  	_ =	sfence  }
0xbb: {  	s30 =	sld [smem:$0x0];
	_ =	sdelay $0x2  }
0xbc: {  	s31 =	sshll.u32 s1, $0xD;
	s1 =	sshrl.u32 s1, $0x2  }
0xbd: {  	s3 =	sand.u32 $0x4000, s31;
	s1 =	sadd.s32 s1, s30  }
0xbe: {  	s0 =	sor.u32 s3, s0;
	s1 =	sshll.u32 s1, $0x11  }
0xbf: {  	s0 =	sor.u32 s1, s0  }
0xc0: {  	s0 =	sadd.s32 $0x8F2B, s0  }
0xc1: {  	[sflag:s0] =	ssyncadd.remote.s32 $0x1  }
0xc2: {  	_ =	sfence.sel $0xFFFF  }
0xc3: {  	[dreg:$0x0] =	wrdreg $0xFFFFFFFF;
	(pc) =	sbr.abs _section_cstart, $3  }
0xc4: {  	[dreg:$0x1] =	wrdreg $0xFFFFFFFF  }
0xc5: {  	_ =	task.clear_ibuf [dreg:s8], $0x2FFFF;
	_ =	strace $0x9FFFFFFF  }
0xc6: {  	(tm) =	ssettm $0x7FFFFFFF  }
0xc7: {  	_ =	shalt  }
tec
execute0_lowered:
.L_overlay_start_1:
0x0: {  	(tag) =	ssettag $0x1  }
0x1: {  	s1 =	rddreg [dreg:$0x0]  }
0x2: {  	s0 =	rddreg [dreg:$0x1]  }
0x3: {  	s2 =	rddreg [dreg:$0x2]  }
0x4: {  	s3 =	rddreg [dreg:$0x3]  }
0x5: {  	s4 =	rddreg [dreg:$0x4]  }
0x6: {  	s12 =	stileid.u32;
	s7 =	simm.s32 $0x0;
	s5 =	srdreg.scid  }
0x7: {  	s14 =	simm.s32 $0xA;
	s20 =	simm.s32 $0x14040;
	s21 =	simm.s32 $0x14080  }
0x8: {  	s22 =	simm.s32 $0x140C0;
	s23 =	simm.s32 $0x14100;
	s24 =	simm.s32 $0x14140  }
0x9: {  	s25 =	simm.s32 $0x14180;
	s26 =	simm.s32 $0x141C0;
	s29 =	simm.s32 $0x6  }
0xa: {  	s30 =	simm.s32 $0x3;
	s28 =	simm.s32 $0x0;
	s31 =	simm.s32 $0x14000  }
0xb: {  	s6 =	smul.u32 $0x2800, s12;
	[smem:$0x7FF] =	sst s7;
	s13 =	sadd.s32 $0xC200, s2  }
0xc: {  	s15 =	sadd.s32 $0xEA00, s2;
	_ =	strace $0x80000047;
	[dreg:$0xf] =	wrdreg s13  }
0xd: {  	s5 =	sand.u32 $0x1, s5;
	s16 =	sadd.s32 $0xF000, s2;
	[dreg:$0x10] =	wrdreg s15  }
0xe: {  	s8 =	smul.u32 $0x14000, s12;
	s19 =	sshll.u32 s12, $0x6;
	[dreg:$0x11] =	wrdreg s16  }
0xf: {  	p0 =	seq.s32 s5, $0x0;
	s9 =	smul.u32 $0x140000, s5;
	[dreg:$0x8] =	wrdreg s20  }
0x10: {  	s10 =	smul.u32 $0x28000, s5;
	s5 =	ssub.s32 $0x2, s5;
	[dreg:$0x9] =	wrdreg s21  }
0x11: {  	s12 =	sor.u32 $0x1C0A, s19;
	s16 =	simm.s32 $0x1EC00;
	[dreg:$0xa] =	wrdreg s22  }
0x12: {  	s19 =	simm.s32 $0x40;
	s20 =	simm.s32 $0x14400;
	[dreg:$0xb] =	wrdreg s23  }
0x13: {  	s21 =	simm.s32 $0x16400;
	s22 =	simm.s32 $0x18400;
	[dreg:$0xc] =	wrdreg s24  }
0x14: {  	s23 =	simm.s32 $0x1A400;
	[dreg:$0xd] =	wrdreg s25;
	s24 =	simm.s32 $0x1  }
0x15: {  	[dreg:$0xe] =	wrdreg s26;
	s25 =	simm.s32 $0x5;
	s26 =	simm.s32 $0x2  }
0x16: {  	s13 =	simm.s32 $0x9;
	s7 =	sadd.s32 $0x28000, s6;
	s17 =	sshrl.u32 s5, $0x1  }
0x17: {  	[dreg:$0x15] =	wrdreg s12;
	s7 =	smov.u32 @p0 s6;
	s9 =	sadd.s32 s8, s9  }
0x18: {  	s10 =	sadd.s32 s6, s10;
	s5 =	ssub.s32 s5, s17;
	s8 =	sadd.s32 s8, s3  }
0x19: {  	s6 =	sadd.s32 s6, s4;
	s7 =	sshrl.u32 s7, $0x3;
	s9 =	sshrl.u32 s9, $0x3  }
0x1a: {  	s10 =	sshrl.u32 s10, $0x3;
	s5 =	smax.u32 s5, $0x1;
	s15 =	sshrl.u32 s8, $0x3  }
0x1b: {  	s17 =	sshrl.u32 s6, $0x3;
	s6 =	simm.s32 $0x142C0;
	[dreg:$0x14] =	wrdreg s5  }
0x1c: {  	s8 =	simm.s32 $0x14300;
	s11 =	sadd.s32 s7, s2;
	[dreg:$0x16] =	wrdreg s15  }
0x1d: {  	s9 =	sadd.s32 s9, s2;
	s0 =	sadd.s32 s7, s0;
	[dreg:$0x17] =	wrdreg s17  }
0x1e: {  	s2 =	sadd.s32 s10, s2;
	s9 =	sadd.s32 $0x19200, s9;
	[dreg:$0x7] =	wrdreg s0  }
0x1f: {  	s7 =	simm.s32 $0x8;
	s2 =	sadd.s32 $0xF200, s2;
	[dreg:$0x12] =	wrdreg s9  }
0x20: {  	s10 =	simm.s32 $0x14380;
	s18 =	sadd.s32 $0x2200, s11;
	[dreg:$0x13] =	wrdreg s2  }
0x21: {  	s0 =	simm.s32 $0x7;
	s11 =	simm.s32 $0x143C0;
	[dreg:$0x6] =	wrdreg s18  }
0x22: {  	s18 =	simm.s32 $0x14200;
	s2 =	simm.s32 $0x4;
	s9 =	simm.s32 $0x14340  }
.LBB2_1:
0x23: {  	[dreg:$0x18] =	wrdreg s28  }
0x24: {  	_ =	strace $0x80000048  }
0x25: {  	s5 =	rddreg [dreg:$0xf]  }
0x26: {  	[spmem:s15], [sflag:s12] =	dma.local [hbm:s5], $0x2800  }
0x27: {  	_ =	swait.ge [sflag:s14], $0x2800  }
0x28: {  	[sflag:s14] =	ssyncset.done $0x0  }
0x29: {  	s28 =	rddreg [dreg:$0x10];
	[sflag:s14] =	ssyncadd.s32 $0xFFFFD800  }
0x2a: {  	[spmem:s17], [sflag:s12] =	dma.local [hbm:s28], $0x500  }
0x2b: {  	_ =	swait.ge [sflag:s14], $0x500  }
0x2c: {  	[sflag:s14] =	ssyncset.done $0x0  }
0x2d: {  	s12 =	simm.s32 $0x0;
	s15 =	rddreg [dreg:$0x11];
	[sflag:s14] =	ssyncadd.s32 $0xFFFFFB00  }
0x2e: {  	[tilespmem:s16], [sflag:$0xA] =	stream.linear.gather [hbm4b:s15+s12], $0x400, $0x200038;
	[tilespmem:$0x1F000] =	vst v63  }
0x2f: {  	_ =	swait.ge [sflag:s14], $0x400  }
0x30: {  	[sflag:s14] =	ssyncset.done $0x0  }
0x31: {  	[sflag:s14] =	ssyncadd.s32 $0xFFFFFC00  }
0x32: {  	[bflag:$0x0] =	sbarrier.arrive $0xFFFF  }
0x33: {  	_ =	strace $0x90000048  }
0x34: {  	_ =	strace $0x80000049  }
0x35: {  	s17 =	rddreg [dreg:$0x7]  }
0x36: {  	s15 =	simm.s32 $0x14000;
	s5 =	sadd.s32 $0x0, s17  }
0x37: {  	[tilespmem:s15], [sflag:$0xA] =	stream.linear.gather [hbm4b:s5+s12], $0x200, $0x200038;
	[tilespmem:$0x1F000] =	vst v63  }
0x38: {  	_ =	swait.ge [sflag:s14], $0x200  }
0x39: {  	s28 =	rddreg [dreg:$0x6];
	[sflag:s14] =	ssyncset.done $0x0  }
0x3a: {  	[sflag:s14] =	ssyncadd.s32 $0xFFFFFE00;
	s5 =	sadd.s32 $0x0, s28  }
0x3b: {  	[tilespmem:s18], [sflag:$0xA] =	stream.linear.gather [hbm4b:s5+s12], $0x200, $0x200038;
	[tilespmem:$0x1F000] =	vst v63  }
0x3c: {  	_ =	swait.ge [sflag:s14], $0x200  }
0x3d: {  	[sflag:s14] =	ssyncset.done $0x0  }
0x3e: {  	[sflag:s14] =	ssyncadd.s32 $0xFFFFFE00  }
0x3f: {  	[tilespmem:s20], [sflag:$0x1] =	stream.indirect.gather [hbm4b:s1+s19], $0x80, s15, s19, $0x2000b8;
	[tilespmem:$0x1F000] =	vst v63  }
0x40: {  	s17 =	rddreg [dreg:$0x8]  }
0x41: {  	[tilespmem:s21], [sflag:$0x2] =	stream.indirect.gather [hbm4b:s1+s19], $0x80, s17, s19, $0x2000b8;
	[tilespmem:$0x1F000] =	vst v63  }
0x42: {  	s28 =	rddreg [dreg:$0x9]  }
0x43: {  	[tilespmem:s22], [sflag:$0x3] =	stream.indirect.gather [hbm4b:s1+s19], $0x80, s28, s19, $0x2000b8;
	[tilespmem:$0x1F000] =	vst v63  }
0x44: {  	s15 =	rddreg [dreg:$0xa]  }
0x45: {  	[tilespmem:s23], [sflag:$0x4] =	stream.indirect.gather [hbm4b:s1+s19], $0x80, s15, s19, $0x2000b8;
	[tilespmem:$0x1F000] =	vst v63  }
0x46: {  	_ =	swait.ge [sflag:s24], $0x2000  }
0x47: {  	[sflag:s24] =	ssyncset.done $0x0  }
0x48: {  	[sflag:s24] =	ssyncadd.s32 $0xFFFFE000  }
0x49: {  	[spmem:s3] =	stream.indirect.scatter.add.f32 [tilespmem:s20], [sflag:$0x5], $0x80, s18, s19, $0x2000b8;
	[tilespmem:$0x1F000] =	vst v63  }
0x4a: {  	_ = 	snop  }
0x4b: {  	[spmem:s4] =	stream.indirect.scatter.add.f32 [tilespmem:s16], [sflag:$0x9], $0x10, s18, s19, $0x2000b8;
	[tilespmem:$0x1F000] =	vst v63  }
0x4c: {  	_ =	swait.ge [sflag:s25], $0x2000  }
0x4d: {  	[sflag:s25] =	ssyncset.done $0x0  }
0x4e: {  	s17 =	rddreg [dreg:$0xb];
	[sflag:s25] =	ssyncadd.s32 $0xFFFFE000  }
0x4f: {  	[tilespmem:s20], [sflag:$0x1] =	stream.indirect.gather [hbm4b:s1+s19], $0x80, s17, s19, $0x2000b8;
	[tilespmem:$0x1F000] =	vst v63  }
0x50: {  	_ =	swait.ge [sflag:s26], $0x2000  }
0x51: {  	[sflag:s26] =	ssyncset.done $0x0  }
0x52: {  	s28 =	simm.s32 $0x14240;
	[sflag:s26] =	ssyncadd.s32 $0xFFFFE000  }
0x53: {  	[spmem:s3] =	stream.indirect.scatter.add.f32 [tilespmem:s21], [sflag:$0x6], $0x80, s28, s19, $0x2000b8;
	[tilespmem:$0x1F000] =	vst v63  }
0x54: {  	_ = 	snop  }
0x55: {  	[spmem:s4] =	stream.indirect.scatter.add.f32 [tilespmem:s16], [sflag:$0x9], $0x10, s28, s19, $0x2000b8;
	[tilespmem:$0x1F000] =	vst v63  }
0x56: {  	_ =	swait.ge [sflag:s29], $0x2000  }
0x57: {  	[sflag:s29] =	ssyncset.done $0x0  }
0x58: {  	s12 =	rddreg [dreg:$0xc];
	[sflag:s29] =	ssyncadd.s32 $0xFFFFE000  }
0x59: {  	[tilespmem:s21], [sflag:$0x2] =	stream.indirect.gather [hbm4b:s1+s19], $0x80, s12, s19, $0x2000b8;
	[tilespmem:$0x1F000] =	vst v63  }
0x5a: {  	_ =	swait.ge [sflag:s30], $0x2000  }
0x5b: {  	[sflag:s30] =	ssyncset.done $0x0  }
0x5c: {  	s15 =	simm.s32 $0x14280;
	[sflag:s30] =	ssyncadd.s32 $0xFFFFE000  }
0x5d: {  	[spmem:s3] =	stream.indirect.scatter.add.f32 [tilespmem:s22], [sflag:$0x7], $0x80, s15, s19, $0x2000b8;
	[tilespmem:$0x1F000] =	vst v63  }
0x5e: {  	_ = 	snop  }
0x5f: {  	[spmem:s4] =	stream.indirect.scatter.add.f32 [tilespmem:s16], [sflag:$0x9], $0x10, s15, s19, $0x2000b8;
	[tilespmem:$0x1F000] =	vst v63  }
0x60: {  	_ =	swait.ge [sflag:s0], $0x2000  }
0x61: {  	[sflag:s0] =	ssyncset.done $0x0  }
0x62: {  	s17 =	rddreg [dreg:$0xd];
	[sflag:s0] =	ssyncadd.s32 $0xFFFFE000  }
0x63: {  	[tilespmem:s22], [sflag:$0x3] =	stream.indirect.gather [hbm4b:s1+s19], $0x80, s17, s19, $0x2000b8;
	[tilespmem:$0x1F000] =	vst v63  }
0x64: {  	_ =	swait.ge [sflag:s2], $0x2000  }
0x65: {  	[sflag:s2] =	ssyncset.done $0x0  }
0x66: {  	[sflag:s2] =	ssyncadd.s32 $0xFFFFE000  }
0x67: {  	[spmem:s3] =	stream.indirect.scatter.add.f32 [tilespmem:s23], [sflag:$0x8], $0x80, s6, s19, $0x2000b8;
	[tilespmem:$0x1F000] =	vst v63  }
0x68: {  	_ = 	snop  }
0x69: {  	[spmem:s4] =	stream.indirect.scatter.add.f32 [tilespmem:s16], [sflag:$0x9], $0x10, s6, s19, $0x2000b8;
	[tilespmem:$0x1F000] =	vst v63  }
0x6a: {  	_ =	swait.ge [sflag:s7], $0x2000  }
0x6b: {  	[sflag:s7] =	ssyncset.done $0x0  }
0x6c: {  	s28 =	rddreg [dreg:$0xe];
	[sflag:s7] =	ssyncadd.s32 $0xFFFFE000  }
0x6d: {  	[tilespmem:s23], [sflag:$0x4] =	stream.indirect.gather [hbm4b:s1+s19], $0x80, s28, s19, $0x2000b8;
	[tilespmem:$0x1F000] =	vst v63  }
0x6e: {  	_ =	swait.ge [sflag:s24], $0x2000  }
0x6f: {  	[sflag:s24] =	ssyncset.done $0x0  }
0x70: {  	[sflag:s24] =	ssyncadd.s32 $0xFFFFE000  }
0x71: {  	[spmem:s3] =	stream.indirect.scatter.add.f32 [tilespmem:s20], [sflag:$0x5], $0x80, s8, s19, $0x2000b8;
	[tilespmem:$0x1F000] =	vst v63  }
0x72: {  	_ = 	snop  }
0x73: {  	[spmem:s4] =	stream.indirect.scatter.add.f32 [tilespmem:s16], [sflag:$0x9], $0x10, s8, s19, $0x2000b8;
	[tilespmem:$0x1F000] =	vst v63  }
0x74: {  	_ =	swait.ge [sflag:s26], $0x2000  }
0x75: {  	[sflag:s26] =	ssyncset.done $0x0  }
0x76: {  	[sflag:s26] =	ssyncadd.s32 $0xFFFFE000  }
0x77: {  	[spmem:s3] =	stream.indirect.scatter.add.f32 [tilespmem:s21], [sflag:$0x6], $0x80, s9, s19, $0x2000b8;
	[tilespmem:$0x1F000] =	vst v63  }
0x78: {  	_ = 	snop  }
0x79: {  	[spmem:s4] =	stream.indirect.scatter.add.f32 [tilespmem:s16], [sflag:$0x9], $0x10, s9, s19, $0x2000b8;
	[tilespmem:$0x1F000] =	vst v63  }
0x7a: {  	_ =	swait.ge [sflag:s30], $0x2000  }
0x7b: {  	[sflag:s30] =	ssyncset.done $0x0  }
0x7c: {  	[sflag:s30] =	ssyncadd.s32 $0xFFFFE000  }
0x7d: {  	[spmem:s3] =	stream.indirect.scatter.add.f32 [tilespmem:s22], [sflag:$0x7], $0x80, s10, s19, $0x2000b8;
	[tilespmem:$0x1F000] =	vst v63  }
0x7e: {  	_ = 	snop  }
0x7f: {  	[spmem:s4] =	stream.indirect.scatter.add.f32 [tilespmem:s16], [sflag:$0x9], $0x10, s10, s19, $0x2000b8;
	[tilespmem:$0x1F000] =	vst v63  }
0x80: {  	_ =	swait.ge [sflag:s2], $0x2000  }
0x81: {  	[sflag:s2] =	ssyncset.done $0x0  }
0x82: {  	[sflag:s2] =	ssyncadd.s32 $0xFFFFE000  }
0x83: {  	[spmem:s3] =	stream.indirect.scatter.add.f32 [tilespmem:s23], [sflag:$0x8], $0x80, s11, s19, $0x2000b8;
	[tilespmem:$0x1F000] =	vst v63  }
0x84: {  	_ = 	snop  }
0x85: {  	[spmem:s4] =	stream.indirect.scatter.add.f32 [tilespmem:s16], [sflag:$0x9], $0x10, s11, s19, $0x2000b8;
	[tilespmem:$0x1F000] =	vst v63  }
0x86: {  	_ =	swait.ge [sflag:s25], $0x2000  }
0x87: {  	[sflag:s25] =	ssyncset.done $0x0  }
0x88: {  	[sflag:s25] =	ssyncadd.s32 $0xFFFFE000  }
0x89: {  	_ =	swait.ge [sflag:s29], $0x2000  }
0x8a: {  	[sflag:s29] =	ssyncset.done $0x0  }
0x8b: {  	[sflag:s29] =	ssyncadd.s32 $0xFFFFE000  }
0x8c: {  	_ =	swait.ge [sflag:s0], $0x2000  }
0x8d: {  	[sflag:s0] =	ssyncset.done $0x0  }
0x8e: {  	[sflag:s0] =	ssyncadd.s32 $0xFFFFE000  }
0x8f: {  	_ =	swait.ge [sflag:s7], $0x2000  }
0x90: {  	[sflag:s7] =	ssyncset.done $0x0  }
0x91: {  	[sflag:s7] =	ssyncadd.s32 $0xFFFFE000  }
0x92: {  	_ =	swait.ge [sflag:s13], $0x400  }
0x93: {  	[sflag:s13] =	ssyncset.done $0x0  }
0x94: {  	[sflag:s13] =	ssyncadd.s32 $0xFFFFFC00  }
0x95: {  	_ =	swait.ge [sflag:s13], $0x400  }
0x96: {  	[sflag:s13] =	ssyncset.done $0x0  }
0x97: {  	[sflag:s13] =	ssyncadd.s32 $0xFFFFFC00  }
0x98: {  	_ =	swait.ge [sflag:s13], $0x400  }
0x99: {  	[sflag:s13] =	ssyncset.done $0x0  }
0x9a: {  	[sflag:s13] =	ssyncadd.s32 $0xFFFFFC00  }
0x9b: {  	_ =	swait.ge [sflag:s13], $0x400  }
0x9c: {  	[sflag:s13] =	ssyncset.done $0x0  }
0x9d: {  	[sflag:s13] =	ssyncadd.s32 $0xFFFFFC00  }
0x9e: {  	_ =	swait.ge [sflag:s13], $0x400  }
0x9f: {  	[sflag:s13] =	ssyncset.done $0x0  }
0xa0: {  	[sflag:s13] =	ssyncadd.s32 $0xFFFFFC00  }
0xa1: {  	_ =	swait.ge [sflag:s13], $0x400  }
0xa2: {  	[sflag:s13] =	ssyncset.done $0x0  }
0xa3: {  	[sflag:s13] =	ssyncadd.s32 $0xFFFFFC00  }
0xa4: {  	_ =	swait.ge [sflag:s13], $0x400  }
0xa5: {  	[sflag:s13] =	ssyncset.done $0x0  }
0xa6: {  	[sflag:s13] =	ssyncadd.s32 $0xFFFFFC00  }
0xa7: {  	s12 =	simm.s32 $0x40;
	_ =	swait.ge [sflag:s13], $0x400  }
0xa8: {  	s15 =	simm.s32 $0x80;
	s5 =	rddreg [dreg:$0x7];
	[sflag:s13] =	ssyncset.done $0x0  }
.LBB2_2:
0xa9: {  	[sflag:s13] =	ssyncadd.s32 $0xFFFFFC00;
	s5 =	sadd.s32 s12, s5;
	s28 =	simm.s32 $0x0  }
0xaa: {  	[tilespmem:s31], [sflag:$0xA] =	stream.linear.gather [hbm4b:s5+s28], $0x200, $0x200038;
	[tilespmem:$0x1F000] =	vst v63  }
0xab: {  	_ =	swait.ge [sflag:s14], $0x200  }
0xac: {  	s5 =	rddreg [dreg:$0x6];
	[sflag:s14] =	ssyncset.done $0x0  }
0xad: {  	[sflag:s14] =	ssyncadd.s32 $0xFFFFFE00;
	s5 =	sadd.s32 s12, s5  }
0xae: {  	[tilespmem:s18], [sflag:$0xA] =	stream.linear.gather [hbm4b:s5+s28], $0x200, $0x200038;
	[tilespmem:$0x1F000] =	vst v63  }
0xaf: {  	_ =	swait.ge [sflag:s14], $0x200  }
0xb0: {  	[sflag:s14] =	ssyncset.done $0x0  }
0xb1: {  	[sflag:s14] =	ssyncadd.s32 $0xFFFFFE00  }
0xb2: {  	[tilespmem:s20], [sflag:$0x1] =	stream.indirect.gather [hbm4b:s1+s19], $0x80, s31, s19, $0x2000b8;
	[tilespmem:$0x1F000] =	vst v63  }
0xb3: {  	s17 =	smov.u32 s15;
	s28 =	rddreg [dreg:$0x8]  }
0xb4: {  	[tilespmem:s21], [sflag:$0x2] =	stream.indirect.gather [hbm4b:s1+s19], $0x80, s28, s19, $0x2000b8;
	[tilespmem:$0x1F000] =	vst v63  }
0xb5: {  	s12 =	smov.u32 s17;
	s17 =	rddreg [dreg:$0x9]  }
0xb6: {  	[tilespmem:s22], [sflag:$0x3] =	stream.indirect.gather [hbm4b:s1+s19], $0x80, s17, s19, $0x2000b8;
	[tilespmem:$0x1F000] =	vst v63  }
0xb7: {  	s28 =	rddreg [dreg:$0xa]  }
0xb8: {  	[tilespmem:s23], [sflag:$0x4] =	stream.indirect.gather [hbm4b:s1+s19], $0x80, s28, s19, $0x2000b8;
	[tilespmem:$0x1F000] =	vst v63  }
0xb9: {  	_ =	swait.ge [sflag:s24], $0x2000  }
0xba: {  	[sflag:s24] =	ssyncset.done $0x0  }
0xbb: {  	[sflag:s24] =	ssyncadd.s32 $0xFFFFE000  }
0xbc: {  	[spmem:s3] =	stream.indirect.scatter.add.f32 [tilespmem:s20], [sflag:$0x5], $0x80, s18, s19, $0x2000b8;
	[tilespmem:$0x1F000] =	vst v63  }
0xbd: {  	_ = 	snop  }
0xbe: {  	[spmem:s4] =	stream.indirect.scatter.add.f32 [tilespmem:s16], [sflag:$0x9], $0x10, s18, s19, $0x2000b8;
	[tilespmem:$0x1F000] =	vst v63  }
0xbf: {  	_ =	swait.ge [sflag:s25], $0x2000  }
0xc0: {  	[sflag:s25] =	ssyncset.done $0x0  }
0xc1: {  	s17 =	rddreg [dreg:$0xb];
	[sflag:s25] =	ssyncadd.s32 $0xFFFFE000  }
0xc2: {  	[tilespmem:s20], [sflag:$0x1] =	stream.indirect.gather [hbm4b:s1+s19], $0x80, s17, s19, $0x2000b8;
	[tilespmem:$0x1F000] =	vst v63  }
0xc3: {  	_ =	swait.ge [sflag:s26], $0x2000  }
0xc4: {  	[sflag:s26] =	ssyncset.done $0x0  }
0xc5: {  	s28 =	simm.s32 $0x14240;
	[sflag:s26] =	ssyncadd.s32 $0xFFFFE000  }
0xc6: {  	[spmem:s3] =	stream.indirect.scatter.add.f32 [tilespmem:s21], [sflag:$0x6], $0x80, s28, s19, $0x2000b8;
	[tilespmem:$0x1F000] =	vst v63  }
0xc7: {  	_ = 	snop  }
0xc8: {  	[spmem:s4] =	stream.indirect.scatter.add.f32 [tilespmem:s16], [sflag:$0x9], $0x10, s28, s19, $0x2000b8;
	[tilespmem:$0x1F000] =	vst v63  }
0xc9: {  	_ =	swait.ge [sflag:s29], $0x2000  }
0xca: {  	[sflag:s29] =	ssyncset.done $0x0  }
0xcb: {  	s17 =	rddreg [dreg:$0xc];
	[sflag:s29] =	ssyncadd.s32 $0xFFFFE000  }
0xcc: {  	[tilespmem:s21], [sflag:$0x2] =	stream.indirect.gather [hbm4b:s1+s19], $0x80, s17, s19, $0x2000b8;
	[tilespmem:$0x1F000] =	vst v63  }
0xcd: {  	_ =	swait.ge [sflag:s30], $0x2000  }
0xce: {  	[sflag:s30] =	ssyncset.done $0x0  }
0xcf: {  	s28 =	simm.s32 $0x14280;
	[sflag:s30] =	ssyncadd.s32 $0xFFFFE000  }
0xd0: {  	[spmem:s3] =	stream.indirect.scatter.add.f32 [tilespmem:s22], [sflag:$0x7], $0x80, s28, s19, $0x2000b8;
	[tilespmem:$0x1F000] =	vst v63  }
0xd1: {  	_ = 	snop  }
0xd2: {  	[spmem:s4] =	stream.indirect.scatter.add.f32 [tilespmem:s16], [sflag:$0x9], $0x10, s28, s19, $0x2000b8;
	[tilespmem:$0x1F000] =	vst v63  }
0xd3: {  	_ =	swait.ge [sflag:s0], $0x2000  }
0xd4: {  	[sflag:s0] =	ssyncset.done $0x0  }
0xd5: {  	s17 =	rddreg [dreg:$0xd];
	[sflag:s0] =	ssyncadd.s32 $0xFFFFE000  }
0xd6: {  	[tilespmem:s22], [sflag:$0x3] =	stream.indirect.gather [hbm4b:s1+s19], $0x80, s17, s19, $0x2000b8;
	[tilespmem:$0x1F000] =	vst v63  }
0xd7: {  	_ =	swait.ge [sflag:s2], $0x2000  }
0xd8: {  	[sflag:s2] =	ssyncset.done $0x0  }
0xd9: {  	[sflag:s2] =	ssyncadd.s32 $0xFFFFE000  }
0xda: {  	[spmem:s3] =	stream.indirect.scatter.add.f32 [tilespmem:s23], [sflag:$0x8], $0x80, s6, s19, $0x2000b8;
	[tilespmem:$0x1F000] =	vst v63  }
0xdb: {  	_ = 	snop  }
0xdc: {  	[spmem:s4] =	stream.indirect.scatter.add.f32 [tilespmem:s16], [sflag:$0x9], $0x10, s6, s19, $0x2000b8;
	[tilespmem:$0x1F000] =	vst v63  }
0xdd: {  	_ =	swait.ge [sflag:s7], $0x2000  }
0xde: {  	[sflag:s7] =	ssyncset.done $0x0  }
0xdf: {  	s28 =	rddreg [dreg:$0xe];
	[sflag:s7] =	ssyncadd.s32 $0xFFFFE000  }
0xe0: {  	[tilespmem:s23], [sflag:$0x4] =	stream.indirect.gather [hbm4b:s1+s19], $0x80, s28, s19, $0x2000b8;
	[tilespmem:$0x1F000] =	vst v63  }
0xe1: {  	_ =	swait.ge [sflag:s24], $0x2000  }
0xe2: {  	[sflag:s24] =	ssyncset.done $0x0  }
0xe3: {  	[sflag:s24] =	ssyncadd.s32 $0xFFFFE000  }
0xe4: {  	[spmem:s3] =	stream.indirect.scatter.add.f32 [tilespmem:s20], [sflag:$0x5], $0x80, s8, s19, $0x2000b8;
	[tilespmem:$0x1F000] =	vst v63  }
0xe5: {  	_ = 	snop  }
0xe6: {  	[spmem:s4] =	stream.indirect.scatter.add.f32 [tilespmem:s16], [sflag:$0x9], $0x10, s8, s19, $0x2000b8;
	[tilespmem:$0x1F000] =	vst v63  }
0xe7: {  	_ =	swait.ge [sflag:s26], $0x2000  }
0xe8: {  	[sflag:s26] =	ssyncset.done $0x0  }
0xe9: {  	[sflag:s26] =	ssyncadd.s32 $0xFFFFE000  }
0xea: {  	[spmem:s3] =	stream.indirect.scatter.add.f32 [tilespmem:s21], [sflag:$0x6], $0x80, s9, s19, $0x2000b8;
	[tilespmem:$0x1F000] =	vst v63  }
0xeb: {  	_ = 	snop  }
0xec: {  	[spmem:s4] =	stream.indirect.scatter.add.f32 [tilespmem:s16], [sflag:$0x9], $0x10, s9, s19, $0x2000b8;
	[tilespmem:$0x1F000] =	vst v63  }
0xed: {  	_ =	swait.ge [sflag:s30], $0x2000  }
0xee: {  	[sflag:s30] =	ssyncset.done $0x0  }
0xef: {  	[sflag:s30] =	ssyncadd.s32 $0xFFFFE000  }
0xf0: {  	[spmem:s3] =	stream.indirect.scatter.add.f32 [tilespmem:s22], [sflag:$0x7], $0x80, s10, s19, $0x2000b8;
	[tilespmem:$0x1F000] =	vst v63  }
0xf1: {  	_ = 	snop  }
0xf2: {  	[spmem:s4] =	stream.indirect.scatter.add.f32 [tilespmem:s16], [sflag:$0x9], $0x10, s10, s19, $0x2000b8;
	[tilespmem:$0x1F000] =	vst v63  }
0xf3: {  	_ =	swait.ge [sflag:s2], $0x2000  }
0xf4: {  	[sflag:s2] =	ssyncset.done $0x0  }
0xf5: {  	[sflag:s2] =	ssyncadd.s32 $0xFFFFE000  }
0xf6: {  	[spmem:s3] =	stream.indirect.scatter.add.f32 [tilespmem:s23], [sflag:$0x8], $0x80, s11, s19, $0x2000b8;
	[tilespmem:$0x1F000] =	vst v63  }
0xf7: {  	_ = 	snop  }
0xf8: {  	[spmem:s4] =	stream.indirect.scatter.add.f32 [tilespmem:s16], [sflag:$0x9], $0x10, s11, s19, $0x2000b8;
	[tilespmem:$0x1F000] =	vst v63  }
0xf9: {  	_ =	swait.ge [sflag:s25], $0x2000  }
0xfa: {  	[sflag:s25] =	ssyncset.done $0x0  }
0xfb: {  	[sflag:s25] =	ssyncadd.s32 $0xFFFFE000  }
0xfc: {  	_ =	swait.ge [sflag:s29], $0x2000  }
0xfd: {  	[sflag:s29] =	ssyncset.done $0x0  }
0xfe: {  	[sflag:s29] =	ssyncadd.s32 $0xFFFFE000  }
0xff: {  	_ =	swait.ge [sflag:s0], $0x2000  }
0x100: {  	[sflag:s0] =	ssyncset.done $0x0  }
0x101: {  	[sflag:s0] =	ssyncadd.s32 $0xFFFFE000  }
0x102: {  	_ =	swait.ge [sflag:s7], $0x2000  }
0x103: {  	[sflag:s7] =	ssyncset.done $0x0  }
0x104: {  	[sflag:s7] =	ssyncadd.s32 $0xFFFFE000  }
0x105: {  	_ =	swait.ge [sflag:s13], $0x400  }
0x106: {  	[sflag:s13] =	ssyncset.done $0x0  }
0x107: {  	[sflag:s13] =	ssyncadd.s32 $0xFFFFFC00  }
0x108: {  	_ =	swait.ge [sflag:s13], $0x400  }
0x109: {  	[sflag:s13] =	ssyncset.done $0x0  }
0x10a: {  	[sflag:s13] =	ssyncadd.s32 $0xFFFFFC00  }
0x10b: {  	_ =	swait.ge [sflag:s13], $0x400  }
0x10c: {  	[sflag:s13] =	ssyncset.done $0x0  }
0x10d: {  	[sflag:s13] =	ssyncadd.s32 $0xFFFFFC00  }
0x10e: {  	_ =	swait.ge [sflag:s13], $0x400  }
0x10f: {  	[sflag:s13] =	ssyncset.done $0x0  }
0x110: {  	[sflag:s13] =	ssyncadd.s32 $0xFFFFFC00  }
0x111: {  	_ =	swait.ge [sflag:s13], $0x400  }
0x112: {  	[sflag:s13] =	ssyncset.done $0x0  }
0x113: {  	[sflag:s13] =	ssyncadd.s32 $0xFFFFFC00  }
0x114: {  	_ =	swait.ge [sflag:s13], $0x400  }
0x115: {  	[sflag:s13] =	ssyncset.done $0x0  }
0x116: {  	p0 =	sne.s32 s15, $0x4C0;
	[sflag:s13] =	ssyncadd.s32 $0xFFFFFC00  }
.Ltmp0:
0x117: {  	_ =	swait.ge [sflag:s13], $0x400;
	(pc) =	sbr.rel @p0 .LBB2_2-.Ltmp0, $4  }
0x118: {  	[sflag:s13] =	ssyncset.done $0x0  }
0x119: {  	[sflag:s13] =	ssyncadd.s32 $0xFFFFFC00  }
0x11a: {  	_ =	swait.ge [sflag:s13], $0x400  }
0x11b: {  	s15 =	sadd.s32 $0x40, s15;
	s5 =	rddreg [dreg:$0x7];
	[sflag:s13] =	ssyncset.done $0x0  }
0x11c: {  	[sflag:s13] =	ssyncadd.s32 $0xFFFFFC00  }
0x11d: {  	s5 =	sadd.s32 s12, s5;
	s15 =	simm.s32 $0x0;
	s17 =	simm.s32 $0x14000  }
0x11e: {  	[tilespmem:s17], [sflag:$0xA] =	stream.linear.gather [hbm4b:s5+s15], $0x200, $0x200038;
	[tilespmem:$0x1F000] =	vst v63  }
0x11f: {  	_ =	swait.ge [sflag:s14], $0x200  }
0x120: {  	s5 =	rddreg [dreg:$0x6];
	[sflag:s14] =	ssyncset.done $0x0  }
0x121: {  	[sflag:s14] =	ssyncadd.s32 $0xFFFFFE00;
	s5 =	sadd.s32 s12, s5  }
0x122: {  	[tilespmem:s18], [sflag:$0xA] =	stream.linear.gather [hbm4b:s5+s15], $0x200, $0x200038;
	[tilespmem:$0x1F000] =	vst v63  }
0x123: {  	_ =	swait.ge [sflag:s14], $0x200  }
0x124: {  	[sflag:s14] =	ssyncset.done $0x0  }
0x125: {  	[sflag:s14] =	ssyncadd.s32 $0xFFFFFE00  }
0x126: {  	[tilespmem:s20], [sflag:$0x1] =	stream.indirect.gather [hbm4b:s1+s19], $0x80, s17, s19, $0x2000b8;
	[tilespmem:$0x1F000] =	vst v63  }
0x127: {  	s15 =	rddreg [dreg:$0x8]  }
0x128: {  	[tilespmem:s21], [sflag:$0x2] =	stream.indirect.gather [hbm4b:s1+s19], $0x80, s15, s19, $0x2000b8;
	[tilespmem:$0x1F000] =	vst v63  }
0x129: {  	s17 =	rddreg [dreg:$0x9]  }
0x12a: {  	[tilespmem:s22], [sflag:$0x3] =	stream.indirect.gather [hbm4b:s1+s19], $0x80, s17, s19, $0x2000b8;
	[tilespmem:$0x1F000] =	vst v63  }
0x12b: {  	s15 =	rddreg [dreg:$0xa]  }
0x12c: {  	[tilespmem:s23], [sflag:$0x4] =	stream.indirect.gather [hbm4b:s1+s19], $0x80, s15, s19, $0x2000b8;
	[tilespmem:$0x1F000] =	vst v63  }
0x12d: {  	_ =	swait.ge [sflag:s24], $0x2000  }
0x12e: {  	[sflag:s24] =	ssyncset.done $0x0  }
0x12f: {  	[sflag:s24] =	ssyncadd.s32 $0xFFFFE000  }
0x130: {  	[spmem:s3] =	stream.indirect.scatter.add.f32 [tilespmem:s20], [sflag:$0x5], $0x80, s18, s19, $0x2000b8;
	[tilespmem:$0x1F000] =	vst v63  }
0x131: {  	_ = 	snop  }
0x132: {  	[spmem:s4] =	stream.indirect.scatter.add.f32 [tilespmem:s16], [sflag:$0x9], $0x10, s18, s19, $0x2000b8;
	[tilespmem:$0x1F000] =	vst v63  }
0x133: {  	_ =	swait.ge [sflag:s25], $0x2000  }
0x134: {  	[sflag:s25] =	ssyncset.done $0x0  }
0x135: {  	s17 =	rddreg [dreg:$0xb];
	[sflag:s25] =	ssyncadd.s32 $0xFFFFE000  }
0x136: {  	[tilespmem:s20], [sflag:$0x1] =	stream.indirect.gather [hbm4b:s1+s19], $0x80, s17, s19, $0x2000b8;
	[tilespmem:$0x1F000] =	vst v63  }
0x137: {  	_ =	swait.ge [sflag:s26], $0x2000  }
0x138: {  	[sflag:s26] =	ssyncset.done $0x0  }
0x139: {  	s12 =	simm.s32 $0x14240;
	[sflag:s26] =	ssyncadd.s32 $0xFFFFE000  }
0x13a: {  	[spmem:s3] =	stream.indirect.scatter.add.f32 [tilespmem:s21], [sflag:$0x6], $0x80, s12, s19, $0x2000b8;
	[tilespmem:$0x1F000] =	vst v63  }
0x13b: {  	_ = 	snop  }
0x13c: {  	[spmem:s4] =	stream.indirect.scatter.add.f32 [tilespmem:s16], [sflag:$0x9], $0x10, s12, s19, $0x2000b8;
	[tilespmem:$0x1F000] =	vst v63  }
0x13d: {  	_ =	swait.ge [sflag:s29], $0x2000  }
0x13e: {  	[sflag:s29] =	ssyncset.done $0x0  }
0x13f: {  	s15 =	rddreg [dreg:$0xc];
	[sflag:s29] =	ssyncadd.s32 $0xFFFFE000  }
0x140: {  	[tilespmem:s21], [sflag:$0x2] =	stream.indirect.gather [hbm4b:s1+s19], $0x80, s15, s19, $0x2000b8;
	[tilespmem:$0x1F000] =	vst v63  }
0x141: {  	_ =	swait.ge [sflag:s30], $0x2000  }
0x142: {  	[sflag:s30] =	ssyncset.done $0x0  }
0x143: {  	s17 =	simm.s32 $0x14280;
	[sflag:s30] =	ssyncadd.s32 $0xFFFFE000  }
0x144: {  	[spmem:s3] =	stream.indirect.scatter.add.f32 [tilespmem:s22], [sflag:$0x7], $0x80, s17, s19, $0x2000b8;
	[tilespmem:$0x1F000] =	vst v63  }
0x145: {  	_ = 	snop  }
0x146: {  	[spmem:s4] =	stream.indirect.scatter.add.f32 [tilespmem:s16], [sflag:$0x9], $0x10, s17, s19, $0x2000b8;
	[tilespmem:$0x1F000] =	vst v63  }
0x147: {  	_ =	swait.ge [sflag:s0], $0x2000  }
0x148: {  	[sflag:s0] =	ssyncset.done $0x0  }
0x149: {  	s12 =	rddreg [dreg:$0xd];
	[sflag:s0] =	ssyncadd.s32 $0xFFFFE000  }
0x14a: {  	[tilespmem:s22], [sflag:$0x3] =	stream.indirect.gather [hbm4b:s1+s19], $0x80, s12, s19, $0x2000b8;
	[tilespmem:$0x1F000] =	vst v63  }
0x14b: {  	_ =	swait.ge [sflag:s2], $0x2000  }
0x14c: {  	[sflag:s2] =	ssyncset.done $0x0  }
0x14d: {  	[sflag:s2] =	ssyncadd.s32 $0xFFFFE000  }
0x14e: {  	[spmem:s3] =	stream.indirect.scatter.add.f32 [tilespmem:s23], [sflag:$0x8], $0x80, s6, s19, $0x2000b8;
	[tilespmem:$0x1F000] =	vst v63  }
0x14f: {  	_ = 	snop  }
0x150: {  	[spmem:s4] =	stream.indirect.scatter.add.f32 [tilespmem:s16], [sflag:$0x9], $0x10, s6, s19, $0x2000b8;
	[tilespmem:$0x1F000] =	vst v63  }
0x151: {  	_ =	swait.ge [sflag:s7], $0x2000  }
0x152: {  	[sflag:s7] =	ssyncset.done $0x0  }
0x153: {  	s15 =	rddreg [dreg:$0xe];
	[sflag:s7] =	ssyncadd.s32 $0xFFFFE000  }
0x154: {  	[tilespmem:s23], [sflag:$0x4] =	stream.indirect.gather [hbm4b:s1+s19], $0x80, s15, s19, $0x2000b8;
	[tilespmem:$0x1F000] =	vst v63  }
0x155: {  	_ =	swait.ge [sflag:s24], $0x2000  }
0x156: {  	[sflag:s24] =	ssyncset.done $0x0  }
0x157: {  	[sflag:s24] =	ssyncadd.s32 $0xFFFFE000  }
0x158: {  	[spmem:s3] =	stream.indirect.scatter.add.f32 [tilespmem:s20], [sflag:$0x5], $0x80, s8, s19, $0x2000b8;
	[tilespmem:$0x1F000] =	vst v63  }
0x159: {  	_ = 	snop  }
0x15a: {  	[spmem:s4] =	stream.indirect.scatter.add.f32 [tilespmem:s16], [sflag:$0x9], $0x10, s8, s19, $0x2000b8;
	[tilespmem:$0x1F000] =	vst v63  }
0x15b: {  	_ =	swait.ge [sflag:s26], $0x2000  }
0x15c: {  	[sflag:s26] =	ssyncset.done $0x0  }
0x15d: {  	[sflag:s26] =	ssyncadd.s32 $0xFFFFE000  }
0x15e: {  	[spmem:s3] =	stream.indirect.scatter.add.f32 [tilespmem:s21], [sflag:$0x6], $0x80, s9, s19, $0x2000b8;
	[tilespmem:$0x1F000] =	vst v63  }
0x15f: {  	_ = 	snop  }
0x160: {  	[spmem:s4] =	stream.indirect.scatter.add.f32 [tilespmem:s16], [sflag:$0x9], $0x10, s9, s19, $0x2000b8;
	[tilespmem:$0x1F000] =	vst v63  }
0x161: {  	_ =	swait.ge [sflag:s30], $0x2000  }
0x162: {  	[sflag:s30] =	ssyncset.done $0x0  }
0x163: {  	[sflag:s30] =	ssyncadd.s32 $0xFFFFE000  }
0x164: {  	[spmem:s3] =	stream.indirect.scatter.add.f32 [tilespmem:s22], [sflag:$0x7], $0x80, s10, s19, $0x2000b8;
	[tilespmem:$0x1F000] =	vst v63  }
0x165: {  	_ = 	snop  }
0x166: {  	[spmem:s4] =	stream.indirect.scatter.add.f32 [tilespmem:s16], [sflag:$0x9], $0x10, s10, s19, $0x2000b8;
	[tilespmem:$0x1F000] =	vst v63  }
0x167: {  	_ =	swait.ge [sflag:s2], $0x2000  }
0x168: {  	[sflag:s2] =	ssyncset.done $0x0  }
0x169: {  	[sflag:s2] =	ssyncadd.s32 $0xFFFFE000  }
0x16a: {  	[spmem:s3] =	stream.indirect.scatter.add.f32 [tilespmem:s23], [sflag:$0x8], $0x80, s11, s19, $0x2000b8;
	[tilespmem:$0x1F000] =	vst v63  }
0x16b: {  	_ = 	snop  }
0x16c: {  	[spmem:s4] =	stream.indirect.scatter.add.f32 [tilespmem:s16], [sflag:$0x9], $0x10, s11, s19, $0x2000b8;
	[tilespmem:$0x1F000] =	vst v63  }
0x16d: {  	_ =	swait.ge [sflag:s25], $0x2000  }
0x16e: {  	[sflag:s25] =	ssyncset.done $0x0  }
0x16f: {  	[sflag:s25] =	ssyncadd.s32 $0xFFFFE000  }
0x170: {  	_ =	swait.ge [sflag:s29], $0x2000  }
0x171: {  	[sflag:s29] =	ssyncset.done $0x0  }
0x172: {  	[sflag:s29] =	ssyncadd.s32 $0xFFFFE000  }
0x173: {  	_ =	swait.ge [sflag:s0], $0x2000  }
0x174: {  	[sflag:s0] =	ssyncset.done $0x0  }
0x175: {  	[sflag:s0] =	ssyncadd.s32 $0xFFFFE000  }
0x176: {  	_ =	swait.ge [sflag:s7], $0x2000  }
0x177: {  	[sflag:s7] =	ssyncset.done $0x0  }
0x178: {  	[sflag:s7] =	ssyncadd.s32 $0xFFFFE000  }
0x179: {  	_ =	swait.ge [sflag:s13], $0x400  }
0x17a: {  	[sflag:s13] =	ssyncset.done $0x0  }
0x17b: {  	[sflag:s13] =	ssyncadd.s32 $0xFFFFFC00  }
0x17c: {  	_ =	swait.ge [sflag:s13], $0x400  }
0x17d: {  	[sflag:s13] =	ssyncset.done $0x0  }
0x17e: {  	[sflag:s13] =	ssyncadd.s32 $0xFFFFFC00  }
0x17f: {  	_ =	swait.ge [sflag:s13], $0x400  }
0x180: {  	[sflag:s13] =	ssyncset.done $0x0  }
0x181: {  	[sflag:s13] =	ssyncadd.s32 $0xFFFFFC00  }
0x182: {  	_ =	swait.ge [sflag:s13], $0x400  }
0x183: {  	[sflag:s13] =	ssyncset.done $0x0  }
0x184: {  	[sflag:s13] =	ssyncadd.s32 $0xFFFFFC00  }
0x185: {  	_ =	swait.ge [sflag:s13], $0x400  }
0x186: {  	[sflag:s13] =	ssyncset.done $0x0  }
0x187: {  	[sflag:s13] =	ssyncadd.s32 $0xFFFFFC00  }
0x188: {  	_ =	swait.ge [sflag:s13], $0x400  }
0x189: {  	[sflag:s13] =	ssyncset.done $0x0  }
0x18a: {  	[sflag:s13] =	ssyncadd.s32 $0xFFFFFC00  }
0x18b: {  	_ =	swait.ge [sflag:s13], $0x400  }
0x18c: {  	[sflag:s13] =	ssyncset.done $0x0  }
0x18d: {  	[sflag:s13] =	ssyncadd.s32 $0xFFFFFC00  }
0x18e: {  	_ =	swait.ge [sflag:s13], $0x400  }
0x18f: {  	[sflag:s13] =	ssyncset.done $0x0  }
0x190: {  	[sflag:s13] =	ssyncadd.s32 $0xFFFFFC00  }
0x191: {  	_ =	strace $0x90000049  }
0x192: {  	_ =	strace $0x8000004A  }
0x193: {  	[bflag:$0x0] =	sbarrier.arrive $0xFFFF  }
0x194: {  	s17 =	rddreg [dreg:$0x12]  }
0x195: {  	s12 =	rddreg [dreg:$0x15]  }
0x196: {  	s15 =	rddreg [dreg:$0x16]  }
0x197: {  	[hbm:s17], [sflag:s12] =	dma.local [spmem:s15], $0x2800  }
0x198: {  	_ =	swait.ge [sflag:s14], $0x2800  }
0x199: {  	[sflag:s14] =	ssyncset.done $0x0;
	s5 =	rddreg [dreg:$0x13]  }
0x19a: {  	s17 =	rddreg [dreg:$0x17];
	[sflag:s14] =	ssyncadd.s32 $0xFFFFD800  }
0x19b: {  	[hbm:s5], [sflag:s12] =	dma.local [spmem:s17], $0x500  }
0x19c: {  	_ =	swait.ge [sflag:s14], $0x500  }
0x19d: {  	s28 =	rddreg [dreg:$0x18]  }
0x19e: {  	s5 =	rddreg [dreg:$0x14];
	s28 =	sadd.s32 $0x1, s28  }
0x19f: {  	p0 =	sne.s32 s28, s5  }
.Ltmp1:
0x1a0: {  	_ = 	snop;
	(pc) =	sbr.rel @p0 .LBB2_1-.Ltmp1, $4  }
0x1a1: {  	_ = 	snop  }
0x1a2: {  	[sflag:s14] =	ssyncset.done $0x0  }
0x1a3: {  	[sflag:s14] =	ssyncadd.s32 $0xFFFFFB00  }
0x1a4: {  	_ =	strace $0x9000004A  }
0x1a5: {  	_ =	sfence.sel $0x180000  }
0x1a6: {  	[bflag:$0x0] =	sbarrier.arrive $0xFFFF  }
0x1a7: {  	_ =	strace $0x90000047  }
0x1a8: {  	s0 =	stileid.u32;
	[bflag:$0x2] =	sbarrier.arrive $0xFFFF  }
0x1a9: {  	p0 =	sne.s32 s0, $0x0;
	s0 =	rddreg [dreg:$0x5]  }
0x1aa: {  	s0 =	sadd.s32 @!p0 $0x100000, s0  }
0x1ab: {  	[sflag:s0] =	ssyncadd.tile.s32 @!p0 $0x1;
	_ =	shalt  }
.Lfunc_end2:
_tile_overlayer_lowered:
.L_overlay_start_2:
0x1ac: {  	(tag) =	ssettag $0x2  }
0x1ad: {  	s0 =	rddreg [dreg:$0x0];
	s2 =	stileid.u32  }
0x1ae: {  	s1 =	rddreg [dreg:$0x1];
	p0 =	sne.s32 s2, $0x0  }
0x1af: {  	s3 =	rddreg [dreg:$0x2];
	[bflag:$0x3] =	sbarrier.arrive $0xFFFF;
	s2 =	simm.s32 @!p0 $0x1C0A  }
0x1b0: {  	[timem:s3], [sflag:s2] =	dma.local @!p0 [hbm:s0], s1  }
0x1b1: {  	s0 =	simm.s32 @!p0 $0xA  }
0x1b2: {  	_ =	swait.ge @!p0 [sflag:s0], s1  }
0x1b3: {  	s1 =	ssub.s32 @!p0 $0x0, s1;
	[sflag:s0] =	ssyncset.done @!p0 $0x0  }
0x1b4: {  	[sflag:s0] =	ssyncadd.s32 @!p0 s1  }
0x1b5: {  	[bflag:$0x3] =	sbarrier.arrive $0xFFFF  }
0x1b6: {  	_ =	shalt  }

</sc_bundles>
